<compile_context>
chip_gen: v7x
topology: tpu7x:2x2x1
jax: 0.10.2.dev20260603
libtpu: 0.0.44.dev20260713+nightly
codegen_flags: <defaults>
</compile_context>

<pallas_src>
import functools

import jax
import jax.numpy as jnp
from jax import lax
from jax.experimental import pallas as pl
from jax.experimental.pallas import tpu as pltpu
from jax.experimental.pallas import tpu_sc as plsc

N = 10000
E = 160000
D_IN = 256
D_HID = 256
D_OUT = 128
BETA = 0.5

NC = 2
NS = 16
L = 16

CH = 128
NCHUNK = 1280
EP = NCHUNK * CH
NA = 10240
APT = NA // NS
WB = N // NS
NW = 40
BLK = 2000
GRID = N // BLK

_mesh = plsc.VectorSubcoreMesh(core_axis_name="c", subcore_axis_name="s")


def _fill(ref, n, vec):
    def body(i, _):
        ref[pl.ds(i * L, L)] = vec
        return 0
    lax.fori_loop(0, n // L, body, 0)


@functools.partial(
    pl.kernel,
    out_type=jax.ShapeDtypeStruct((NC, NA), jnp.float32),
    mesh=_mesh,
    scratch_types=[
        pltpu.VMEM((NCHUNK // NS, CH), jnp.int32),
        pltpu.VMEM((CH,), jnp.float32),
        pltpu.VMEM((APT,), jnp.float32),
        pltpu.VMEM_SHARED((NA,), jnp.float32),
    ],
)
def _deg_kernel(colh_hbm, colt_hbm, deg_out, idx_v, ones_v, zeros_v, acc):
    c = lax.axis_index("c")
    t = lax.axis_index("s")
    cpt = NCHUNK // NS
    _fill(ones_v, CH, jnp.ones((L,), jnp.float32))
    _fill(zeros_v, APT, jnp.zeros((L,), jnp.float32))
    pltpu.sync_copy(zeros_v, acc.at[pl.ds(t * APT, APT)])

    @pl.when(c == 0)
    def _():
        pltpu.sync_copy(colh_hbm.at[pl.ds(t * cpt, cpt)], idx_v)

    @pl.when(c == 1)
    def _():
        pltpu.sync_copy(colt_hbm.at[pl.ds(t * cpt, cpt)], idx_v)

    plsc.subcore_barrier()

    def body(j, _):
        pltpu.sync_copy(ones_v, acc.at[idx_v.at[j]], add=True)
        return 0
    lax.fori_loop(0, cpt, body, 0)

    plsc.subcore_barrier()
    pltpu.sync_copy(acc.at[pl.ds(t * APT, APT)],
                    deg_out.at[c, pl.ds(t * APT, APT)])


def _make_conv(split_features):
    cpt = NCHUNK // NS if split_features else NCHUNK // (NC * NS)

    @functools.partial(
        pl.kernel,
        out_type=[jax.ShapeDtypeStruct((NC, NA, 128), jnp.float32)] * 2,
        mesh=_mesh,
        scratch_types=[
            pltpu.VMEM((NW, CH), jnp.int32),
            pltpu.VMEM((NW, CH), jnp.int32),
            pltpu.VMEM((CH, 128), jnp.float32),
            pltpu.VMEM((CH, 128), jnp.float32),
            pltpu.VMEM_SHARED((NA, 128), jnp.float32),
            pltpu.SemaphoreType.DMA,
            pltpu.SemaphoreType.DMA,
        ],
    )
    def conv(gh_hbm, gt_hbm, rowh0, rowh1, colh, rowt0, rowt1, colt,
             outh, outt, idxr, idxc, bufa, bufb, acc, sema, semb):
        c = lax.axis_index("c")
        t = lax.axis_index("s")

        base = t * cpt if split_features else c * (NCHUNK // NC) + t * cpt

        def one_conv(g_hbm, row0_hbm, row1_hbm, col_hbm, out_hbm):
            def zb(i, _):
                bufa[i // 8, pl.ds((i % 8) * L, L)] = jnp.zeros((L,),
                                                                jnp.float32)
                return 0
            lax.fori_loop(0, CH * 8, zb, 0)
            for z in range(APT // CH):
                pltpu.sync_copy(bufa, acc.at[pl.ds(t * APT + z * CH, CH)])
            plsc.subcore_barrier()

            for w in range(cpt // NW):
                wbase = base + w * NW

                @pl.when(c == 0)
                def _():
                    pltpu.sync_copy(row0_hbm.at[pl.ds(wbase, NW)], idxr)

                @pl.when(c == 1)
                def _():
                    pltpu.sync_copy(row1_hbm.at[pl.ds(wbase, NW)], idxr)

                pltpu.sync_copy(col_hbm.at[pl.ds(wbase, NW)], idxc)

                pltpu.async_copy(g_hbm.at[idxr.at[0]], bufa, sema)

                def step(jj, _):
                    c0 = 2 * jj
                    c1 = 2 * jj + 1
                    pltpu.make_async_copy(g_hbm.at[idxr.at[0]], bufa,
                                          sema).wait()
                    pltpu.async_copy(g_hbm.at[idxr.at[c1]], bufb, semb)
                    pltpu.sync_copy(bufa, acc.at[idxc.at[c0]], add=True)
                    pltpu.make_async_copy(g_hbm.at[idxr.at[0]], bufb,
                                          semb).wait()
                    nxt = jnp.minimum(c0 + 2, NW - 1)
                    pltpu.async_copy(g_hbm.at[idxr.at[nxt]], bufa, sema)
                    pltpu.sync_copy(bufb, acc.at[idxc.at[c1]], add=True)
                    return 0
                lax.fori_loop(0, NW // 2, step, 0)
                pltpu.make_async_copy(g_hbm.at[idxr.at[0]], bufa, sema).wait()

            plsc.subcore_barrier()
            pltpu.sync_copy(acc.at[pl.ds(t * APT, APT)],
                            out_hbm.at[c, pl.ds(t * APT, APT)])
            plsc.subcore_barrier()

        one_conv(gh_hbm, rowh0, rowh1, colh, outh)
        one_conv(gt_hbm, rowt0, rowt1, colt, outt)

    return conv


_conv_l1 = _make_conv(True)
_conv_l2 = _make_conv(False)


def _dinv(d):
    return jnp.where(d > 0.0, lax.rsqrt(jnp.where(d > 0.0, d, 1.0)), 0.0)


def _prep1_body(x_ref, w_ref, deg_ref, c1_ref, gh_ref, gt_ref):
    t = jnp.dot(x_ref[...], w_ref[...], preferred_element_type=jnp.float32,
                precision=lax.Precision.DEFAULT)
    deg = deg_ref[...]
    dh = _dinv(deg[:, 0])[:, None]
    dt = _dinv(deg[:, 1])[:, None]
    c1_ref[...] = t[:, :D_HID]
    gh_ref[...] = (t[:, D_HID:2 * D_HID] * dh).reshape(2 * BLK, 128)
    gt_ref[...] = (t[:, 2 * D_HID:] * dt).reshape(2 * BLK, 128)


def _combine1_body(c1_ref, ah_ref, at_ref, deg_ref, w_ref,
                   c2_ref, gh2_ref, gt2_ref):
    deg = deg_ref[...]
    dh = _dinv(deg[:, 0])[:, None]
    dt = _dinv(deg[:, 1])[:, None]
    ah = jnp.concatenate([ah_ref[0], ah_ref[1]], axis=1)
    at = jnp.concatenate([at_ref[0], at_ref[1]], axis=1)
    h = c1_ref[...] + BETA * dh * ah + (1.0 - BETA) * dt * at
    h = jnp.maximum(h, 0.0)
    t2 = jnp.dot(h, w_ref[...], preferred_element_type=jnp.float32,
                 precision=lax.Precision.DEFAULT)
    c2_ref[...] = t2[:, :D_OUT]
    gh2_ref[...] = t2[:, D_OUT:2 * D_OUT] * dh
    gt2_ref[...] = t2[:, 2 * D_OUT:] * dt


def _combine2_body(c2_ref, ph_ref, pt_ref, deg_ref, probs_ref, logits_ref):
    deg = deg_ref[...]
    dh = _dinv(deg[:, 0])[:, None]
    dt = _dinv(deg[:, 1])[:, None]
    f = (c2_ref[...]
         + BETA * dh * (ph_ref[0] + ph_ref[1])
         + (1.0 - BETA) * dt * (pt_ref[0] + pt_ref[1]))
    m = jnp.max(f, axis=1, keepdims=True)
    e = jnp.exp(f - m)
    s = jnp.sum(e, axis=1, keepdims=True)
    probs_ref[...] = e / s
    logits_ref[...] = (f - m) - jnp.log(s)


def _row_spec(w):
    return pl.BlockSpec((BLK, w), lambda i: (i, 0))


def _pair_spec(w):
    return pl.BlockSpec((2, BLK, w), lambda i: (0, i, 0))


_deg_spec = pl.BlockSpec((BLK, 2), lambda i: (i, 0))


def _full_spec(h, w):
    return pl.BlockSpec((h, w), lambda i: (0, 0))


def _pad_idx(ei):
    npad = EP - E
    padr = (jnp.arange(npad, dtype=jnp.int32) * 97) % N
    padc = N + jnp.arange(npad, dtype=jnp.int32) % (NA - N)
    rows = jnp.concatenate([ei[0], padr]).reshape(NCHUNK, CH)
    cols = jnp.concatenate([ei[1], padc]).reshape(NCHUNK, CH)
    return rows, cols


def kernel(x, homo_edge_index, hetero_edge_index,
           W_center1, W_homo1, W_hetero1, W_center2, W_homo2, W_hetero2):
    rh, ch = _pad_idx(homo_edge_index)
    rt, ct = _pad_idx(hetero_edge_index)
    rh2, rt2 = rh * 2, rt * 2

    deg = _deg_kernel(ch, ct).T

    w1 = jnp.concatenate([W_center1, W_homo1, W_hetero1], axis=1)
    c1, gh1, gt1 = pl.pallas_call(
        _prep1_body,
        grid=(GRID,),
        in_specs=[_row_spec(D_IN), _full_spec(D_IN, 3 * D_HID), _deg_spec],
        out_specs=[_row_spec(D_HID),
                   pl.BlockSpec((2 * BLK, 128), lambda i: (i, 0)),
                   pl.BlockSpec((2 * BLK, 128), lambda i: (i, 0))],
        out_shape=[jax.ShapeDtypeStruct((N, D_HID), jnp.float32),
                   jax.ShapeDtypeStruct((2 * N, 128), jnp.float32),
                   jax.ShapeDtypeStruct((2 * N, 128), jnp.float32)],
    )(x, w1, deg)

    a_h1, a_t1 = _conv_l1(gh1, gt1,
                          rh2, rh2 + 1, ch, rt2, rt2 + 1, ct)

    w2 = jnp.concatenate([W_center2, W_homo2, W_hetero2], axis=1)
    c2, gh2, gt2 = pl.pallas_call(
        _combine1_body,
        grid=(GRID,),
        in_specs=[_row_spec(D_HID), _pair_spec(128), _pair_spec(128),
                  _deg_spec, _full_spec(D_HID, 3 * D_OUT)],
        out_specs=[_row_spec(D_OUT)] * 3,
        out_shape=[jax.ShapeDtypeStruct((N, D_OUT), jnp.float32)] * 3,
    )(c1, a_h1, a_t1, deg, w2)

    p_h2, p_t2 = _conv_l2(gh2, gt2, rh, rh, ch, rt, rt, ct)

    probs, logits = pl.pallas_call(
        _combine2_body,
        grid=(GRID,),
        in_specs=[_row_spec(D_OUT), _pair_spec(D_OUT), _pair_spec(D_OUT),
                  _deg_spec],
        out_specs=[_row_spec(D_OUT)] * 2,
        out_shape=[jax.ShapeDtypeStruct((N, D_OUT), jnp.float32)] * 2,
    )(c2, p_h2, p_t2, deg)

    return (probs, logits)

# --- scband reference (transcript-rebuilt; emitter-appended) ---
"""Pipeline reference for scband-group-gcn-87205015978656 (READ-ONLY COPY).

The authoritative reference and input builder live on the scoring server;
editing this copy changes nothing except your own understanding.
"""

import jax, jax.numpy as jnp
import numpy as np

N = 10000
E = 160000
D_IN = 256
D_HID = 256
D_OUT = 128
BETA = 0.5


def gcn_conv(x, edge_index, W):
    # PyG GCNConv with add_self_loops=False, bias=False, normalize=True
    row = edge_index[0]
    col = edge_index[1]
    n = x.shape[0]
    ew = jnp.ones((edge_index.shape[1],), dtype=x.dtype)
    deg = jnp.zeros((n,), dtype=x.dtype).at[col].add(ew)
    deg_inv_sqrt = jnp.where(deg > 0, 1.0 / jnp.sqrt(jnp.where(deg > 0, deg, 1.0)), 0.0)
    norm = deg_inv_sqrt[row] * ew * deg_inv_sqrt[col]
    h = x @ W
    msg = h[row] * norm[:, None]
    out = jnp.zeros((n, W.shape[1]), dtype=x.dtype).at[col].add(msg)
    return out


def setup_inputs(seed: int = 0) -> dict:
    key = jax.random.key(seed)
    ks = jax.random.split(key, 10)
    x = jax.random.normal(ks[0], (N, D_IN), dtype=jnp.float32)
    homo_edge_index = jax.random.randint(ks[1], (2, E), 0, N, dtype=jnp.int64 if jax.config.jax_enable_x64 else jnp.int32).astype(jnp.int32)
    hetero_edge_index = jax.random.randint(ks[2], (2, E), 0, N).astype(jnp.int32)
    s1 = 1.0 / np.sqrt(D_IN)
    s2 = 1.0 / np.sqrt(D_HID)
    W_center1 = jax.random.normal(ks[3], (D_IN, D_HID), dtype=jnp.float32) * s1
    W_homo1 = jax.random.normal(ks[4], (D_IN, D_HID), dtype=jnp.float32) * s1
    W_hetero1 = jax.random.normal(ks[5], (D_IN, D_HID), dtype=jnp.float32) * s1
    W_center2 = jax.random.normal(ks[6], (D_HID, D_OUT), dtype=jnp.float32) * s2
    W_homo2 = jax.random.normal(ks[7], (D_HID, D_OUT), dtype=jnp.float32) * s2
    W_hetero2 = jax.random.normal(ks[8], (D_HID, D_OUT), dtype=jnp.float32) * s2
    return {
        "x": x,
        "homo_edge_index": homo_edge_index,
        "hetero_edge_index": hetero_edge_index,
        "W_center1": W_center1,
        "W_homo1": W_homo1,
        "W_hetero1": W_hetero1,
        "W_center2": W_center2,
        "W_homo2": W_homo2,
        "W_hetero2": W_hetero2,
    }


def reference(x, homo_edge_index, hetero_edge_index, W_center1, W_homo1, W_hetero1, W_center2, W_homo2, W_hetero2):
    # dropout is identity in eval mode
    center1 = x @ W_center1
    h_homo = gcn_conv(x, homo_edge_index, W_homo1)
    h_hetero = gcn_conv(x, hetero_edge_index, W_hetero1)
    h = center1 + BETA * h_homo + (1.0 - BETA) * h_hetero
    h = jax.nn.relu(h)
    center2 = h @ W_center2
    h_homo2 = gcn_conv(h, homo_edge_index, W_homo2)
    h_hetero2 = gcn_conv(h, hetero_edge_index, W_hetero2)
    h_final = center2 + BETA * h_homo2 + (1.0 - BETA) * h_hetero2
    logits = jax.nn.log_softmax(h_final, axis=1)
    probs = jax.nn.softmax(h_final, axis=1)
    return (probs, logits)

if __name__ == "__main__":
    import jax
    _d = setup_inputs()
    print(jax.jit(kernel)(*tuple(_d.values())))

</pallas_src>

<mosaic_0001>
#map = affine_map<(d0, d1) -> (0, 0)>
module attributes {stable_mosaic.version = 14 : i64} {
  func.func @_deg_kernel(%arg0: i32, %arg1: i32, %arg2: memref<1280x128xi32, #tpu.memory_space<hbm>>, %arg3: memref<1280x128xi32, #tpu.memory_space<hbm>>, %arg4: memref<2x10240xf32, #tpu.memory_space<hbm>>, %arg5: memref<80x128xi32, #tpu.memory_space<vmem>>, %arg6: memref<128xf32, #tpu.memory_space<vmem>>, %arg7: memref<640xf32, #tpu.memory_space<vmem>>, %arg8: memref<10240xf32, #tpu.memory_space<vmem_shared>>) attributes {dimension_semantics = [#tpu.dimension_semantics<core_parallel>, #tpu.dimension_semantics<subcore_parallel>], iteration_bounds = array<i64: 2, 16>, scalar_prefetch = 0 : i64, scratch_operands = 4 : i64, tpu.core_type = #tpu.core_type<sc_vector_subcore>, window_params = [{transform_indices = #map}, {transform_indices = #map}, {transform_indices = #map}]} {
    %broadcast_in_dim3A = arith.constant 1.000000e+00 : f32
    %broadcast_in_dim3A_0 = vector.broadcast %broadcast_in_dim3A : f32 to vector<16xf32>
    %scan3A = arith.constant 0 : i32
    %scan3A_1 = arith.constant 0 : i32
    %scan3A_2 = arith.constant 8 : i32
    %scan3A_3 = arith.addi %scan3A_1, %scan3A_2 : i32
    %scan3A_4 = arith.constant 1 : i32
    %scan3A_5 = scf.for %scan3A_36 = %scan3A_1 to %scan3A_3 step %scan3A_4 iter_args(%scan3A_37 = %scan3A) -> (i32)  : i32 {
      %mul3A_38 = arith.constant 16 : i32
      %mul3A_39 = arith.muli %scan3A_36, %mul3A_38 : i32
      %swap3A = arith.index_cast %mul3A_39 : i32 to index
      %swap3A_40 = tpu.vector_load %arg6[%swap3A] {strides = array<i32>} : memref<128xf32, #tpu.memory_space<vmem>>, vector<16xf32>,
      %swap3A_41 = vector.shape_cast %swap3A_40 : vector<16xf32> to vector<16xf32>
      %swap3A_42 = vector.shape_cast %broadcast_in_dim3A_0 : vector<16xf32> to vector<16xf32>
      tpu.vector_store %arg6[%swap3A], %swap3A_42 {strides = array<i32>} : memref<128xf32, #tpu.memory_space<vmem>>, vector<16xf32>,
      %scan3A_43 = arith.constant 0 : i32
      scf.yield %scan3A_43 : i32
    }
    %scan3A_6 = arith.constant 8 : i32
    %broadcast_in_dim3A_7 = arith.constant 0.000000e+00 : f32
    %broadcast_in_dim3A_8 = vector.broadcast %broadcast_in_dim3A_7 : f32 to vector<16xf32>
    %scan3A_9 = arith.constant 0 : i32
    %scan3A_10 = arith.constant 0 : i32
    %scan3A_11 = arith.constant 40 : i32
    %scan3A_12 = arith.addi %scan3A_10, %scan3A_11 : i32
    %scan3A_13 = arith.constant 1 : i32
    %scan3A_14 = scf.for %scan3A_36 = %scan3A_10 to %scan3A_12 step %scan3A_13 iter_args(%scan3A_37 = %scan3A_9) -> (i32)  : i32 {
      %mul3A_38 = arith.constant 16 : i32
      %mul3A_39 = arith.muli %scan3A_36, %mul3A_38 : i32
      %swap3A = arith.index_cast %mul3A_39 : i32 to index
      %swap3A_40 = tpu.vector_load %arg7[%swap3A] {strides = array<i32>} : memref<640xf32, #tpu.memory_space<vmem>>, vector<16xf32>,
      %swap3A_41 = vector.shape_cast %swap3A_40 : vector<16xf32> to vector<16xf32>
      %swap3A_42 = vector.shape_cast %broadcast_in_dim3A_8 : vector<16xf32> to vector<16xf32>
      tpu.vector_store %arg7[%swap3A], %swap3A_42 {strides = array<i32>} : memref<640xf32, #tpu.memory_space<vmem>>, vector<16xf32>,
      %scan3A_43 = arith.constant 0 : i32
      scf.yield %scan3A_43 : i32
    }
    %scan3A_15 = arith.constant 40 : i32
    %mul3A = arith.constant 640 : i32
    %mul3A_16 = arith.muli %arg1, %mul3A : i32
    "tpu.region"() ({
      %run_scoped3A = tpu.sem_alloc : memref<!tpu.dma_semaphore, #tpu.memory_space<semaphore_mem>>
      %dma_start3A = tpu.memref_slice %arg8[%mul3A_16] : memref<10240xf32, #tpu.memory_space<vmem_shared>> -> memref<640xf32, #tpu.memory_space<vmem_shared>>
      %dma_start3A_36 = tpu.memref_slice %arg8[%mul3A_16] : memref<10240xf32, #tpu.memory_space<vmem_shared>> -> memref<640xf32, #tpu.memory_space<vmem_shared>>
      tpu.enqueue_dma source(%arg7 : memref<640xf32, #tpu.memory_space<vmem>>) target(%dma_start3A_36 : memref<640xf32, #tpu.memory_space<vmem_shared>>) target_semaphore(%run_scoped3A : memref<!tpu.dma_semaphore, #tpu.memory_space<semaphore_mem>>)
      %dma_wait3A = tpu.memref_slice %arg8[%mul3A_16] : memref<10240xf32, #tpu.memory_space<vmem_shared>> -> memref<640xf32, #tpu.memory_space<vmem_shared>>
      %dma_wait3A_37 = tpu.memref_slice %arg8[%mul3A_16] : memref<10240xf32, #tpu.memory_space<vmem_shared>> -> memref<640xf32, #tpu.memory_space<vmem_shared>>
      tpu.wait_dma2 semaphore(%run_scoped3A : memref<!tpu.dma_semaphore, #tpu.memory_space<semaphore_mem>>) src(%arg7 : memref<640xf32, #tpu.memory_space<vmem>>) dst(%dma_wait3A_37 : memref<640xf32, #tpu.memory_space<vmem_shared>>)
      tpu.yield
    }) : () -> ()
    %eq3A = arith.constant 0 : i32
    %eq3A_17 = arith.cmpi eq, %arg0, %eq3A : i32
    %convert_element_type3A = arith.extui %eq3A_17 : i1 to i32
    %cond3A = arith.constant 0 : i32
    %cond3A_18 = arith.cmpi ne, %convert_element_type3A, %cond3A : i32
    scf.if %cond3A_18 {
      %mul3A_36 = arith.constant 80 : i32
      %mul3A_37 = arith.muli %arg1, %mul3A_36 : i32
      "tpu.region"() ({
        %run_scoped3A = tpu.sem_alloc : memref<!tpu.dma_semaphore, #tpu.memory_space<semaphore_mem>>
        %dma_start3A = arith.constant 0 : i32
        %dma_start3A_38 = tpu.memref_slice %arg2[%mul3A_37, %dma_start3A] : memref<1280x128xi32, #tpu.memory_space<hbm>> -> memref<80x128xi32, #tpu.memory_space<hbm>>
        %dma_start3A_39 = arith.constant 0 : i32
        %dma_start3A_40 = tpu.memref_slice %arg2[%mul3A_37, %dma_start3A_39] : memref<1280x128xi32, #tpu.memory_space<hbm>> -> memref<80x128xi32, #tpu.memory_space<hbm>>
        tpu.enqueue_dma source(%dma_start3A_40 : memref<80x128xi32, #tpu.memory_space<hbm>>) target(%arg5 : memref<80x128xi32, #tpu.memory_space<vmem>>) target_semaphore(%run_scoped3A : memref<!tpu.dma_semaphore, #tpu.memory_space<semaphore_mem>>)
        %dma_wait3A = arith.constant 0 : i32
        %dma_wait3A_41 = tpu.memref_slice %arg2[%mul3A_37, %dma_wait3A] : memref<1280x128xi32, #tpu.memory_space<hbm>> -> memref<80x128xi32, #tpu.memory_space<hbm>>
        %dma_wait3A_42 = arith.constant 0 : i32
        %dma_wait3A_43 = tpu.memref_slice %arg2[%mul3A_37, %dma_wait3A_42] : memref<1280x128xi32, #tpu.memory_space<hbm>> -> memref<80x128xi32, #tpu.memory_space<hbm>>
        tpu.wait_dma2 semaphore(%run_scoped3A : memref<!tpu.dma_semaphore, #tpu.memory_space<semaphore_mem>>) src(%dma_wait3A_43 : memref<80x128xi32, #tpu.memory_space<hbm>>) dst(%arg5 : memref<80x128xi32, #tpu.memory_space<vmem>>)
        tpu.yield
      }) : () -> ()
    } else {
    }
    %eq3A_19 = arith.constant 1 : i32
    %eq3A_20 = arith.cmpi eq, %arg0, %eq3A_19 : i32
    %convert_element_type3A_21 = arith.extui %eq3A_20 : i1 to i32
    %cond3A_22 = arith.constant 0 : i32
    %cond3A_23 = arith.cmpi ne, %convert_element_type3A_21, %cond3A_22 : i32
    scf.if %cond3A_23 {
      %mul3A_36 = arith.constant 80 : i32
      %mul3A_37 = arith.muli %arg1, %mul3A_36 : i32
      "tpu.region"() ({
        %run_scoped3A = tpu.sem_alloc : memref<!tpu.dma_semaphore, #tpu.memory_space<semaphore_mem>>
        %dma_start3A = arith.constant 0 : i32
        %dma_start3A_38 = tpu.memref_slice %arg3[%mul3A_37, %dma_start3A] : memref<1280x128xi32, #tpu.memory_space<hbm>> -> memref<80x128xi32, #tpu.memory_space<hbm>>
        %dma_start3A_39 = arith.constant 0 : i32
        %dma_start3A_40 = tpu.memref_slice %arg3[%mul3A_37, %dma_start3A_39] : memref<1280x128xi32, #tpu.memory_space<hbm>> -> memref<80x128xi32, #tpu.memory_space<hbm>>
        tpu.enqueue_dma source(%dma_start3A_40 : memref<80x128xi32, #tpu.memory_space<hbm>>) target(%arg5 : memref<80x128xi32, #tpu.memory_space<vmem>>) target_semaphore(%run_scoped3A : memref<!tpu.dma_semaphore, #tpu.memory_space<semaphore_mem>>)
        %dma_wait3A = arith.constant 0 : i32
        %dma_wait3A_41 = tpu.memref_slice %arg3[%mul3A_37, %dma_wait3A] : memref<1280x128xi32, #tpu.memory_space<hbm>> -> memref<80x128xi32, #tpu.memory_space<hbm>>
        %dma_wait3A_42 = arith.constant 0 : i32
        %dma_wait3A_43 = tpu.memref_slice %arg3[%mul3A_37, %dma_wait3A_42] : memref<1280x128xi32, #tpu.memory_space<hbm>> -> memref<80x128xi32, #tpu.memory_space<hbm>>
        tpu.wait_dma2 semaphore(%run_scoped3A : memref<!tpu.dma_semaphore, #tpu.memory_space<semaphore_mem>>) src(%dma_wait3A_43 : memref<80x128xi32, #tpu.memory_space<hbm>>) dst(%arg5 : memref<80x128xi32, #tpu.memory_space<vmem>>)
        tpu.yield
      }) : () -> ()
    } else {
    }
    %barrier3A = arith.constant 0 : index
    tpu.barrier barrier_id(%barrier3A)
    %scan3A_24 = arith.constant 0 : i32
    %scan3A_25 = arith.constant 0 : i32
    %scan3A_26 = arith.constant 80 : i32
    %scan3A_27 = arith.addi %scan3A_25, %scan3A_26 : i32
    %scan3A_28 = arith.constant 1 : i32
    %scan3A_29 = scf.for %scan3A_36 = %scan3A_25 to %scan3A_27 step %scan3A_28 iter_args(%scan3A_37 = %scan3A_24) -> (i32)  : i32 {
      "tpu.region"() ({
        %run_scoped3A = tpu.sem_alloc : memref<!tpu.dma_semaphore, #tpu.memory_space<semaphore_mem>>
        %dma_start3A = arith.constant 0 : i32
        %dma_start3A_39 = tpu.memref_slice %arg5[%scan3A_36, %dma_start3A] : memref<80x128xi32, #tpu.memory_space<vmem>> -> memref<1x128xi32, #tpu.memory_space<vmem>>
        %dma_start3A_40 = tpu.memref_squeeze %dma_start3A_39 : memref<1x128xi32, #tpu.memory_space<vmem>> -> memref<128xi32, #tpu.memory_space<vmem>>
        %dma_start3A_41 = arith.constant 0 : i32
        %dma_start3A_42 = tpu.memref_slice %arg8[%dma_start3A_41] : memref<10240xf32, #tpu.memory_space<vmem_shared>> -> memref<10240xf32, #tpu.memory_space<vmem_shared>>
        tpu.enqueue_indirect_dma source(%arg6 : memref<128xf32, #tpu.memory_space<vmem>>) target(%dma_start3A_42 : memref<10240xf32, #tpu.memory_space<vmem_shared>>) offsets(%dma_start3A_40 : memref<128xi32, #tpu.memory_space<vmem>>) semaphore(%run_scoped3A : memref<!tpu.dma_semaphore, #tpu.memory_space<semaphore_mem>>) {add = true}
        %dma_wait3A = arith.constant 0 : i32
        %dma_wait3A_43 = tpu.memref_slice %arg5[%scan3A_36, %dma_wait3A] : memref<80x128xi32, #tpu.memory_space<vmem>> -> memref<1x128xi32, #tpu.memory_space<vmem>>
        %dma_wait3A_44 = tpu.memref_squeeze %dma_wait3A_43 : memref<1x128xi32, #tpu.memory_space<vmem>> -> memref<128xi32, #tpu.memory_space<vmem>>
        %dma_wait3A_45 = arith.constant 0 : i32
        %dma_wait3A_46 = tpu.memref_slice %arg8[%dma_wait3A_45] : memref<10240xf32, #tpu.memory_space<vmem_shared>> -> memref<10240xf32, #tpu.memory_space<vmem_shared>>
        tpu.wait_indirect_dma semaphore(%run_scoped3A : memref<!tpu.dma_semaphore, #tpu.memory_space<semaphore_mem>>) src(%arg6 : memref<128xf32, #tpu.memory_space<vmem>>) dst(%dma_wait3A_46 : memref<10240xf32, #tpu.memory_space<vmem_shared>>)
        tpu.yield
      }) : () -> ()
      %scan3A_38 = arith.constant 0 : i32
      scf.yield %scan3A_38 : i32
    }
    %scan3A_30 = arith.constant 80 : i32
    %barrier3A_31 = arith.constant 0 : index
    tpu.barrier barrier_id(%barrier3A_31)
    %mul3A_32 = arith.constant 640 : i32
    %mul3A_33 = arith.muli %arg1, %mul3A_32 : i32
    %mul3A_34 = arith.constant 640 : i32
    %mul3A_35 = arith.muli %arg1, %mul3A_34 : i32
    "tpu.region"() ({
      %run_scoped3A = tpu.sem_alloc : memref<!tpu.dma_semaphore, #tpu.memory_space<semaphore_mem>>
      %dma_start3A = tpu.memref_slice %arg4[%arg0, %mul3A_35] : memref<2x10240xf32, #tpu.memory_space<hbm>> -> memref<1x640xf32, #tpu.memory_space<hbm>>
      %dma_start3A_36 = tpu.memref_squeeze %dma_start3A : memref<1x640xf32, #tpu.memory_space<hbm>> -> memref<640xf32, #tpu.memory_space<hbm>>
      %dma_start3A_37 = tpu.memref_slice %arg8[%mul3A_33] : memref<10240xf32, #tpu.memory_space<vmem_shared>> -> memref<640xf32, #tpu.memory_space<vmem_shared>>
      tpu.enqueue_dma source(%dma_start3A_37 : memref<640xf32, #tpu.memory_space<vmem_shared>>) target(%dma_start3A_36 : memref<640xf32, #tpu.memory_space<hbm>>) target_semaphore(%run_scoped3A : memref<!tpu.dma_semaphore, #tpu.memory_space<semaphore_mem>>)
      %dma_wait3A = tpu.memref_slice %arg4[%arg0, %mul3A_35] : memref<2x10240xf32, #tpu.memory_space<hbm>> -> memref<1x640xf32, #tpu.memory_space<hbm>>
      %dma_wait3A_38 = tpu.memref_squeeze %dma_wait3A : memref<1x640xf32, #tpu.memory_space<hbm>> -> memref<640xf32, #tpu.memory_space<hbm>>
      %dma_wait3A_39 = tpu.memref_slice %arg8[%mul3A_33] : memref<10240xf32, #tpu.memory_space<vmem_shared>> -> memref<640xf32, #tpu.memory_space<vmem_shared>>
      tpu.wait_dma2 semaphore(%run_scoped3A : memref<!tpu.dma_semaphore, #tpu.memory_space<semaphore_mem>>) src(%dma_wait3A_39 : memref<640xf32, #tpu.memory_space<vmem_shared>>) dst(%dma_wait3A_38 : memref<640xf32, #tpu.memory_space<hbm>>)
      tpu.yield
    }) : () -> ()
    return
  }
}

#map = affine_map<(d0, d1) -> (0, 0)>
#map1 = affine_map<(d0, d1) -> (0, 0, 0)>
module attributes {stable_mosaic.version = 14 : i64} {
  func.func @conv(%arg0: i32, %arg1: i32, %arg2: memref<10000x128xf32, #tpu.memory_space<hbm>>, %arg3: memref<10000x128xf32, #tpu.memory_space<hbm>>, %arg4: memref<1280x128xi32, #tpu.memory_space<hbm>>, %arg5: memref<1280x128xi32, #tpu.memory_space<hbm>>, %arg6: memref<1280x128xi32, #tpu.memory_space<hbm>>, %arg7: memref<1280x128xi32, #tpu.memory_space<hbm>>, %arg8: memref<1280x128xi32, #tpu.memory_space<hbm>>, %arg9: memref<1280x128xi32, #tpu.memory_space<hbm>>, %arg10: memref<2x10240x128xf32, #tpu.memory_space<hbm>>, %arg11: memref<2x10240x128xf32, #tpu.memory_space<hbm>>, %arg12: memref<40x128xi32, #tpu.memory_space<vmem>>, %arg13: memref<40x128xi32, #tpu.memory_space<vmem>>, %arg14: memref<128x128xf32, #tpu.memory_space<vmem>>, %arg15: memref<128x128xf32, #tpu.memory_space<vmem>>, %arg16: memref<10240x128xf32, #tpu.memory_space<vmem_shared>>, %arg17: memref<!tpu.dma_semaphore, #tpu.memory_space<semaphore_mem>>, %arg18: memref<!tpu.dma_semaphore, #tpu.memory_space<semaphore_mem>>) attributes {dimension_semantics = [#tpu.dimension_semantics<core_parallel>, #tpu.dimension_semantics<subcore_parallel>], iteration_bounds = array<i64: 2, 16>, scalar_prefetch = 0 : i64, scratch_operands = 7 : i64, tpu.core_type = #tpu.core_type<sc_vector_subcore>, window_params = [{transform_indices = #map}, {transform_indices = #map}, {transform_indices = #map}, {transform_indices = #map}, {transform_indices = #map}, {transform_indices = #map}, {transform_indices = #map}, {transform_indices = #map}, {transform_indices = #map1}, {transform_indices = #map1}]} {
    %mul3A = arith.constant 640 : i32
    %mul3A_0 = arith.muli %arg0, %mul3A : i32
    %mul3A_1 = arith.constant 40 : i32
    %mul3A_2 = arith.muli %arg1, %mul3A_1 : i32
    %add3A = arith.addi %mul3A_0, %mul3A_2 : i32
    %scan3A = arith.constant 0 : i32
    %scan3A_3 = arith.constant 0 : i32
    %scan3A_4 = arith.constant 1024 : i32
    %scan3A_5 = arith.addi %scan3A_3, %scan3A_4 : i32
    %scan3A_6 = arith.constant 1 : i32
    %scan3A_7 = scf.for %scan3A_130 = %scan3A_3 to %scan3A_5 step %scan3A_6 iter_args(%scan3A_131 = %scan3A) -> (i32)  : i32 {
      %broadcast_in_dim3A = arith.constant 0.000000e+00 : f32
      %broadcast_in_dim3A_132 = vector.broadcast %broadcast_in_dim3A : f32 to vector<16xf32>
      %jit3A = arith.constant 8 : i32
      %div3A = arith.divsi %scan3A_130, %jit3A : i32
      %sign3A = arith.constant 0 : i32
      %sign3A_133 = arith.cmpi sgt, %scan3A_130, %sign3A : i32
      %sign3A_134 = arith.extui %sign3A_133 : i1 to i32
      %sign3A_135 = arith.constant 0 : i32
      %sign3A_136 = arith.cmpi slt, %scan3A_130, %sign3A_135 : i32
      %sign3A_137 = arith.extui %sign3A_136 : i1 to i32
      %sign3A_138 = arith.subi %sign3A_134, %sign3A_137 : i32
      %sign3A_139 = arith.constant 0 : i32
      %sign3A_140 = arith.cmpi sgt, %jit3A, %sign3A_139 : i32
      %sign3A_141 = arith.extui %sign3A_140 : i1 to i32
      %sign3A_142 = arith.constant 0 : i32
      %sign3A_143 = arith.cmpi slt, %jit3A, %sign3A_142 : i32
      %sign3A_144 = arith.extui %sign3A_143 : i1 to i32
      %sign3A_145 = arith.subi %sign3A_141, %sign3A_144 : i32
      %ne3A = arith.cmpi ne, %sign3A_138, %sign3A_145 : i32
      %rem3A = arith.remsi %scan3A_130, %jit3A : i32
      %ne3A_146 = arith.constant 0 : i32
      %ne3A_147 = arith.cmpi ne, %rem3A, %ne3A_146 : i32
      %and3A = arith.andi %ne3A, %ne3A_147 : i1
      %sub3A = arith.constant 1 : i32
      %sub3A_148 = arith.subi %div3A, %sub3A : i32
      %select_n3A = arith.select %and3A, %sub3A_148, %div3A : i32
      %jit3A_149 = arith.constant 8 : i32
      %eq3A_150 = arith.constant 0 : i32
      %eq3A_151 = arith.cmpi eq, %jit3A_149, %eq3A_150 : i32
      %jit3A_152 = arith.constant 1 : i32
      %select_n3A_153 = arith.select %eq3A_151, %jit3A_152, %jit3A_149 : i32
      %rem3A_154 = arith.remsi %scan3A_130, %select_n3A_153 : i32
      %ne3A_155 = arith.constant 0 : i32
      %ne3A_156 = arith.cmpi ne, %rem3A_154, %ne3A_155 : i32
      %lt3A = arith.constant 0 : i32
      %lt3A_157 = arith.cmpi slt, %rem3A_154, %lt3A : i32
      %lt3A_158 = arith.constant 0 : i32
      %lt3A_159 = arith.cmpi slt, %select_n3A_153, %lt3A_158 : i32
      %ne3A_160 = arith.xori %lt3A_157, %lt3A_159 : i1
      %and3A_161 = arith.andi %ne3A_160, %ne3A_156 : i1
      %add3A_162 = arith.addi %rem3A_154, %select_n3A_153 : i32
      %select_n3A_163 = arith.select %and3A_161, %add3A_162, %rem3A_154 : i32
      %mul3A_164 = arith.constant 16 : i32
      %mul3A_165 = arith.muli %select_n3A_163, %mul3A_164 : i32
      %swap3A = arith.index_cast %select_n3A : i32 to index
      %swap3A_166 = arith.index_cast %mul3A_165 : i32 to index
      %swap3A_167 = tpu.vector_load %arg14[%swap3A, %swap3A_166] {strides = array<i32>} : memref<128x128xf32, #tpu.memory_space<vmem>>, vector<1x16xf32>,
      %swap3A_168 = vector.shape_cast %swap3A_167 : vector<1x16xf32> to vector<16xf32>
      %swap3A_169 = vector.shape_cast %broadcast_in_dim3A_132 : vector<16xf32> to vector<1x16xf32>
      tpu.vector_store %arg14[%swap3A, %swap3A_166], %swap3A_169 {strides = array<i32>} : memref<128x128xf32, #tpu.memory_space<vmem>>, vector<1x16xf32>,
      %scan3A_170 = arith.constant 0 : i32
      scf.yield %scan3A_170 : i32
    }
    %scan3A_8 = arith.constant 1024 : i32
    %mul3A_9 = arith.constant 640 : i32
    %mul3A_10 = arith.muli %arg1, %mul3A_9 : i32
    %add3A_11 = arith.constant 0 : i32
    %add3A_12 = arith.addi %mul3A_10, %add3A_11 : i32
    "tpu.region"() ({
      %run_scoped3A = tpu.sem_alloc : memref<!tpu.dma_semaphore, #tpu.memory_space<semaphore_mem>>
      %dma_start3A_130 = arith.constant 0 : i32
      %dma_start3A_131 = tpu.memref_slice %arg16[%add3A_12, %dma_start3A_130] : memref<10240x128xf32, #tpu.memory_space<vmem_shared>> -> memref<128x128xf32, #tpu.memory_space<vmem_shared>>
      %dma_start3A_132 = arith.constant 0 : i32
      %dma_start3A_133 = tpu.memref_slice %arg16[%add3A_12, %dma_start3A_132] : memref<10240x128xf32, #tpu.memory_space<vmem_shared>> -> memref<128x128xf32, #tpu.memory_space<vmem_shared>>
      tpu.enqueue_dma source(%arg14 : memref<128x128xf32, #tpu.memory_space<vmem>>) target(%dma_start3A_133 : memref<128x128xf32, #tpu.memory_space<vmem_shared>>) target_semaphore(%run_scoped3A : memref<!tpu.dma_semaphore, #tpu.memory_space<semaphore_mem>>)
      %dma_wait3A_134 = arith.constant 0 : i32
      %dma_wait3A_135 = tpu.memref_slice %arg16[%add3A_12, %dma_wait3A_134] : memref<10240x128xf32, #tpu.memory_space<vmem_shared>> -> memref<128x128xf32, #tpu.memory_space<vmem_shared>>
      %dma_wait3A_136 = arith.constant 0 : i32
      %dma_wait3A_137 = tpu.memref_slice %arg16[%add3A_12, %dma_wait3A_136] : memref<10240x128xf32, #tpu.memory_space<vmem_shared>> -> memref<128x128xf32, #tpu.memory_space<vmem_shared>>
      tpu.wait_dma2 semaphore(%run_scoped3A : memref<!tpu.dma_semaphore, #tpu.memory_space<semaphore_mem>>) src(%arg14 : memref<128x128xf32, #tpu.memory_space<vmem>>) dst(%dma_wait3A_137 : memref<128x128xf32, #tpu.memory_space<vmem_shared>>)
      tpu.yield
    }) : () -> ()
    %mul3A_13 = arith.constant 640 : i32
    %mul3A_14 = arith.muli %arg1, %mul3A_13 : i32
    %add3A_15 = arith.constant 128 : i32
    %add3A_16 = arith.addi %mul3A_14, %add3A_15 : i32
    "tpu.region"() ({
      %run_scoped3A = tpu.sem_alloc : memref<!tpu.dma_semaphore, #tpu.memory_space<semaphore_mem>>
      %dma_start3A_130 = arith.constant 0 : i32
      %dma_start3A_131 = tpu.memref_slice %arg16[%add3A_16, %dma_start3A_130] : memref<10240x128xf32, #tpu.memory_space<vmem_shared>> -> memref<128x128xf32, #tpu.memory_space<vmem_shared>>
      %dma_start3A_132 = arith.constant 0 : i32
      %dma_start3A_133 = tpu.memref_slice %arg16[%add3A_16, %dma_start3A_132] : memref<10240x128xf32, #tpu.memory_space<vmem_shared>> -> memref<128x128xf32, #tpu.memory_space<vmem_shared>>
      tpu.enqueue_dma source(%arg14 : memref<128x128xf32, #tpu.memory_space<vmem>>) target(%dma_start3A_133 : memref<128x128xf32, #tpu.memory_space<vmem_shared>>) target_semaphore(%run_scoped3A : memref<!tpu.dma_semaphore, #tpu.memory_space<semaphore_mem>>)
      %dma_wait3A_134 = arith.constant 0 : i32
      %dma_wait3A_135 = tpu.memref_slice %arg16[%add3A_16, %dma_wait3A_134] : memref<10240x128xf32, #tpu.memory_space<vmem_shared>> -> memref<128x128xf32, #tpu.memory_space<vmem_shared>>
      %dma_wait3A_136 = arith.constant 0 : i32
      %dma_wait3A_137 = tpu.memref_slice %arg16[%add3A_16, %dma_wait3A_136] : memref<10240x128xf32, #tpu.memory_space<vmem_shared>> -> memref<128x128xf32, #tpu.memory_space<vmem_shared>>
      tpu.wait_dma2 semaphore(%run_scoped3A : memref<!tpu.dma_semaphore, #tpu.memory_space<semaphore_mem>>) src(%arg14 : memref<128x128xf32, #tpu.memory_space<vmem>>) dst(%dma_wait3A_137 : memref<128x128xf32, #tpu.memory_space<vmem_shared>>)
      tpu.yield
    }) : () -> ()
    %mul3A_17 = arith.constant 640 : i32
    %mul3A_18 = arith.muli %arg1, %mul3A_17 : i32
    %add3A_19 = arith.constant 256 : i32
    %add3A_20 = arith.addi %mul3A_18, %add3A_19 : i32
    "tpu.region"() ({
      %run_scoped3A = tpu.sem_alloc : memref<!tpu.dma_semaphore, #tpu.memory_space<semaphore_mem>>
      %dma_start3A_130 = arith.constant 0 : i32
      %dma_start3A_131 = tpu.memref_slice %arg16[%add3A_20, %dma_start3A_130] : memref<10240x128xf32, #tpu.memory_space<vmem_shared>> -> memref<128x128xf32, #tpu.memory_space<vmem_shared>>
      %dma_start3A_132 = arith.constant 0 : i32
      %dma_start3A_133 = tpu.memref_slice %arg16[%add3A_20, %dma_start3A_132] : memref<10240x128xf32, #tpu.memory_space<vmem_shared>> -> memref<128x128xf32, #tpu.memory_space<vmem_shared>>
      tpu.enqueue_dma source(%arg14 : memref<128x128xf32, #tpu.memory_space<vmem>>) target(%dma_start3A_133 : memref<128x128xf32, #tpu.memory_space<vmem_shared>>) target_semaphore(%run_scoped3A : memref<!tpu.dma_semaphore, #tpu.memory_space<semaphore_mem>>)
      %dma_wait3A_134 = arith.constant 0 : i32
      %dma_wait3A_135 = tpu.memref_slice %arg16[%add3A_20, %dma_wait3A_134] : memref<10240x128xf32, #tpu.memory_space<vmem_shared>> -> memref<128x128xf32, #tpu.memory_space<vmem_shared>>
      %dma_wait3A_136 = arith.constant 0 : i32
      %dma_wait3A_137 = tpu.memref_slice %arg16[%add3A_20, %dma_wait3A_136] : memref<10240x128xf32, #tpu.memory_space<vmem_shared>> -> memref<128x128xf32, #tpu.memory_space<vmem_shared>>
      tpu.wait_dma2 semaphore(%run_scoped3A : memref<!tpu.dma_semaphore, #tpu.memory_space<semaphore_mem>>) src(%arg14 : memref<128x128xf32, #tpu.memory_space<vmem>>) dst(%dma_wait3A_137 : memref<128x128xf32, #tpu.memory_space<vmem_shared>>)
      tpu.yield
    }) : () -> ()
    %mul3A_21 = arith.constant 640 : i32
    %mul3A_22 = arith.muli %arg1, %mul3A_21 : i32
    %add3A_23 = arith.constant 384 : i32
    %add3A_24 = arith.addi %mul3A_22, %add3A_23 : i32
    "tpu.region"() ({
      %run_scoped3A = tpu.sem_alloc : memref<!tpu.dma_semaphore, #tpu.memory_space<semaphore_mem>>
      %dma_start3A_130 = arith.constant 0 : i32
      %dma_start3A_131 = tpu.memref_slice %arg16[%add3A_24, %dma_start3A_130] : memref<10240x128xf32, #tpu.memory_space<vmem_shared>> -> memref<128x128xf32, #tpu.memory_space<vmem_shared>>
      %dma_start3A_132 = arith.constant 0 : i32
      %dma_start3A_133 = tpu.memref_slice %arg16[%add3A_24, %dma_start3A_132] : memref<10240x128xf32, #tpu.memory_space<vmem_shared>> -> memref<128x128xf32, #tpu.memory_space<vmem_shared>>
      tpu.enqueue_dma source(%arg14 : memref<128x128xf32, #tpu.memory_space<vmem>>) target(%dma_start3A_133 : memref<128x128xf32, #tpu.memory_space<vmem_shared>>) target_semaphore(%run_scoped3A : memref<!tpu.dma_semaphore, #tpu.memory_space<semaphore_mem>>)
      %dma_wait3A_134 = arith.constant 0 : i32
      %dma_wait3A_135 = tpu.memref_slice %arg16[%add3A_24, %dma_wait3A_134] : memref<10240x128xf32, #tpu.memory_space<vmem_shared>> -> memref<128x128xf32, #tpu.memory_space<vmem_shared>>
      %dma_wait3A_136 = arith.constant 0 : i32
      %dma_wait3A_137 = tpu.memref_slice %arg16[%add3A_24, %dma_wait3A_136] : memref<10240x128xf32, #tpu.memory_space<vmem_shared>> -> memref<128x128xf32, #tpu.memory_space<vmem_shared>>
      tpu.wait_dma2 semaphore(%run_scoped3A : memref<!tpu.dma_semaphore, #tpu.memory_space<semaphore_mem>>) src(%arg14 : memref<128x128xf32, #tpu.memory_space<vmem>>) dst(%dma_wait3A_137 : memref<128x128xf32, #tpu.memory_space<vmem_shared>>)
      tpu.yield
    }) : () -> ()
    %mul3A_25 = arith.constant 640 : i32
    %mul3A_26 = arith.muli %arg1, %mul3A_25 : i32
    %add3A_27 = arith.constant 512 : i32
    %add3A_28 = arith.addi %mul3A_26, %add3A_27 : i32
    "tpu.region"() ({
      %run_scoped3A = tpu.sem_alloc : memref<!tpu.dma_semaphore, #tpu.memory_space<semaphore_mem>>
      %dma_start3A_130 = arith.constant 0 : i32
      %dma_start3A_131 = tpu.memref_slice %arg16[%add3A_28, %dma_start3A_130] : memref<10240x128xf32, #tpu.memory_space<vmem_shared>> -> memref<128x128xf32, #tpu.memory_space<vmem_shared>>
      %dma_start3A_132 = arith.constant 0 : i32
      %dma_start3A_133 = tpu.memref_slice %arg16[%add3A_28, %dma_start3A_132] : memref<10240x128xf32, #tpu.memory_space<vmem_shared>> -> memref<128x128xf32, #tpu.memory_space<vmem_shared>>
      tpu.enqueue_dma source(%arg14 : memref<128x128xf32, #tpu.memory_space<vmem>>) target(%dma_start3A_133 : memref<128x128xf32, #tpu.memory_space<vmem_shared>>) target_semaphore(%run_scoped3A : memref<!tpu.dma_semaphore, #tpu.memory_space<semaphore_mem>>)
      %dma_wait3A_134 = arith.constant 0 : i32
      %dma_wait3A_135 = tpu.memref_slice %arg16[%add3A_28, %dma_wait3A_134] : memref<10240x128xf32, #tpu.memory_space<vmem_shared>> -> memref<128x128xf32, #tpu.memory_space<vmem_shared>>
      %dma_wait3A_136 = arith.constant 0 : i32
      %dma_wait3A_137 = tpu.memref_slice %arg16[%add3A_28, %dma_wait3A_136] : memref<10240x128xf32, #tpu.memory_space<vmem_shared>> -> memref<128x128xf32, #tpu.memory_space<vmem_shared>>
      tpu.wait_dma2 semaphore(%run_scoped3A : memref<!tpu.dma_semaphore, #tpu.memory_space<semaphore_mem>>) src(%arg14 : memref<128x128xf32, #tpu.memory_space<vmem>>) dst(%dma_wait3A_137 : memref<128x128xf32, #tpu.memory_space<vmem_shared>>)
      tpu.yield
    }) : () -> ()
    %barrier3A = arith.constant 0 : index
    tpu.barrier barrier_id(%barrier3A)
    %add3A_29 = arith.constant 0 : i32
    %add3A_30 = arith.addi %add3A, %add3A_29 : i32
    %eq3A = arith.constant 0 : i32
    %eq3A_31 = arith.cmpi eq, %arg0, %eq3A : i32
    %convert_element_type3A = arith.extui %eq3A_31 : i1 to i32
    %cond3A = arith.constant 0 : i32
    %cond3A_32 = arith.cmpi ne, %convert_element_type3A, %cond3A : i32
    scf.if %cond3A_32 {
      "tpu.region"() ({
        %run_scoped3A = tpu.sem_alloc : memref<!tpu.dma_semaphore, #tpu.memory_space<semaphore_mem>>
        %dma_start3A_130 = arith.constant 0 : i32
        %dma_start3A_131 = tpu.memref_slice %arg4[%add3A_30, %dma_start3A_130] : memref<1280x128xi32, #tpu.memory_space<hbm>> -> memref<40x128xi32, #tpu.memory_space<hbm>>
        %dma_start3A_132 = arith.constant 0 : i32
        %dma_start3A_133 = tpu.memref_slice %arg4[%add3A_30, %dma_start3A_132] : memref<1280x128xi32, #tpu.memory_space<hbm>> -> memref<40x128xi32, #tpu.memory_space<hbm>>
        tpu.enqueue_dma source(%dma_start3A_133 : memref<40x128xi32, #tpu.memory_space<hbm>>) target(%arg12 : memref<40x128xi32, #tpu.memory_space<vmem>>) target_semaphore(%run_scoped3A : memref<!tpu.dma_semaphore, #tpu.memory_space<semaphore_mem>>)
        %dma_wait3A_134 = arith.constant 0 : i32
        %dma_wait3A_135 = tpu.memref_slice %arg4[%add3A_30, %dma_wait3A_134] : memref<1280x128xi32, #tpu.memory_space<hbm>> -> memref<40x128xi32, #tpu.memory_space<hbm>>
        %dma_wait3A_136 = arith.constant 0 : i32
        %dma_wait3A_137 = tpu.memref_slice %arg4[%add3A_30, %dma_wait3A_136] : memref<1280x128xi32, #tpu.memory_space<hbm>> -> memref<40x128xi32, #tpu.memory_space<hbm>>
        tpu.wait_dma2 semaphore(%run_scoped3A : memref<!tpu.dma_semaphore, #tpu.memory_space<semaphore_mem>>) src(%dma_wait3A_137 : memref<40x128xi32, #tpu.memory_space<hbm>>) dst(%arg12 : memref<40x128xi32, #tpu.memory_space<vmem>>)
        tpu.yield
      }) : () -> ()
    } else {
    }
    %eq3A_33 = arith.constant 1 : i32
    %eq3A_34 = arith.cmpi eq, %arg0, %eq3A_33 : i32
    %convert_element_type3A_35 = arith.extui %eq3A_34 : i1 to i32
    %cond3A_36 = arith.constant 0 : i32
    %cond3A_37 = arith.cmpi ne, %convert_element_type3A_35, %cond3A_36 : i32
    scf.if %cond3A_37 {
      "tpu.region"() ({
        %run_scoped3A = tpu.sem_alloc : memref<!tpu.dma_semaphore, #tpu.memory_space<semaphore_mem>>
        %dma_start3A_130 = arith.constant 0 : i32
        %dma_start3A_131 = tpu.memref_slice %arg5[%add3A_30, %dma_start3A_130] : memref<1280x128xi32, #tpu.memory_space<hbm>> -> memref<40x128xi32, #tpu.memory_space<hbm>>
        %dma_start3A_132 = arith.constant 0 : i32
        %dma_start3A_133 = tpu.memref_slice %arg5[%add3A_30, %dma_start3A_132] : memref<1280x128xi32, #tpu.memory_space<hbm>> -> memref<40x128xi32, #tpu.memory_space<hbm>>
        tpu.enqueue_dma source(%dma_start3A_133 : memref<40x128xi32, #tpu.memory_space<hbm>>) target(%arg12 : memref<40x128xi32, #tpu.memory_space<vmem>>) target_semaphore(%run_scoped3A : memref<!tpu.dma_semaphore, #tpu.memory_space<semaphore_mem>>)
        %dma_wait3A_134 = arith.constant 0 : i32
        %dma_wait3A_135 = tpu.memref_slice %arg5[%add3A_30, %dma_wait3A_134] : memref<1280x128xi32, #tpu.memory_space<hbm>> -> memref<40x128xi32, #tpu.memory_space<hbm>>
        %dma_wait3A_136 = arith.constant 0 : i32
        %dma_wait3A_137 = tpu.memref_slice %arg5[%add3A_30, %dma_wait3A_136] : memref<1280x128xi32, #tpu.memory_space<hbm>> -> memref<40x128xi32, #tpu.memory_space<hbm>>
        tpu.wait_dma2 semaphore(%run_scoped3A : memref<!tpu.dma_semaphore, #tpu.memory_space<semaphore_mem>>) src(%dma_wait3A_137 : memref<40x128xi32, #tpu.memory_space<hbm>>) dst(%arg12 : memref<40x128xi32, #tpu.memory_space<vmem>>)
        tpu.yield
      }) : () -> ()
    } else {
    }
    "tpu.region"() ({
      %run_scoped3A = tpu.sem_alloc : memref<!tpu.dma_semaphore, #tpu.memory_space<semaphore_mem>>
      %dma_start3A_130 = arith.constant 0 : i32
      %dma_start3A_131 = tpu.memref_slice %arg6[%add3A_30, %dma_start3A_130] : memref<1280x128xi32, #tpu.memory_space<hbm>> -> memref<40x128xi32, #tpu.memory_space<hbm>>
      %dma_start3A_132 = arith.constant 0 : i32
      %dma_start3A_133 = tpu.memref_slice %arg6[%add3A_30, %dma_start3A_132] : memref<1280x128xi32, #tpu.memory_space<hbm>> -> memref<40x128xi32, #tpu.memory_space<hbm>>
      tpu.enqueue_dma source(%dma_start3A_133 : memref<40x128xi32, #tpu.memory_space<hbm>>) target(%arg13 : memref<40x128xi32, #tpu.memory_space<vmem>>) target_semaphore(%run_scoped3A : memref<!tpu.dma_semaphore, #tpu.memory_space<semaphore_mem>>)
      %dma_wait3A_134 = arith.constant 0 : i32
      %dma_wait3A_135 = tpu.memref_slice %arg6[%add3A_30, %dma_wait3A_134] : memref<1280x128xi32, #tpu.memory_space<hbm>> -> memref<40x128xi32, #tpu.memory_space<hbm>>
      %dma_wait3A_136 = arith.constant 0 : i32
      %dma_wait3A_137 = tpu.memref_slice %arg6[%add3A_30, %dma_wait3A_136] : memref<1280x128xi32, #tpu.memory_space<hbm>> -> memref<40x128xi32, #tpu.memory_space<hbm>>
      tpu.wait_dma2 semaphore(%run_scoped3A : memref<!tpu.dma_semaphore, #tpu.memory_space<semaphore_mem>>) src(%dma_wait3A_137 : memref<40x128xi32, #tpu.memory_space<hbm>>) dst(%arg13 : memref<40x128xi32, #tpu.memory_space<vmem>>)
      tpu.yield
    }) : () -> ()
    %dma_start3A = arith.constant 0 : i32
    %dma_start3A_38 = arith.constant 0 : i32
    %dma_start3A_39 = tpu.memref_slice %arg12[%dma_start3A, %dma_start3A_38] : memref<40x128xi32, #tpu.memory_space<vmem>> -> memref<1x128xi32, #tpu.memory_space<vmem>>
    %dma_start3A_40 = tpu.memref_squeeze %dma_start3A_39 : memref<1x128xi32, #tpu.memory_space<vmem>> -> memref<128xi32, #tpu.memory_space<vmem>>
    %dma_start3A_41 = arith.constant 0 : i32
    %dma_start3A_42 = arith.constant 0 : i32
    %dma_start3A_43 = tpu.memref_slice %arg2[%dma_start3A_41, %dma_start3A_42] : memref<10000x128xf32, #tpu.memory_space<hbm>> -> memref<10000x128xf32, #tpu.memory_space<hbm>>
    tpu.enqueue_indirect_dma source(%dma_start3A_43 : memref<10000x128xf32, #tpu.memory_space<hbm>>) target(%arg14 : memref<128x128xf32, #tpu.memory_space<vmem>>) offsets(%dma_start3A_40 : memref<128xi32, #tpu.memory_space<vmem>>) semaphore(%arg17 : memref<!tpu.dma_semaphore, #tpu.memory_space<semaphore_mem>>)
    %scan3A_44 = arith.constant 0 : i32
    %scan3A_45 = arith.constant 0 : i32
    %scan3A_46 = arith.constant 20 : i32
    %scan3A_47 = arith.addi %scan3A_45, %scan3A_46 : i32
    %scan3A_48 = arith.constant 1 : i32
    %scan3A_49 = scf.for %scan3A_130 = %scan3A_45 to %scan3A_47 step %scan3A_48 iter_args(%scan3A_131 = %scan3A_44) -> (i32)  : i32 {
      %mul3A_132 = arith.constant 2 : i32
      %mul3A_133 = arith.muli %mul3A_132, %scan3A_130 : i32
      %mul3A_134 = arith.constant 2 : i32
      %mul3A_135 = arith.muli %mul3A_134, %scan3A_130 : i32
      %add3A_136 = arith.constant 1 : i32
      %add3A_137 = arith.addi %mul3A_135, %add3A_136 : i32
      %dma_wait3A_138 = arith.constant 0 : i32
      %dma_wait3A_139 = arith.constant 0 : i32
      %dma_wait3A_140 = tpu.memref_slice %arg12[%dma_wait3A_138, %dma_wait3A_139] : memref<40x128xi32, #tpu.memory_space<vmem>> -> memref<1x128xi32, #tpu.memory_space<vmem>>
      %dma_wait3A_141 = tpu.memref_squeeze %dma_wait3A_140 : memref<1x128xi32, #tpu.memory_space<vmem>> -> memref<128xi32, #tpu.memory_space<vmem>>
      %dma_wait3A_142 = arith.constant 0 : i32
      %dma_wait3A_143 = arith.constant 0 : i32
      %dma_wait3A_144 = tpu.memref_slice %arg2[%dma_wait3A_142, %dma_wait3A_143] : memref<10000x128xf32, #tpu.memory_space<hbm>> -> memref<10000x128xf32, #tpu.memory_space<hbm>>
      tpu.wait_indirect_dma semaphore(%arg17 : memref<!tpu.dma_semaphore, #tpu.memory_space<semaphore_mem>>) src(%dma_wait3A_144 : memref<10000x128xf32, #tpu.memory_space<hbm>>) dst(%arg14 : memref<128x128xf32, #tpu.memory_space<vmem>>)
      %dma_start3A_145 = arith.constant 0 : i32
      %dma_start3A_146 = tpu.memref_slice %arg12[%add3A_137, %dma_start3A_145] : memref<40x128xi32, #tpu.memory_space<vmem>> -> memref<1x128xi32, #tpu.memory_space<vmem>>
      %dma_start3A_147 = tpu.memref_squeeze %dma_start3A_146 : memref<1x128xi32, #tpu.memory_space<vmem>> -> memref<128xi32, #tpu.memory_space<vmem>>
      %dma_start3A_148 = arith.constant 0 : i32
      %dma_start3A_149 = arith.constant 0 : i32
      %dma_start3A_150 = tpu.memref_slice %arg2[%dma_start3A_148, %dma_start3A_149] : memref<10000x128xf32, #tpu.memory_space<hbm>> -> memref<10000x128xf32, #tpu.memory_space<hbm>>
      tpu.enqueue_indirect_dma source(%dma_start3A_150 : memref<10000x128xf32, #tpu.memory_space<hbm>>) target(%arg15 : memref<128x128xf32, #tpu.memory_space<vmem>>) offsets(%dma_start3A_147 : memref<128xi32, #tpu.memory_space<vmem>>) semaphore(%arg18 : memref<!tpu.dma_semaphore, #tpu.memory_space<semaphore_mem>>)
      "tpu.region"() ({
        %run_scoped3A = tpu.sem_alloc : memref<!tpu.dma_semaphore, #tpu.memory_space<semaphore_mem>>
        %dma_start3A_168 = arith.constant 0 : i32
        %dma_start3A_169 = tpu.memref_slice %arg13[%mul3A_133, %dma_start3A_168] : memref<40x128xi32, #tpu.memory_space<vmem>> -> memref<1x128xi32, #tpu.memory_space<vmem>>
        %dma_start3A_170 = tpu.memref_squeeze %dma_start3A_169 : memref<1x128xi32, #tpu.memory_space<vmem>> -> memref<128xi32, #tpu.memory_space<vmem>>
        %dma_start3A_171 = arith.constant 0 : i32
        %dma_start3A_172 = arith.constant 0 : i32
        %dma_start3A_173 = tpu.memref_slice %arg16[%dma_start3A_171, %dma_start3A_172] : memref<10240x128xf32, #tpu.memory_space<vmem_shared>> -> memref<10240x128xf32, #tpu.memory_space<vmem_shared>>
        tpu.enqueue_indirect_dma source(%arg14 : memref<128x128xf32, #tpu.memory_space<vmem>>) target(%dma_start3A_173 : memref<10240x128xf32, #tpu.memory_space<vmem_shared>>) offsets(%dma_start3A_170 : memref<128xi32, #tpu.memory_space<vmem>>) semaphore(%run_scoped3A : memref<!tpu.dma_semaphore, #tpu.memory_space<semaphore_mem>>) {add = true}
        %dma_wait3A_174 = arith.constant 0 : i32
        %dma_wait3A_175 = tpu.memref_slice %arg13[%mul3A_133, %dma_wait3A_174] : memref<40x128xi32, #tpu.memory_space<vmem>> -> memref<1x128xi32, #tpu.memory_space<vmem>>
        %dma_wait3A_176 = tpu.memref_squeeze %dma_wait3A_175 : memref<1x128xi32, #tpu.memory_space<vmem>> -> memref<128xi32, #tpu.memory_space<vmem>>
        %dma_wait3A_177 = arith.constant 0 : i32
        %dma_wait3A_178 = arith.constant 0 : i32
        %dma_wait3A_179 = tpu.memref_slice %arg16[%dma_wait3A_177, %dma_wait3A_178] : memref<10240x128xf32, #tpu.memory_space<vmem_shared>> -> memref<10240x128xf32, #tpu.memory_space<vmem_shared>>
        tpu.wait_indirect_dma semaphore(%run_scoped3A : memref<!tpu.dma_semaphore, #tpu.memory_space<semaphore_mem>>) src(%arg14 : memref<128x128xf32, #tpu.memory_space<vmem>>) dst(%dma_wait3A_179 : memref<10240x128xf32, #tpu.memory_space<vmem_shared>>)
        tpu.yield
      }) : () -> ()
      %dma_wait3A_151 = arith.constant 0 : i32
      %dma_wait3A_152 = arith.constant 0 : i32
      %dma_wait3A_153 = tpu.memref_slice %arg12[%dma_wait3A_151, %dma_wait3A_152] : memref<40x128xi32, #tpu.memory_space<vmem>> -> memref<1x128xi32, #tpu.memory_space<vmem>>
      %dma_wait3A_154 = tpu.memref_squeeze %dma_wait3A_153 : memref<1x128xi32, #tpu.memory_space<vmem>> -> memref<128xi32, #tpu.memory_space<vmem>>
      %dma_wait3A_155 = arith.constant 0 : i32
      %dma_wait3A_156 = arith.constant 0 : i32
      %dma_wait3A_157 = tpu.memref_slice %arg2[%dma_wait3A_155, %dma_wait3A_156] : memref<10000x128xf32, #tpu.memory_space<hbm>> -> memref<10000x128xf32, #tpu.memory_space<hbm>>
      tpu.wait_indirect_dma semaphore(%arg18 : memref<!tpu.dma_semaphore, #tpu.memory_space<semaphore_mem>>) src(%dma_wait3A_157 : memref<10000x128xf32, #tpu.memory_space<hbm>>) dst(%arg15 : memref<128x128xf32, #tpu.memory_space<vmem>>)
      %add3A_158 = arith.constant 2 : i32
      %add3A_159 = arith.addi %mul3A_133, %add3A_158 : i32
      %min3A = arith.constant 39 : i32
      %min3A_160 = arith.minsi %add3A_159, %min3A : i32
      %dma_start3A_161 = arith.constant 0 : i32
      %dma_start3A_162 = tpu.memref_slice %arg12[%min3A_160, %dma_start3A_161] : memref<40x128xi32, #tpu.memory_space<vmem>> -> memref<1x128xi32, #tpu.memory_space<vmem>>
      %dma_start3A_163 = tpu.memref_squeeze %dma_start3A_162 : memref<1x128xi32, #tpu.memory_space<vmem>> -> memref<128xi32, #tpu.memory_space<vmem>>
      %dma_start3A_164 = arith.constant 0 : i32
      %dma_start3A_165 = arith.constant 0 : i32
      %dma_start3A_166 = tpu.memref_slice %arg2[%dma_start3A_164, %dma_start3A_165] : memref<10000x128xf32, #tpu.memory_space<hbm>> -> memref<10000x128xf32, #tpu.memory_space<hbm>>
      tpu.enqueue_indirect_dma source(%dma_start3A_166 : memref<10000x128xf32, #tpu.memory_space<hbm>>) target(%arg14 : memref<128x128xf32, #tpu.memory_space<vmem>>) offsets(%dma_start3A_163 : memref<128xi32, #tpu.memory_space<vmem>>) semaphore(%arg17 : memref<!tpu.dma_semaphore, #tpu.memory_space<semaphore_mem>>)
      "tpu.region"() ({
        %run_scoped3A = tpu.sem_alloc : memref<!tpu.dma_semaphore, #tpu.memory_space<semaphore_mem>>
        %dma_start3A_168 = arith.constant 0 : i32
        %dma_start3A_169 = tpu.memref_slice %arg13[%add3A_137, %dma_start3A_168] : memref<40x128xi32, #tpu.memory_space<vmem>> -> memref<1x128xi32, #tpu.memory_space<vmem>>
        %dma_start3A_170 = tpu.memref_squeeze %dma_start3A_169 : memref<1x128xi32, #tpu.memory_space<vmem>> -> memref<128xi32, #tpu.memory_space<vmem>>
        %dma_start3A_171 = arith.constant 0 : i32
        %dma_start3A_172 = arith.constant 0 : i32
        %dma_start3A_173 = tpu.memref_slice %arg16[%dma_start3A_171, %dma_start3A_172] : memref<10240x128xf32, #tpu.memory_space<vmem_shared>> -> memref<10240x128xf32, #tpu.memory_space<vmem_shared>>
        tpu.enqueue_indirect_dma source(%arg15 : memref<128x128xf32, #tpu.memory_space<vmem>>) target(%dma_start3A_173 : memref<10240x128xf32, #tpu.memory_space<vmem_shared>>) offsets(%dma_start3A_170 : memref<128xi32, #tpu.memory_space<vmem>>) semaphore(%run_scoped3A : memref<!tpu.dma_semaphore, #tpu.memory_space<semaphore_mem>>) {add = true}
        %dma_wait3A_174 = arith.constant 0 : i32
        %dma_wait3A_175 = tpu.memref_slice %arg13[%add3A_137, %dma_wait3A_174] : memref<40x128xi32, #tpu.memory_space<vmem>> -> memref<1x128xi32, #tpu.memory_space<vmem>>
        %dma_wait3A_176 = tpu.memref_squeeze %dma_wait3A_175 : memref<1x128xi32, #tpu.memory_space<vmem>> -> memref<128xi32, #tpu.memory_space<vmem>>
        %dma_wait3A_177 = arith.constant 0 : i32
        %dma_wait3A_178 = arith.constant 0 : i32
        %dma_wait3A_179 = tpu.memref_slice %arg16[%dma_wait3A_177, %dma_wait3A_178] : memref<10240x128xf32, #tpu.memory_space<vmem_shared>> -> memref<10240x128xf32, #tpu.memory_space<vmem_shared>>
        tpu.wait_indirect_dma semaphore(%run_scoped3A : memref<!tpu.dma_semaphore, #tpu.memory_space<semaphore_mem>>) src(%arg15 : memref<128x128xf32, #tpu.memory_space<vmem>>) dst(%dma_wait3A_179 : memref<10240x128xf32, #tpu.memory_space<vmem_shared>>)
        tpu.yield
      }) : () -> ()
      %scan3A_167 = arith.constant 0 : i32
      scf.yield %scan3A_167 : i32
    }
    %scan3A_50 = arith.constant 20 : i32
    %dma_wait3A = arith.constant 0 : i32
    %dma_wait3A_51 = arith.constant 0 : i32
    %dma_wait3A_52 = tpu.memref_slice %arg12[%dma_wait3A, %dma_wait3A_51] : memref<40x128xi32, #tpu.memory_space<vmem>> -> memref<1x128xi32, #tpu.memory_space<vmem>>
    %dma_wait3A_53 = tpu.memref_squeeze %dma_wait3A_52 : memref<1x128xi32, #tpu.memory_space<vmem>> -> memref<128xi32, #tpu.memory_space<vmem>>
    %dma_wait3A_54 = arith.constant 0 : i32
    %dma_wait3A_55 = arith.constant 0 : i32
    %dma_wait3A_56 = tpu.memref_slice %arg2[%dma_wait3A_54, %dma_wait3A_55] : memref<10000x128xf32, #tpu.memory_space<hbm>> -> memref<10000x128xf32, #tpu.memory_space<hbm>>
    tpu.wait_indirect_dma semaphore(%arg17 : memref<!tpu.dma_semaphore, #tpu.memory_space<semaphore_mem>>) src(%dma_wait3A_56 : memref<10000x128xf32, #tpu.memory_space<hbm>>) dst(%arg14 : memref<128x128xf32, #tpu.memory_space<vmem>>)
    %barrier3A_57 = arith.constant 0 : index
    tpu.barrier barrier_id(%barrier3A_57)
    %mul3A_58 = arith.constant 640 : i32
    %mul3A_59 = arith.muli %arg1, %mul3A_58 : i32
    %mul3A_60 = arith.constant 640 : i32
    %mul3A_61 = arith.muli %arg1, %mul3A_60 : i32
    "tpu.region"() ({
      %run_scoped3A = tpu.sem_alloc : memref<!tpu.dma_semaphore, #tpu.memory_space<semaphore_mem>>
      %dma_start3A_130 = arith.constant 0 : i32
      %dma_start3A_131 = tpu.memref_slice %arg10[%arg0, %mul3A_61, %dma_start3A_130] : memref<2x10240x128xf32, #tpu.memory_space<hbm>> -> memref<1x640x128xf32, #tpu.memory_space<hbm>>
      %dma_start3A_132 = tpu.memref_squeeze %dma_start3A_131 : memref<1x640x128xf32, #tpu.memory_space<hbm>> -> memref<640x128xf32, #tpu.memory_space<hbm>>
      %dma_start3A_133 = arith.constant 0 : i32
      %dma_start3A_134 = tpu.memref_slice %arg16[%mul3A_59, %dma_start3A_133] : memref<10240x128xf32, #tpu.memory_space<vmem_shared>> -> memref<640x128xf32, #tpu.memory_space<vmem_shared>>
      tpu.enqueue_dma source(%dma_start3A_134 : memref<640x128xf32, #tpu.memory_space<vmem_shared>>) target(%dma_start3A_132 : memref<640x128xf32, #tpu.memory_space<hbm>>) target_semaphore(%run_scoped3A : memref<!tpu.dma_semaphore, #tpu.memory_space<semaphore_mem>>)
      %dma_wait3A_135 = arith.constant 0 : i32
      %dma_wait3A_136 = tpu.memref_slice %arg10[%arg0, %mul3A_61, %dma_wait3A_135] : memref<2x10240x128xf32, #tpu.memory_space<hbm>> -> memref<1x640x128xf32, #tpu.memory_space<hbm>>
      %dma_wait3A_137 = tpu.memref_squeeze %dma_wait3A_136 : memref<1x640x128xf32, #tpu.memory_space<hbm>> -> memref<640x128xf32, #tpu.memory_space<hbm>>
      %dma_wait3A_138 = arith.constant 0 : i32
      %dma_wait3A_139 = tpu.memref_slice %arg16[%mul3A_59, %dma_wait3A_138] : memref<10240x128xf32, #tpu.memory_space<vmem_shared>> -> memref<640x128xf32, #tpu.memory_space<vmem_shared>>
      tpu.wait_dma2 semaphore(%run_scoped3A : memref<!tpu.dma_semaphore, #tpu.memory_space<semaphore_mem>>) src(%dma_wait3A_139 : memref<640x128xf32, #tpu.memory_space<vmem_shared>>) dst(%dma_wait3A_137 : memref<640x128xf32, #tpu.memory_space<hbm>>)
      tpu.yield
    }) : () -> ()
    %barrier3A_62 = arith.constant 0 : index
    tpu.barrier barrier_id(%barrier3A_62)
    %scan3A_63 = arith.constant 0 : i32
    %scan3A_64 = arith.constant 0 : i32
    %scan3A_65 = arith.constant 1024 : i32
    %scan3A_66 = arith.addi %scan3A_64, %scan3A_65 : i32
    %scan3A_67 = arith.constant 1 : i32
    %scan3A_68 = scf.for %scan3A_130 = %scan3A_64 to %scan3A_66 step %scan3A_67 iter_args(%scan3A_131 = %scan3A_63) -> (i32)  : i32 {
      %broadcast_in_dim3A = arith.constant 0.000000e+00 : f32
      %broadcast_in_dim3A_132 = vector.broadcast %broadcast_in_dim3A : f32 to vector<16xf32>
      %jit3A = arith.constant 8 : i32
      %div3A = arith.divsi %scan3A_130, %jit3A : i32
      %sign3A = arith.constant 0 : i32
      %sign3A_133 = arith.cmpi sgt, %scan3A_130, %sign3A : i32
      %sign3A_134 = arith.extui %sign3A_133 : i1 to i32
      %sign3A_135 = arith.constant 0 : i32
      %sign3A_136 = arith.cmpi slt, %scan3A_130, %sign3A_135 : i32
      %sign3A_137 = arith.extui %sign3A_136 : i1 to i32
      %sign3A_138 = arith.subi %sign3A_134, %sign3A_137 : i32
      %sign3A_139 = arith.constant 0 : i32
      %sign3A_140 = arith.cmpi sgt, %jit3A, %sign3A_139 : i32
      %sign3A_141 = arith.extui %sign3A_140 : i1 to i32
      %sign3A_142 = arith.constant 0 : i32
      %sign3A_143 = arith.cmpi slt, %jit3A, %sign3A_142 : i32
      %sign3A_144 = arith.extui %sign3A_143 : i1 to i32
      %sign3A_145 = arith.subi %sign3A_141, %sign3A_144 : i32
      %ne3A = arith.cmpi ne, %sign3A_138, %sign3A_145 : i32
      %rem3A = arith.remsi %scan3A_130, %jit3A : i32
      %ne3A_146 = arith.constant 0 : i32
      %ne3A_147 = arith.cmpi ne, %rem3A, %ne3A_146 : i32
      %and3A = arith.andi %ne3A, %ne3A_147 : i1
      %sub3A = arith.constant 1 : i32
      %sub3A_148 = arith.subi %div3A, %sub3A : i32
      %select_n3A = arith.select %and3A, %sub3A_148, %div3A : i32
      %jit3A_149 = arith.constant 8 : i32
      %eq3A_150 = arith.constant 0 : i32
      %eq3A_151 = arith.cmpi eq, %jit3A_149, %eq3A_150 : i32
      %jit3A_152 = arith.constant 1 : i32
      %select_n3A_153 = arith.select %eq3A_151, %jit3A_152, %jit3A_149 : i32
      %rem3A_154 = arith.remsi %scan3A_130, %select_n3A_153 : i32
      %ne3A_155 = arith.constant 0 : i32
      %ne3A_156 = arith.cmpi ne, %rem3A_154, %ne3A_155 : i32
      %lt3A = arith.constant 0 : i32
      %lt3A_157 = arith.cmpi slt, %rem3A_154, %lt3A : i32
      %lt3A_158 = arith.constant 0 : i32
      %lt3A_159 = arith.cmpi slt, %select_n3A_153, %lt3A_158 : i32
      %ne3A_160 = arith.xori %lt3A_157, %lt3A_159 : i1
      %and3A_161 = arith.andi %ne3A_160, %ne3A_156 : i1
      %add3A_162 = arith.addi %rem3A_154, %select_n3A_153 : i32
      %select_n3A_163 = arith.select %and3A_161, %add3A_162, %rem3A_154 : i32
      %mul3A_164 = arith.constant 16 : i32
      %mul3A_165 = arith.muli %select_n3A_163, %mul3A_164 : i32
      %swap3A = arith.index_cast %select_n3A : i32 to index
      %swap3A_166 = arith.index_cast %mul3A_165 : i32 to index
      %swap3A_167 = tpu.vector_load %arg14[%swap3A, %swap3A_166] {strides = array<i32>} : memref<128x128xf32, #tpu.memory_space<vmem>>, vector<1x16xf32>,
      %swap3A_168 = vector.shape_cast %swap3A_167 : vector<1x16xf32> to vector<16xf32>
      %swap3A_169 = vector.shape_cast %broadcast_in_dim3A_132 : vector<16xf32> to vector<1x16xf32>
      tpu.vector_store %arg14[%swap3A, %swap3A_166], %swap3A_169 {strides = array<i32>} : memref<128x128xf32, #tpu.memory_space<vmem>>, vector<1x16xf32>,
      %scan3A_170 = arith.constant 0 : i32
      scf.yield %scan3A_170 : i32
    }
    %scan3A_69 = arith.constant 1024 : i32
    %mul3A_70 = arith.constant 640 : i32
    %mul3A_71 = arith.muli %arg1, %mul3A_70 : i32
    %add3A_72 = arith.constant 0 : i32
    %add3A_73 = arith.addi %mul3A_71, %add3A_72 : i32
    "tpu.region"() ({
      %run_scoped3A = tpu.sem_alloc : memref<!tpu.dma_semaphore, #tpu.memory_space<semaphore_mem>>
      %dma_start3A_130 = arith.constant 0 : i32
      %dma_start3A_131 = tpu.memref_slice %arg16[%add3A_73, %dma_start3A_130] : memref<10240x128xf32, #tpu.memory_space<vmem_shared>> -> memref<128x128xf32, #tpu.memory_space<vmem_shared>>
      %dma_start3A_132 = arith.constant 0 : i32
      %dma_start3A_133 = tpu.memref_slice %arg16[%add3A_73, %dma_start3A_132] : memref<10240x128xf32, #tpu.memory_space<vmem_shared>> -> memref<128x128xf32, #tpu.memory_space<vmem_shared>>
      tpu.enqueue_dma source(%arg14 : memref<128x128xf32, #tpu.memory_space<vmem>>) target(%dma_start3A_133 : memref<128x128xf32, #tpu.memory_space<vmem_shared>>) target_semaphore(%run_scoped3A : memref<!tpu.dma_semaphore, #tpu.memory_space<semaphore_mem>>)
      %dma_wait3A_134 = arith.constant 0 : i32
      %dma_wait3A_135 = tpu.memref_slice %arg16[%add3A_73, %dma_wait3A_134] : memref<10240x128xf32, #tpu.memory_space<vmem_shared>> -> memref<128x128xf32, #tpu.memory_space<vmem_shared>>
      %dma_wait3A_136 = arith.constant 0 : i32
      %dma_wait3A_137 = tpu.memref_slice %arg16[%add3A_73, %dma_wait3A_136] : memref<10240x128xf32, #tpu.memory_space<vmem_shared>> -> memref<128x128xf32, #tpu.memory_space<vmem_shared>>
      tpu.wait_dma2 semaphore(%run_scoped3A : memref<!tpu.dma_semaphore, #tpu.memory_space<semaphore_mem>>) src(%arg14 : memref<128x128xf32, #tpu.memory_space<vmem>>) dst(%dma_wait3A_137 : memref<128x128xf32, #tpu.memory_space<vmem_shared>>)
      tpu.yield
    }) : () -> ()
    %mul3A_74 = arith.constant 640 : i32
    %mul3A_75 = arith.muli %arg1, %mul3A_74 : i32
    %add3A_76 = arith.constant 128 : i32
    %add3A_77 = arith.addi %mul3A_75, %add3A_76 : i32
    "tpu.region"() ({
      %run_scoped3A = tpu.sem_alloc : memref<!tpu.dma_semaphore, #tpu.memory_space<semaphore_mem>>
      %dma_start3A_130 = arith.constant 0 : i32
      %dma_start3A_131 = tpu.memref_slice %arg16[%add3A_77, %dma_start3A_130] : memref<10240x128xf32, #tpu.memory_space<vmem_shared>> -> memref<128x128xf32, #tpu.memory_space<vmem_shared>>
      %dma_start3A_132 = arith.constant 0 : i32
      %dma_start3A_133 = tpu.memref_slice %arg16[%add3A_77, %dma_start3A_132] : memref<10240x128xf32, #tpu.memory_space<vmem_shared>> -> memref<128x128xf32, #tpu.memory_space<vmem_shared>>
      tpu.enqueue_dma source(%arg14 : memref<128x128xf32, #tpu.memory_space<vmem>>) target(%dma_start3A_133 : memref<128x128xf32, #tpu.memory_space<vmem_shared>>) target_semaphore(%run_scoped3A : memref<!tpu.dma_semaphore, #tpu.memory_space<semaphore_mem>>)
      %dma_wait3A_134 = arith.constant 0 : i32
      %dma_wait3A_135 = tpu.memref_slice %arg16[%add3A_77, %dma_wait3A_134] : memref<10240x128xf32, #tpu.memory_space<vmem_shared>> -> memref<128x128xf32, #tpu.memory_space<vmem_shared>>
      %dma_wait3A_136 = arith.constant 0 : i32
      %dma_wait3A_137 = tpu.memref_slice %arg16[%add3A_77, %dma_wait3A_136] : memref<10240x128xf32, #tpu.memory_space<vmem_shared>> -> memref<128x128xf32, #tpu.memory_space<vmem_shared>>
      tpu.wait_dma2 semaphore(%run_scoped3A : memref<!tpu.dma_semaphore, #tpu.memory_space<semaphore_mem>>) src(%arg14 : memref<128x128xf32, #tpu.memory_space<vmem>>) dst(%dma_wait3A_137 : memref<128x128xf32, #tpu.memory_space<vmem_shared>>)
      tpu.yield
    }) : () -> ()
    %mul3A_78 = arith.constant 640 : i32
    %mul3A_79 = arith.muli %arg1, %mul3A_78 : i32
    %add3A_80 = arith.constant 256 : i32
    %add3A_81 = arith.addi %mul3A_79, %add3A_80 : i32
    "tpu.region"() ({
      %run_scoped3A = tpu.sem_alloc : memref<!tpu.dma_semaphore, #tpu.memory_space<semaphore_mem>>
      %dma_start3A_130 = arith.constant 0 : i32
      %dma_start3A_131 = tpu.memref_slice %arg16[%add3A_81, %dma_start3A_130] : memref<10240x128xf32, #tpu.memory_space<vmem_shared>> -> memref<128x128xf32, #tpu.memory_space<vmem_shared>>
      %dma_start3A_132 = arith.constant 0 : i32
      %dma_start3A_133 = tpu.memref_slice %arg16[%add3A_81, %dma_start3A_132] : memref<10240x128xf32, #tpu.memory_space<vmem_shared>> -> memref<128x128xf32, #tpu.memory_space<vmem_shared>>
      tpu.enqueue_dma source(%arg14 : memref<128x128xf32, #tpu.memory_space<vmem>>) target(%dma_start3A_133 : memref<128x128xf32, #tpu.memory_space<vmem_shared>>) target_semaphore(%run_scoped3A : memref<!tpu.dma_semaphore, #tpu.memory_space<semaphore_mem>>)
      %dma_wait3A_134 = arith.constant 0 : i32
      %dma_wait3A_135 = tpu.memref_slice %arg16[%add3A_81, %dma_wait3A_134] : memref<10240x128xf32, #tpu.memory_space<vmem_shared>> -> memref<128x128xf32, #tpu.memory_space<vmem_shared>>
      %dma_wait3A_136 = arith.constant 0 : i32
      %dma_wait3A_137 = tpu.memref_slice %arg16[%add3A_81, %dma_wait3A_136] : memref<10240x128xf32, #tpu.memory_space<vmem_shared>> -> memref<128x128xf32, #tpu.memory_space<vmem_shared>>
      tpu.wait_dma2 semaphore(%run_scoped3A : memref<!tpu.dma_semaphore, #tpu.memory_space<semaphore_mem>>) src(%arg14 : memref<128x128xf32, #tpu.memory_space<vmem>>) dst(%dma_wait3A_137 : memref<128x128xf32, #tpu.memory_space<vmem_shared>>)
      tpu.yield
    }) : () -> ()
    %mul3A_82 = arith.constant 640 : i32
    %mul3A_83 = arith.muli %arg1, %mul3A_82 : i32
    %add3A_84 = arith.constant 384 : i32
    %add3A_85 = arith.addi %mul3A_83, %add3A_84 : i32
    "tpu.region"() ({
      %run_scoped3A = tpu.sem_alloc : memref<!tpu.dma_semaphore, #tpu.memory_space<semaphore_mem>>
      %dma_start3A_130 = arith.constant 0 : i32
      %dma_start3A_131 = tpu.memref_slice %arg16[%add3A_85, %dma_start3A_130] : memref<10240x128xf32, #tpu.memory_space<vmem_shared>> -> memref<128x128xf32, #tpu.memory_space<vmem_shared>>
      %dma_start3A_132 = arith.constant 0 : i32
      %dma_start3A_133 = tpu.memref_slice %arg16[%add3A_85, %dma_start3A_132] : memref<10240x128xf32, #tpu.memory_space<vmem_shared>> -> memref<128x128xf32, #tpu.memory_space<vmem_shared>>
      tpu.enqueue_dma source(%arg14 : memref<128x128xf32, #tpu.memory_space<vmem>>) target(%dma_start3A_133 : memref<128x128xf32, #tpu.memory_space<vmem_shared>>) target_semaphore(%run_scoped3A : memref<!tpu.dma_semaphore, #tpu.memory_space<semaphore_mem>>)
      %dma_wait3A_134 = arith.constant 0 : i32
      %dma_wait3A_135 = tpu.memref_slice %arg16[%add3A_85, %dma_wait3A_134] : memref<10240x128xf32, #tpu.memory_space<vmem_shared>> -> memref<128x128xf32, #tpu.memory_space<vmem_shared>>
      %dma_wait3A_136 = arith.constant 0 : i32
      %dma_wait3A_137 = tpu.memref_slice %arg16[%add3A_85, %dma_wait3A_136] : memref<10240x128xf32, #tpu.memory_space<vmem_shared>> -> memref<128x128xf32, #tpu.memory_space<vmem_shared>>
      tpu.wait_dma2 semaphore(%run_scoped3A : memref<!tpu.dma_semaphore, #tpu.memory_space<semaphore_mem>>) src(%arg14 : memref<128x128xf32, #tpu.memory_space<vmem>>) dst(%dma_wait3A_137 : memref<128x128xf32, #tpu.memory_space<vmem_shared>>)
      tpu.yield
    }) : () -> ()
    %mul3A_86 = arith.constant 640 : i32
    %mul3A_87 = arith.muli %arg1, %mul3A_86 : i32
    %add3A_88 = arith.constant 512 : i32
    %add3A_89 = arith.addi %mul3A_87, %add3A_88 : i32
    "tpu.region"() ({
      %run_scoped3A = tpu.sem_alloc : memref<!tpu.dma_semaphore, #tpu.memory_space<semaphore_mem>>
      %dma_start3A_130 = arith.constant 0 : i32
      %dma_start3A_131 = tpu.memref_slice %arg16[%add3A_89, %dma_start3A_130] : memref<10240x128xf32, #tpu.memory_space<vmem_shared>> -> memref<128x128xf32, #tpu.memory_space<vmem_shared>>
      %dma_start3A_132 = arith.constant 0 : i32
      %dma_start3A_133 = tpu.memref_slice %arg16[%add3A_89, %dma_start3A_132] : memref<10240x128xf32, #tpu.memory_space<vmem_shared>> -> memref<128x128xf32, #tpu.memory_space<vmem_shared>>
      tpu.enqueue_dma source(%arg14 : memref<128x128xf32, #tpu.memory_space<vmem>>) target(%dma_start3A_133 : memref<128x128xf32, #tpu.memory_space<vmem_shared>>) target_semaphore(%run_scoped3A : memref<!tpu.dma_semaphore, #tpu.memory_space<semaphore_mem>>)
      %dma_wait3A_134 = arith.constant 0 : i32
      %dma_wait3A_135 = tpu.memref_slice %arg16[%add3A_89, %dma_wait3A_134] : memref<10240x128xf32, #tpu.memory_space<vmem_shared>> -> memref<128x128xf32, #tpu.memory_space<vmem_shared>>
      %dma_wait3A_136 = arith.constant 0 : i32
      %dma_wait3A_137 = tpu.memref_slice %arg16[%add3A_89, %dma_wait3A_136] : memref<10240x128xf32, #tpu.memory_space<vmem_shared>> -> memref<128x128xf32, #tpu.memory_space<vmem_shared>>
      tpu.wait_dma2 semaphore(%run_scoped3A : memref<!tpu.dma_semaphore, #tpu.memory_space<semaphore_mem>>) src(%arg14 : memref<128x128xf32, #tpu.memory_space<vmem>>) dst(%dma_wait3A_137 : memref<128x128xf32, #tpu.memory_space<vmem_shared>>)
      tpu.yield
    }) : () -> ()
    %barrier3A_90 = arith.constant 0 : index
    tpu.barrier barrier_id(%barrier3A_90)
    %add3A_91 = arith.constant 0 : i32
    %add3A_92 = arith.addi %add3A, %add3A_91 : i32
    %eq3A_93 = arith.constant 0 : i32
    %eq3A_94 = arith.cmpi eq, %arg0, %eq3A_93 : i32
    %convert_element_type3A_95 = arith.extui %eq3A_94 : i1 to i32
    %cond3A_96 = arith.constant 0 : i32
    %cond3A_97 = arith.cmpi ne, %convert_element_type3A_95, %cond3A_96 : i32
    scf.if %cond3A_97 {
      "tpu.region"() ({
        %run_scoped3A = tpu.sem_alloc : memref<!tpu.dma_semaphore, #tpu.memory_space<semaphore_mem>>
        %dma_start3A_130 = arith.constant 0 : i32
        %dma_start3A_131 = tpu.memref_slice %arg7[%add3A_92, %dma_start3A_130] : memref<1280x128xi32, #tpu.memory_space<hbm>> -> memref<40x128xi32, #tpu.memory_space<hbm>>
        %dma_start3A_132 = arith.constant 0 : i32
        %dma_start3A_133 = tpu.memref_slice %arg7[%add3A_92, %dma_start3A_132] : memref<1280x128xi32, #tpu.memory_space<hbm>> -> memref<40x128xi32, #tpu.memory_space<hbm>>
        tpu.enqueue_dma source(%dma_start3A_133 : memref<40x128xi32, #tpu.memory_space<hbm>>) target(%arg12 : memref<40x128xi32, #tpu.memory_space<vmem>>) target_semaphore(%run_scoped3A : memref<!tpu.dma_semaphore, #tpu.memory_space<semaphore_mem>>)
        %dma_wait3A_134 = arith.constant 0 : i32
        %dma_wait3A_135 = tpu.memref_slice %arg7[%add3A_92, %dma_wait3A_134] : memref<1280x128xi32, #tpu.memory_space<hbm>> -> memref<40x128xi32, #tpu.memory_space<hbm>>
        %dma_wait3A_136 = arith.constant 0 : i32
        %dma_wait3A_137 = tpu.memref_slice %arg7[%add3A_92, %dma_wait3A_136] : memref<1280x128xi32, #tpu.memory_space<hbm>> -> memref<40x128xi32, #tpu.memory_space<hbm>>
        tpu.wait_dma2 semaphore(%run_scoped3A : memref<!tpu.dma_semaphore, #tpu.memory_space<semaphore_mem>>) src(%dma_wait3A_137 : memref<40x128xi32, #tpu.memory_space<hbm>>) dst(%arg12 : memref<40x128xi32, #tpu.memory_space<vmem>>)
        tpu.yield
      }) : () -> ()
    } else {
    }
    %eq3A_98 = arith.constant 1 : i32
    %eq3A_99 = arith.cmpi eq, %arg0, %eq3A_98 : i32
    %convert_element_type3A_100 = arith.extui %eq3A_99 : i1 to i32
    %cond3A_101 = arith.constant 0 : i32
    %cond3A_102 = arith.cmpi ne, %convert_element_type3A_100, %cond3A_101 : i32
    scf.if %cond3A_102 {
      "tpu.region"() ({
        %run_scoped3A = tpu.sem_alloc : memref<!tpu.dma_semaphore, #tpu.memory_space<semaphore_mem>>
        %dma_start3A_130 = arith.constant 0 : i32
        %dma_start3A_131 = tpu.memref_slice %arg8[%add3A_92, %dma_start3A_130] : memref<1280x128xi32, #tpu.memory_space<hbm>> -> memref<40x128xi32, #tpu.memory_space<hbm>>
        %dma_start3A_132 = arith.constant 0 : i32
        %dma_start3A_133 = tpu.memref_slice %arg8[%add3A_92, %dma_start3A_132] : memref<1280x128xi32, #tpu.memory_space<hbm>> -> memref<40x128xi32, #tpu.memory_space<hbm>>
        tpu.enqueue_dma source(%dma_start3A_133 : memref<40x128xi32, #tpu.memory_space<hbm>>) target(%arg12 : memref<40x128xi32, #tpu.memory_space<vmem>>) target_semaphore(%run_scoped3A : memref<!tpu.dma_semaphore, #tpu.memory_space<semaphore_mem>>)
        %dma_wait3A_134 = arith.constant 0 : i32
        %dma_wait3A_135 = tpu.memref_slice %arg8[%add3A_92, %dma_wait3A_134] : memref<1280x128xi32, #tpu.memory_space<hbm>> -> memref<40x128xi32, #tpu.memory_space<hbm>>
        %dma_wait3A_136 = arith.constant 0 : i32
        %dma_wait3A_137 = tpu.memref_slice %arg8[%add3A_92, %dma_wait3A_136] : memref<1280x128xi32, #tpu.memory_space<hbm>> -> memref<40x128xi32, #tpu.memory_space<hbm>>
        tpu.wait_dma2 semaphore(%run_scoped3A : memref<!tpu.dma_semaphore, #tpu.memory_space<semaphore_mem>>) src(%dma_wait3A_137 : memref<40x128xi32, #tpu.memory_space<hbm>>) dst(%arg12 : memref<40x128xi32, #tpu.memory_space<vmem>>)
        tpu.yield
      }) : () -> ()
    } else {
    }
    "tpu.region"() ({
      %run_scoped3A = tpu.sem_alloc : memref<!tpu.dma_semaphore, #tpu.memory_space<semaphore_mem>>
      %dma_start3A_130 = arith.constant 0 : i32
      %dma_start3A_131 = tpu.memref_slice %arg9[%add3A_92, %dma_start3A_130] : memref<1280x128xi32, #tpu.memory_space<hbm>> -> memref<40x128xi32, #tpu.memory_space<hbm>>
      %dma_start3A_132 = arith.constant 0 : i32
      %dma_start3A_133 = tpu.memref_slice %arg9[%add3A_92, %dma_start3A_132] : memref<1280x128xi32, #tpu.memory_space<hbm>> -> memref<40x128xi32, #tpu.memory_space<hbm>>
      tpu.enqueue_dma source(%dma_start3A_133 : memref<40x128xi32, #tpu.memory_space<hbm>>) target(%arg13 : memref<40x128xi32, #tpu.memory_space<vmem>>) target_semaphore(%run_scoped3A : memref<!tpu.dma_semaphore, #tpu.memory_space<semaphore_mem>>)
      %dma_wait3A_134 = arith.constant 0 : i32
      %dma_wait3A_135 = tpu.memref_slice %arg9[%add3A_92, %dma_wait3A_134] : memref<1280x128xi32, #tpu.memory_space<hbm>> -> memref<40x128xi32, #tpu.memory_space<hbm>>
      %dma_wait3A_136 = arith.constant 0 : i32
      %dma_wait3A_137 = tpu.memref_slice %arg9[%add3A_92, %dma_wait3A_136] : memref<1280x128xi32, #tpu.memory_space<hbm>> -> memref<40x128xi32, #tpu.memory_space<hbm>>
      tpu.wait_dma2 semaphore(%run_scoped3A : memref<!tpu.dma_semaphore, #tpu.memory_space<semaphore_mem>>) src(%dma_wait3A_137 : memref<40x128xi32, #tpu.memory_space<hbm>>) dst(%arg13 : memref<40x128xi32, #tpu.memory_space<vmem>>)
      tpu.yield
    }) : () -> ()
    %dma_start3A_103 = arith.constant 0 : i32
    %dma_start3A_104 = arith.constant 0 : i32
    %dma_start3A_105 = tpu.memref_slice %arg12[%dma_start3A_103, %dma_start3A_104] : memref<40x128xi32, #tpu.memory_space<vmem>> -> memref<1x128xi32, #tpu.memory_space<vmem>>
    %dma_start3A_106 = tpu.memref_squeeze %dma_start3A_105 : memref<1x128xi32, #tpu.memory_space<vmem>> -> memref<128xi32, #tpu.memory_space<vmem>>
    %dma_start3A_107 = arith.constant 0 : i32
    %dma_start3A_108 = arith.constant 0 : i32
    %dma_start3A_109 = tpu.memref_slice %arg3[%dma_start3A_107, %dma_start3A_108] : memref<10000x128xf32, #tpu.memory_space<hbm>> -> memref<10000x128xf32, #tpu.memory_space<hbm>>
    tpu.enqueue_indirect_dma source(%dma_start3A_109 : memref<10000x128xf32, #tpu.memory_space<hbm>>) target(%arg14 : memref<128x128xf32, #tpu.memory_space<vmem>>) offsets(%dma_start3A_106 : memref<128xi32, #tpu.memory_space<vmem>>) semaphore(%arg17 : memref<!tpu.dma_semaphore, #tpu.memory_space<semaphore_mem>>)
    %scan3A_110 = arith.constant 0 : i32
    %scan3A_111 = arith.constant 0 : i32
    %scan3A_112 = arith.constant 20 : i32
    %scan3A_113 = arith.addi %scan3A_111, %scan3A_112 : i32
    %scan3A_114 = arith.constant 1 : i32
    %scan3A_115 = scf.for %scan3A_130 = %scan3A_111 to %scan3A_113 step %scan3A_114 iter_args(%scan3A_131 = %scan3A_110) -> (i32)  : i32 {
      %mul3A_132 = arith.constant 2 : i32
      %mul3A_133 = arith.muli %mul3A_132, %scan3A_130 : i32
      %mul3A_134 = arith.constant 2 : i32
      %mul3A_135 = arith.muli %mul3A_134, %scan3A_130 : i32
      %add3A_136 = arith.constant 1 : i32
      %add3A_137 = arith.addi %mul3A_135, %add3A_136 : i32
      %dma_wait3A_138 = arith.constant 0 : i32
      %dma_wait3A_139 = arith.constant 0 : i32
      %dma_wait3A_140 = tpu.memref_slice %arg12[%dma_wait3A_138, %dma_wait3A_139] : memref<40x128xi32, #tpu.memory_space<vmem>> -> memref<1x128xi32, #tpu.memory_space<vmem>>
      %dma_wait3A_141 = tpu.memref_squeeze %dma_wait3A_140 : memref<1x128xi32, #tpu.memory_space<vmem>> -> memref<128xi32, #tpu.memory_space<vmem>>
      %dma_wait3A_142 = arith.constant 0 : i32
      %dma_wait3A_143 = arith.constant 0 : i32
      %dma_wait3A_144 = tpu.memref_slice %arg3[%dma_wait3A_142, %dma_wait3A_143] : memref<10000x128xf32, #tpu.memory_space<hbm>> -> memref<10000x128xf32, #tpu.memory_space<hbm>>
      tpu.wait_indirect_dma semaphore(%arg17 : memref<!tpu.dma_semaphore, #tpu.memory_space<semaphore_mem>>) src(%dma_wait3A_144 : memref<10000x128xf32, #tpu.memory_space<hbm>>) dst(%arg14 : memref<128x128xf32, #tpu.memory_space<vmem>>)
      %dma_start3A_145 = arith.constant 0 : i32
      %dma_start3A_146 = tpu.memref_slice %arg12[%add3A_137, %dma_start3A_145] : memref<40x128xi32, #tpu.memory_space<vmem>> -> memref<1x128xi32, #tpu.memory_space<vmem>>
      %dma_start3A_147 = tpu.memref_squeeze %dma_start3A_146 : memref<1x128xi32, #tpu.memory_space<vmem>> -> memref<128xi32, #tpu.memory_space<vmem>>
      %dma_start3A_148 = arith.constant 0 : i32
      %dma_start3A_149 = arith.constant 0 : i32
      %dma_start3A_150 = tpu.memref_slice %arg3[%dma_start3A_148, %dma_start3A_149] : memref<10000x128xf32, #tpu.memory_space<hbm>> -> memref<10000x128xf32, #tpu.memory_space<hbm>>
      tpu.enqueue_indirect_dma source(%dma_start3A_150 : memref<10000x128xf32, #tpu.memory_space<hbm>>) target(%arg15 : memref<128x128xf32, #tpu.memory_space<vmem>>) offsets(%dma_start3A_147 : memref<128xi32, #tpu.memory_space<vmem>>) semaphore(%arg18 : memref<!tpu.dma_semaphore, #tpu.memory_space<semaphore_mem>>)
      "tpu.region"() ({
        %run_scoped3A = tpu.sem_alloc : memref<!tpu.dma_semaphore, #tpu.memory_space<semaphore_mem>>
        %dma_start3A_168 = arith.constant 0 : i32
        %dma_start3A_169 = tpu.memref_slice %arg13[%mul3A_133, %dma_start3A_168] : memref<40x128xi32, #tpu.memory_space<vmem>> -> memref<1x128xi32, #tpu.memory_space<vmem>>
        %dma_start3A_170 = tpu.memref_squeeze %dma_start3A_169 : memref<1x128xi32, #tpu.memory_space<vmem>> -> memref<128xi32, #tpu.memory_space<vmem>>
        %dma_start3A_171 = arith.constant 0 : i32
        %dma_start3A_172 = arith.constant 0 : i32
        %dma_start3A_173 = tpu.memref_slice %arg16[%dma_start3A_171, %dma_start3A_172] : memref<10240x128xf32, #tpu.memory_space<vmem_shared>> -> memref<10240x128xf32, #tpu.memory_space<vmem_shared>>
        tpu.enqueue_indirect_dma source(%arg14 : memref<128x128xf32, #tpu.memory_space<vmem>>) target(%dma_start3A_173 : memref<10240x128xf32, #tpu.memory_space<vmem_shared>>) offsets(%dma_start3A_170 : memref<128xi32, #tpu.memory_space<vmem>>) semaphore(%run_scoped3A : memref<!tpu.dma_semaphore, #tpu.memory_space<semaphore_mem>>) {add = true}
        %dma_wait3A_174 = arith.constant 0 : i32
        %dma_wait3A_175 = tpu.memref_slice %arg13[%mul3A_133, %dma_wait3A_174] : memref<40x128xi32, #tpu.memory_space<vmem>> -> memref<1x128xi32, #tpu.memory_space<vmem>>
        %dma_wait3A_176 = tpu.memref_squeeze %dma_wait3A_175 : memref<1x128xi32, #tpu.memory_space<vmem>> -> memref<128xi32, #tpu.memory_space<vmem>>
        %dma_wait3A_177 = arith.constant 0 : i32
        %dma_wait3A_178 = arith.constant 0 : i32
        %dma_wait3A_179 = tpu.memref_slice %arg16[%dma_wait3A_177, %dma_wait3A_178] : memref<10240x128xf32, #tpu.memory_space<vmem_shared>> -> memref<10240x128xf32, #tpu.memory_space<vmem_shared>>
        tpu.wait_indirect_dma semaphore(%run_scoped3A : memref<!tpu.dma_semaphore, #tpu.memory_space<semaphore_mem>>) src(%arg14 : memref<128x128xf32, #tpu.memory_space<vmem>>) dst(%dma_wait3A_179 : memref<10240x128xf32, #tpu.memory_space<vmem_shared>>)
        tpu.yield
      }) : () -> ()
      %dma_wait3A_151 = arith.constant 0 : i32
      %dma_wait3A_152 = arith.constant 0 : i32
      %dma_wait3A_153 = tpu.memref_slice %arg12[%dma_wait3A_151, %dma_wait3A_152] : memref<40x128xi32, #tpu.memory_space<vmem>> -> memref<1x128xi32, #tpu.memory_space<vmem>>
      %dma_wait3A_154 = tpu.memref_squeeze %dma_wait3A_153 : memref<1x128xi32, #tpu.memory_space<vmem>> -> memref<128xi32, #tpu.memory_space<vmem>>
      %dma_wait3A_155 = arith.constant 0 : i32
      %dma_wait3A_156 = arith.constant 0 : i32
      %dma_wait3A_157 = tpu.memref_slice %arg3[%dma_wait3A_155, %dma_wait3A_156] : memref<10000x128xf32, #tpu.memory_space<hbm>> -> memref<10000x128xf32, #tpu.memory_space<hbm>>
      tpu.wait_indirect_dma semaphore(%arg18 : memref<!tpu.dma_semaphore, #tpu.memory_space<semaphore_mem>>) src(%dma_wait3A_157 : memref<10000x128xf32, #tpu.memory_space<hbm>>) dst(%arg15 : memref<128x128xf32, #tpu.memory_space<vmem>>)
      %add3A_158 = arith.constant 2 : i32
      %add3A_159 = arith.addi %mul3A_133, %add3A_158 : i32
      %min3A = arith.constant 39 : i32
      %min3A_160 = arith.minsi %add3A_159, %min3A : i32
      %dma_start3A_161 = arith.constant 0 : i32
      %dma_start3A_162 = tpu.memref_slice %arg12[%min3A_160, %dma_start3A_161] : memref<40x128xi32, #tpu.memory_space<vmem>> -> memref<1x128xi32, #tpu.memory_space<vmem>>
      %dma_start3A_163 = tpu.memref_squeeze %dma_start3A_162 : memref<1x128xi32, #tpu.memory_space<vmem>> -> memref<128xi32, #tpu.memory_space<vmem>>
      %dma_start3A_164 = arith.constant 0 : i32
      %dma_start3A_165 = arith.constant 0 : i32
      %dma_start3A_166 = tpu.memref_slice %arg3[%dma_start3A_164, %dma_start3A_165] : memref<10000x128xf32, #tpu.memory_space<hbm>> -> memref<10000x128xf32, #tpu.memory_space<hbm>>
      tpu.enqueue_indirect_dma source(%dma_start3A_166 : memref<10000x128xf32, #tpu.memory_space<hbm>>) target(%arg14 : memref<128x128xf32, #tpu.memory_space<vmem>>) offsets(%dma_start3A_163 : memref<128xi32, #tpu.memory_space<vmem>>) semaphore(%arg17 : memref<!tpu.dma_semaphore, #tpu.memory_space<semaphore_mem>>)
      "tpu.region"() ({
        %run_scoped3A = tpu.sem_alloc : memref<!tpu.dma_semaphore, #tpu.memory_space<semaphore_mem>>
        %dma_start3A_168 = arith.constant 0 : i32
        %dma_start3A_169 = tpu.memref_slice %arg13[%add3A_137, %dma_start3A_168] : memref<40x128xi32, #tpu.memory_space<vmem>> -> memref<1x128xi32, #tpu.memory_space<vmem>>
        %dma_start3A_170 = tpu.memref_squeeze %dma_start3A_169 : memref<1x128xi32, #tpu.memory_space<vmem>> -> memref<128xi32, #tpu.memory_space<vmem>>
        %dma_start3A_171 = arith.constant 0 : i32
        %dma_start3A_172 = arith.constant 0 : i32
        %dma_start3A_173 = tpu.memref_slice %arg16[%dma_start3A_171, %dma_start3A_172] : memref<10240x128xf32, #tpu.memory_space<vmem_shared>> -> memref<10240x128xf32, #tpu.memory_space<vmem_shared>>
        tpu.enqueue_indirect_dma source(%arg15 : memref<128x128xf32, #tpu.memory_space<vmem>>) target(%dma_start3A_173 : memref<10240x128xf32, #tpu.memory_space<vmem_shared>>) offsets(%dma_start3A_170 : memref<128xi32, #tpu.memory_space<vmem>>) semaphore(%run_scoped3A : memref<!tpu.dma_semaphore, #tpu.memory_space<semaphore_mem>>) {add = true}
        %dma_wait3A_174 = arith.constant 0 : i32
        %dma_wait3A_175 = tpu.memref_slice %arg13[%add3A_137, %dma_wait3A_174] : memref<40x128xi32, #tpu.memory_space<vmem>> -> memref<1x128xi32, #tpu.memory_space<vmem>>
        %dma_wait3A_176 = tpu.memref_squeeze %dma_wait3A_175 : memref<1x128xi32, #tpu.memory_space<vmem>> -> memref<128xi32, #tpu.memory_space<vmem>>
        %dma_wait3A_177 = arith.constant 0 : i32
        %dma_wait3A_178 = arith.constant 0 : i32
        %dma_wait3A_179 = tpu.memref_slice %arg16[%dma_wait3A_177, %dma_wait3A_178] : memref<10240x128xf32, #tpu.memory_space<vmem_shared>> -> memref<10240x128xf32, #tpu.memory_space<vmem_shared>>
        tpu.wait_indirect_dma semaphore(%run_scoped3A : memref<!tpu.dma_semaphore, #tpu.memory_space<semaphore_mem>>) src(%arg15 : memref<128x128xf32, #tpu.memory_space<vmem>>) dst(%dma_wait3A_179 : memref<10240x128xf32, #tpu.memory_space<vmem_shared>>)
        tpu.yield
      }) : () -> ()
      %scan3A_167 = arith.constant 0 : i32
      scf.yield %scan3A_167 : i32
    }
    %scan3A_116 = arith.constant 20 : i32
    %dma_wait3A_117 = arith.constant 0 : i32
    %dma_wait3A_118 = arith.constant 0 : i32
    %dma_wait3A_119 = tpu.memref_slice %arg12[%dma_wait3A_117, %dma_wait3A_118] : memref<40x128xi32, #tpu.memory_space<vmem>> -> memref<1x128xi32, #tpu.memory_space<vmem>>
    %dma_wait3A_120 = tpu.memref_squeeze %dma_wait3A_119 : memref<1x128xi32, #tpu.memory_space<vmem>> -> memref<128xi32, #tpu.memory_space<vmem>>
    %dma_wait3A_121 = arith.constant 0 : i32
    %dma_wait3A_122 = arith.constant 0 : i32
    %dma_wait3A_123 = tpu.memref_slice %arg3[%dma_wait3A_121, %dma_wait3A_122] : memref<10000x128xf32, #tpu.memory_space<hbm>> -> memref<10000x128xf32, #tpu.memory_space<hbm>>
    tpu.wait_indirect_dma semaphore(%arg17 : memref<!tpu.dma_semaphore, #tpu.memory_space<semaphore_mem>>) src(%dma_wait3A_123 : memref<10000x128xf32, #tpu.memory_space<hbm>>) dst(%arg14 : memref<128x128xf32, #tpu.memory_space<vmem>>)
    %barrier3A_124 = arith.constant 0 : index
    tpu.barrier barrier_id(%barrier3A_124)
    %mul3A_125 = arith.constant 640 : i32
    %mul3A_126 = arith.muli %arg1, %mul3A_125 : i32
    %mul3A_127 = arith.constant 640 : i32
    %mul3A_128 = arith.muli %arg1, %mul3A_127 : i32
    "tpu.region"() ({
      %run_scoped3A = tpu.sem_alloc : memref<!tpu.dma_semaphore, #tpu.memory_space<semaphore_mem>>
      %dma_start3A_130 = arith.constant 0 : i32
      %dma_start3A_131 = tpu.memref_slice %arg11[%arg0, %mul3A_128, %dma_start3A_130] : memref<2x10240x128xf32, #tpu.memory_space<hbm>> -> memref<1x640x128xf32, #tpu.memory_space<hbm>>
      %dma_start3A_132 = tpu.memref_squeeze %dma_start3A_131 : memref<1x640x128xf32, #tpu.memory_space<hbm>> -> memref<640x128xf32, #tpu.memory_space<hbm>>
      %dma_start3A_133 = arith.constant 0 : i32
      %dma_start3A_134 = tpu.memref_slice %arg16[%mul3A_126, %dma_start3A_133] : memref<10240x128xf32, #tpu.memory_space<vmem_shared>> -> memref<640x128xf32, #tpu.memory_space<vmem_shared>>
      tpu.enqueue_dma source(%dma_start3A_134 : memref<640x128xf32, #tpu.memory_space<vmem_shared>>) target(%dma_start3A_132 : memref<640x128xf32, #tpu.memory_space<hbm>>) target_semaphore(%run_scoped3A : memref<!tpu.dma_semaphore, #tpu.memory_space<semaphore_mem>>)
      %dma_wait3A_135 = arith.constant 0 : i32
      %dma_wait3A_136 = tpu.memref_slice %arg11[%arg0, %mul3A_128, %dma_wait3A_135] : memref<2x10240x128xf32, #tpu.memory_space<hbm>> -> memref<1x640x128xf32, #tpu.memory_space<hbm>>
      %dma_wait3A_137 = tpu.memref_squeeze %dma_wait3A_136 : memref<1x640x128xf32, #tpu.memory_space<hbm>> -> memref<640x128xf32, #tpu.memory_space<hbm>>
      %dma_wait3A_138 = arith.constant 0 : i32
      %dma_wait3A_139 = tpu.memref_slice %arg16[%mul3A_126, %dma_wait3A_138] : memref<10240x128xf32, #tpu.memory_space<vmem_shared>> -> memref<640x128xf32, #tpu.memory_space<vmem_shared>>
      tpu.wait_dma2 semaphore(%run_scoped3A : memref<!tpu.dma_semaphore, #tpu.memory_space<semaphore_mem>>) src(%dma_wait3A_139 : memref<640x128xf32, #tpu.memory_space<vmem_shared>>) dst(%dma_wait3A_137 : memref<640x128xf32, #tpu.memory_space<hbm>>)
      tpu.yield
    }) : () -> ()
    %barrier3A_129 = arith.constant 0 : index
    tpu.barrier barrier_id(%barrier3A_129)
    return
  }
}

#map = affine_map<(d0, d1) -> (0, 0)>
#map1 = affine_map<(d0, d1) -> (0, 0, 0)>
module attributes {stable_mosaic.version = 14 : i64} {
  func.func @conv(%arg0: i32, %arg1: i32, %arg2: memref<20000x128xf32, #tpu.memory_space<hbm>>, %arg3: memref<20000x128xf32, #tpu.memory_space<hbm>>, %arg4: memref<1280x128xi32, #tpu.memory_space<hbm>>, %arg5: memref<1280x128xi32, #tpu.memory_space<hbm>>, %arg6: memref<1280x128xi32, #tpu.memory_space<hbm>>, %arg7: memref<1280x128xi32, #tpu.memory_space<hbm>>, %arg8: memref<1280x128xi32, #tpu.memory_space<hbm>>, %arg9: memref<1280x128xi32, #tpu.memory_space<hbm>>, %arg10: memref<2x10240x128xf32, #tpu.memory_space<hbm>>, %arg11: memref<2x10240x128xf32, #tpu.memory_space<hbm>>, %arg12: memref<40x128xi32, #tpu.memory_space<vmem>>, %arg13: memref<40x128xi32, #tpu.memory_space<vmem>>, %arg14: memref<128x128xf32, #tpu.memory_space<vmem>>, %arg15: memref<128x128xf32, #tpu.memory_space<vmem>>, %arg16: memref<10240x128xf32, #tpu.memory_space<vmem_shared>>, %arg17: memref<!tpu.dma_semaphore, #tpu.memory_space<semaphore_mem>>, %arg18: memref<!tpu.dma_semaphore, #tpu.memory_space<semaphore_mem>>) attributes {dimension_semantics = [#tpu.dimension_semantics<core_parallel>, #tpu.dimension_semantics<subcore_parallel>], iteration_bounds = array<i64: 2, 16>, scalar_prefetch = 0 : i64, scratch_operands = 7 : i64, tpu.core_type = #tpu.core_type<sc_vector_subcore>, window_params = [{transform_indices = #map}, {transform_indices = #map}, {transform_indices = #map}, {transform_indices = #map}, {transform_indices = #map}, {transform_indices = #map}, {transform_indices = #map}, {transform_indices = #map}, {transform_indices = #map1}, {transform_indices = #map1}]} {
    %mul3A = arith.constant 80 : i32
    %mul3A_0 = arith.muli %arg1, %mul3A : i32
    %scan3A = arith.constant 0 : i32
    %scan3A_1 = arith.constant 0 : i32
    %scan3A_2 = arith.constant 1024 : i32
    %scan3A_3 = arith.addi %scan3A_1, %scan3A_2 : i32
    %scan3A_4 = arith.constant 1 : i32
    %scan3A_5 = scf.for %scan3A_193 = %scan3A_1 to %scan3A_3 step %scan3A_4 iter_args(%scan3A_194 = %scan3A) -> (i32)  : i32 {
      %broadcast_in_dim3A = arith.constant 0.000000e+00 : f32
      %broadcast_in_dim3A_195 = vector.broadcast %broadcast_in_dim3A : f32 to vector<16xf32>
      %jit3A = arith.constant 8 : i32
      %div3A = arith.divsi %scan3A_193, %jit3A : i32
      %sign3A = arith.constant 0 : i32
      %sign3A_196 = arith.cmpi sgt, %scan3A_193, %sign3A : i32
      %sign3A_197 = arith.extui %sign3A_196 : i1 to i32
      %sign3A_198 = arith.constant 0 : i32
      %sign3A_199 = arith.cmpi slt, %scan3A_193, %sign3A_198 : i32
      %sign3A_200 = arith.extui %sign3A_199 : i1 to i32
      %sign3A_201 = arith.subi %sign3A_197, %sign3A_200 : i32
      %sign3A_202 = arith.constant 0 : i32
      %sign3A_203 = arith.cmpi sgt, %jit3A, %sign3A_202 : i32
      %sign3A_204 = arith.extui %sign3A_203 : i1 to i32
      %sign3A_205 = arith.constant 0 : i32
      %sign3A_206 = arith.cmpi slt, %jit3A, %sign3A_205 : i32
      %sign3A_207 = arith.extui %sign3A_206 : i1 to i32
      %sign3A_208 = arith.subi %sign3A_204, %sign3A_207 : i32
      %ne3A = arith.cmpi ne, %sign3A_201, %sign3A_208 : i32
      %rem3A = arith.remsi %scan3A_193, %jit3A : i32
      %ne3A_209 = arith.constant 0 : i32
      %ne3A_210 = arith.cmpi ne, %rem3A, %ne3A_209 : i32
      %and3A = arith.andi %ne3A, %ne3A_210 : i1
      %sub3A = arith.constant 1 : i32
      %sub3A_211 = arith.subi %div3A, %sub3A : i32
      %select_n3A = arith.select %and3A, %sub3A_211, %div3A : i32
      %jit3A_212 = arith.constant 8 : i32
      %eq3A_213 = arith.constant 0 : i32
      %eq3A_214 = arith.cmpi eq, %jit3A_212, %eq3A_213 : i32
      %jit3A_215 = arith.constant 1 : i32
      %select_n3A_216 = arith.select %eq3A_214, %jit3A_215, %jit3A_212 : i32
      %rem3A_217 = arith.remsi %scan3A_193, %select_n3A_216 : i32
      %ne3A_218 = arith.constant 0 : i32
      %ne3A_219 = arith.cmpi ne, %rem3A_217, %ne3A_218 : i32
      %lt3A = arith.constant 0 : i32
      %lt3A_220 = arith.cmpi slt, %rem3A_217, %lt3A : i32
      %lt3A_221 = arith.constant 0 : i32
      %lt3A_222 = arith.cmpi slt, %select_n3A_216, %lt3A_221 : i32
      %ne3A_223 = arith.xori %lt3A_220, %lt3A_222 : i1
      %and3A_224 = arith.andi %ne3A_223, %ne3A_219 : i1
      %add3A_225 = arith.addi %rem3A_217, %select_n3A_216 : i32
      %select_n3A_226 = arith.select %and3A_224, %add3A_225, %rem3A_217 : i32
      %mul3A_227 = arith.constant 16 : i32
      %mul3A_228 = arith.muli %select_n3A_226, %mul3A_227 : i32
      %swap3A = arith.index_cast %select_n3A : i32 to index
      %swap3A_229 = arith.index_cast %mul3A_228 : i32 to index
      %swap3A_230 = tpu.vector_load %arg14[%swap3A, %swap3A_229] {strides = array<i32>} : memref<128x128xf32, #tpu.memory_space<vmem>>, vector<1x16xf32>,
      %swap3A_231 = vector.shape_cast %swap3A_230 : vector<1x16xf32> to vector<16xf32>
      %swap3A_232 = vector.shape_cast %broadcast_in_dim3A_195 : vector<16xf32> to vector<1x16xf32>
      tpu.vector_store %arg14[%swap3A, %swap3A_229], %swap3A_232 {strides = array<i32>} : memref<128x128xf32, #tpu.memory_space<vmem>>, vector<1x16xf32>,
      %scan3A_233 = arith.constant 0 : i32
      scf.yield %scan3A_233 : i32
    }
    %scan3A_6 = arith.constant 1024 : i32
    %mul3A_7 = arith.constant 640 : i32
    %mul3A_8 = arith.muli %arg1, %mul3A_7 : i32
    %add3A = arith.constant 0 : i32
    %add3A_9 = arith.addi %mul3A_8, %add3A : i32
    "tpu.region"() ({
      %run_scoped3A = tpu.sem_alloc : memref<!tpu.dma_semaphore, #tpu.memory_space<semaphore_mem>>
      %dma_start3A_193 = arith.constant 0 : i32
      %dma_start3A_194 = tpu.memref_slice %arg16[%add3A_9, %dma_start3A_193] : memref<10240x128xf32, #tpu.memory_space<vmem_shared>> -> memref<128x128xf32, #tpu.memory_space<vmem_shared>>
      %dma_start3A_195 = arith.constant 0 : i32
      %dma_start3A_196 = tpu.memref_slice %arg16[%add3A_9, %dma_start3A_195] : memref<10240x128xf32, #tpu.memory_space<vmem_shared>> -> memref<128x128xf32, #tpu.memory_space<vmem_shared>>
      tpu.enqueue_dma source(%arg14 : memref<128x128xf32, #tpu.memory_space<vmem>>) target(%dma_start3A_196 : memref<128x128xf32, #tpu.memory_space<vmem_shared>>) target_semaphore(%run_scoped3A : memref<!tpu.dma_semaphore, #tpu.memory_space<semaphore_mem>>)
      %dma_wait3A_197 = arith.constant 0 : i32
      %dma_wait3A_198 = tpu.memref_slice %arg16[%add3A_9, %dma_wait3A_197] : memref<10240x128xf32, #tpu.memory_space<vmem_shared>> -> memref<128x128xf32, #tpu.memory_space<vmem_shared>>
      %dma_wait3A_199 = arith.constant 0 : i32
      %dma_wait3A_200 = tpu.memref_slice %arg16[%add3A_9, %dma_wait3A_199] : memref<10240x128xf32, #tpu.memory_space<vmem_shared>> -> memref<128x128xf32, #tpu.memory_space<vmem_shared>>
      tpu.wait_dma2 semaphore(%run_scoped3A : memref<!tpu.dma_semaphore, #tpu.memory_space<semaphore_mem>>) src(%arg14 : memref<128x128xf32, #tpu.memory_space<vmem>>) dst(%dma_wait3A_200 : memref<128x128xf32, #tpu.memory_space<vmem_shared>>)
      tpu.yield
    }) : () -> ()
    %mul3A_10 = arith.constant 640 : i32
    %mul3A_11 = arith.muli %arg1, %mul3A_10 : i32
    %add3A_12 = arith.constant 128 : i32
    %add3A_13 = arith.addi %mul3A_11, %add3A_12 : i32
    "tpu.region"() ({
      %run_scoped3A = tpu.sem_alloc : memref<!tpu.dma_semaphore, #tpu.memory_space<semaphore_mem>>
      %dma_start3A_193 = arith.constant 0 : i32
      %dma_start3A_194 = tpu.memref_slice %arg16[%add3A_13, %dma_start3A_193] : memref<10240x128xf32, #tpu.memory_space<vmem_shared>> -> memref<128x128xf32, #tpu.memory_space<vmem_shared>>
      %dma_start3A_195 = arith.constant 0 : i32
      %dma_start3A_196 = tpu.memref_slice %arg16[%add3A_13, %dma_start3A_195] : memref<10240x128xf32, #tpu.memory_space<vmem_shared>> -> memref<128x128xf32, #tpu.memory_space<vmem_shared>>
      tpu.enqueue_dma source(%arg14 : memref<128x128xf32, #tpu.memory_space<vmem>>) target(%dma_start3A_196 : memref<128x128xf32, #tpu.memory_space<vmem_shared>>) target_semaphore(%run_scoped3A : memref<!tpu.dma_semaphore, #tpu.memory_space<semaphore_mem>>)
      %dma_wait3A_197 = arith.constant 0 : i32
      %dma_wait3A_198 = tpu.memref_slice %arg16[%add3A_13, %dma_wait3A_197] : memref<10240x128xf32, #tpu.memory_space<vmem_shared>> -> memref<128x128xf32, #tpu.memory_space<vmem_shared>>
      %dma_wait3A_199 = arith.constant 0 : i32
      %dma_wait3A_200 = tpu.memref_slice %arg16[%add3A_13, %dma_wait3A_199] : memref<10240x128xf32, #tpu.memory_space<vmem_shared>> -> memref<128x128xf32, #tpu.memory_space<vmem_shared>>
      tpu.wait_dma2 semaphore(%run_scoped3A : memref<!tpu.dma_semaphore, #tpu.memory_space<semaphore_mem>>) src(%arg14 : memref<128x128xf32, #tpu.memory_space<vmem>>) dst(%dma_wait3A_200 : memref<128x128xf32, #tpu.memory_space<vmem_shared>>)
      tpu.yield
    }) : () -> ()
    %mul3A_14 = arith.constant 640 : i32
    %mul3A_15 = arith.muli %arg1, %mul3A_14 : i32
    %add3A_16 = arith.constant 256 : i32
    %add3A_17 = arith.addi %mul3A_15, %add3A_16 : i32
    "tpu.region"() ({
      %run_scoped3A = tpu.sem_alloc : memref<!tpu.dma_semaphore, #tpu.memory_space<semaphore_mem>>
      %dma_start3A_193 = arith.constant 0 : i32
      %dma_start3A_194 = tpu.memref_slice %arg16[%add3A_17, %dma_start3A_193] : memref<10240x128xf32, #tpu.memory_space<vmem_shared>> -> memref<128x128xf32, #tpu.memory_space<vmem_shared>>
      %dma_start3A_195 = arith.constant 0 : i32
      %dma_start3A_196 = tpu.memref_slice %arg16[%add3A_17, %dma_start3A_195] : memref<10240x128xf32, #tpu.memory_space<vmem_shared>> -> memref<128x128xf32, #tpu.memory_space<vmem_shared>>
      tpu.enqueue_dma source(%arg14 : memref<128x128xf32, #tpu.memory_space<vmem>>) target(%dma_start3A_196 : memref<128x128xf32, #tpu.memory_space<vmem_shared>>) target_semaphore(%run_scoped3A : memref<!tpu.dma_semaphore, #tpu.memory_space<semaphore_mem>>)
      %dma_wait3A_197 = arith.constant 0 : i32
      %dma_wait3A_198 = tpu.memref_slice %arg16[%add3A_17, %dma_wait3A_197] : memref<10240x128xf32, #tpu.memory_space<vmem_shared>> -> memref<128x128xf32, #tpu.memory_space<vmem_shared>>
      %dma_wait3A_199 = arith.constant 0 : i32
      %dma_wait3A_200 = tpu.memref_slice %arg16[%add3A_17, %dma_wait3A_199] : memref<10240x128xf32, #tpu.memory_space<vmem_shared>> -> memref<128x128xf32, #tpu.memory_space<vmem_shared>>
      tpu.wait_dma2 semaphore(%run_scoped3A : memref<!tpu.dma_semaphore, #tpu.memory_space<semaphore_mem>>) src(%arg14 : memref<128x128xf32, #tpu.memory_space<vmem>>) dst(%dma_wait3A_200 : memref<128x128xf32, #tpu.memory_space<vmem_shared>>)
      tpu.yield
    }) : () -> ()
    %mul3A_18 = arith.constant 640 : i32
    %mul3A_19 = arith.muli %arg1, %mul3A_18 : i32
    %add3A_20 = arith.constant 384 : i32
    %add3A_21 = arith.addi %mul3A_19, %add3A_20 : i32
    "tpu.region"() ({
      %run_scoped3A = tpu.sem_alloc : memref<!tpu.dma_semaphore, #tpu.memory_space<semaphore_mem>>
      %dma_start3A_193 = arith.constant 0 : i32
      %dma_start3A_194 = tpu.memref_slice %arg16[%add3A_21, %dma_start3A_193] : memref<10240x128xf32, #tpu.memory_space<vmem_shared>> -> memref<128x128xf32, #tpu.memory_space<vmem_shared>>
      %dma_start3A_195 = arith.constant 0 : i32
      %dma_start3A_196 = tpu.memref_slice %arg16[%add3A_21, %dma_start3A_195] : memref<10240x128xf32, #tpu.memory_space<vmem_shared>> -> memref<128x128xf32, #tpu.memory_space<vmem_shared>>
      tpu.enqueue_dma source(%arg14 : memref<128x128xf32, #tpu.memory_space<vmem>>) target(%dma_start3A_196 : memref<128x128xf32, #tpu.memory_space<vmem_shared>>) target_semaphore(%run_scoped3A : memref<!tpu.dma_semaphore, #tpu.memory_space<semaphore_mem>>)
      %dma_wait3A_197 = arith.constant 0 : i32
      %dma_wait3A_198 = tpu.memref_slice %arg16[%add3A_21, %dma_wait3A_197] : memref<10240x128xf32, #tpu.memory_space<vmem_shared>> -> memref<128x128xf32, #tpu.memory_space<vmem_shared>>
      %dma_wait3A_199 = arith.constant 0 : i32
      %dma_wait3A_200 = tpu.memref_slice %arg16[%add3A_21, %dma_wait3A_199] : memref<10240x128xf32, #tpu.memory_space<vmem_shared>> -> memref<128x128xf32, #tpu.memory_space<vmem_shared>>
      tpu.wait_dma2 semaphore(%run_scoped3A : memref<!tpu.dma_semaphore, #tpu.memory_space<semaphore_mem>>) src(%arg14 : memref<128x128xf32, #tpu.memory_space<vmem>>) dst(%dma_wait3A_200 : memref<128x128xf32, #tpu.memory_space<vmem_shared>>)
      tpu.yield
    }) : () -> ()
    %mul3A_22 = arith.constant 640 : i32
    %mul3A_23 = arith.muli %arg1, %mul3A_22 : i32
    %add3A_24 = arith.constant 512 : i32
    %add3A_25 = arith.addi %mul3A_23, %add3A_24 : i32
    "tpu.region"() ({
      %run_scoped3A = tpu.sem_alloc : memref<!tpu.dma_semaphore, #tpu.memory_space<semaphore_mem>>
      %dma_start3A_193 = arith.constant 0 : i32
      %dma_start3A_194 = tpu.memref_slice %arg16[%add3A_25, %dma_start3A_193] : memref<10240x128xf32, #tpu.memory_space<vmem_shared>> -> memref<128x128xf32, #tpu.memory_space<vmem_shared>>
      %dma_start3A_195 = arith.constant 0 : i32
      %dma_start3A_196 = tpu.memref_slice %arg16[%add3A_25, %dma_start3A_195] : memref<10240x128xf32, #tpu.memory_space<vmem_shared>> -> memref<128x128xf32, #tpu.memory_space<vmem_shared>>
      tpu.enqueue_dma source(%arg14 : memref<128x128xf32, #tpu.memory_space<vmem>>) target(%dma_start3A_196 : memref<128x128xf32, #tpu.memory_space<vmem_shared>>) target_semaphore(%run_scoped3A : memref<!tpu.dma_semaphore, #tpu.memory_space<semaphore_mem>>)
      %dma_wait3A_197 = arith.constant 0 : i32
      %dma_wait3A_198 = tpu.memref_slice %arg16[%add3A_25, %dma_wait3A_197] : memref<10240x128xf32, #tpu.memory_space<vmem_shared>> -> memref<128x128xf32, #tpu.memory_space<vmem_shared>>
      %dma_wait3A_199 = arith.constant 0 : i32
      %dma_wait3A_200 = tpu.memref_slice %arg16[%add3A_25, %dma_wait3A_199] : memref<10240x128xf32, #tpu.memory_space<vmem_shared>> -> memref<128x128xf32, #tpu.memory_space<vmem_shared>>
      tpu.wait_dma2 semaphore(%run_scoped3A : memref<!tpu.dma_semaphore, #tpu.memory_space<semaphore_mem>>) src(%arg14 : memref<128x128xf32, #tpu.memory_space<vmem>>) dst(%dma_wait3A_200 : memref<128x128xf32, #tpu.memory_space<vmem_shared>>)
      tpu.yield
    }) : () -> ()
    %barrier3A = arith.constant 0 : index
    tpu.barrier barrier_id(%barrier3A)
    %add3A_26 = arith.constant 0 : i32
    %add3A_27 = arith.addi %mul3A_0, %add3A_26 : i32
    %eq3A = arith.constant 0 : i32
    %eq3A_28 = arith.cmpi eq, %arg0, %eq3A : i32
    %convert_element_type3A = arith.extui %eq3A_28 : i1 to i32
    %cond3A = arith.constant 0 : i32
    %cond3A_29 = arith.cmpi ne, %convert_element_type3A, %cond3A : i32
    scf.if %cond3A_29 {
      "tpu.region"() ({
        %run_scoped3A = tpu.sem_alloc : memref<!tpu.dma_semaphore, #tpu.memory_space<semaphore_mem>>
        %dma_start3A_193 = arith.constant 0 : i32
        %dma_start3A_194 = tpu.memref_slice %arg4[%add3A_27, %dma_start3A_193] : memref<1280x128xi32, #tpu.memory_space<hbm>> -> memref<40x128xi32, #tpu.memory_space<hbm>>
        %dma_start3A_195 = arith.constant 0 : i32
        %dma_start3A_196 = tpu.memref_slice %arg4[%add3A_27, %dma_start3A_195] : memref<1280x128xi32, #tpu.memory_space<hbm>> -> memref<40x128xi32, #tpu.memory_space<hbm>>
        tpu.enqueue_dma source(%dma_start3A_196 : memref<40x128xi32, #tpu.memory_space<hbm>>) target(%arg12 : memref<40x128xi32, #tpu.memory_space<vmem>>) target_semaphore(%run_scoped3A : memref<!tpu.dma_semaphore, #tpu.memory_space<semaphore_mem>>)
        %dma_wait3A_197 = arith.constant 0 : i32
        %dma_wait3A_198 = tpu.memref_slice %arg4[%add3A_27, %dma_wait3A_197] : memref<1280x128xi32, #tpu.memory_space<hbm>> -> memref<40x128xi32, #tpu.memory_space<hbm>>
        %dma_wait3A_199 = arith.constant 0 : i32
        %dma_wait3A_200 = tpu.memref_slice %arg4[%add3A_27, %dma_wait3A_199] : memref<1280x128xi32, #tpu.memory_space<hbm>> -> memref<40x128xi32, #tpu.memory_space<hbm>>
        tpu.wait_dma2 semaphore(%run_scoped3A : memref<!tpu.dma_semaphore, #tpu.memory_space<semaphore_mem>>) src(%dma_wait3A_200 : memref<40x128xi32, #tpu.memory_space<hbm>>) dst(%arg12 : memref<40x128xi32, #tpu.memory_space<vmem>>)
        tpu.yield
      }) : () -> ()
    } else {
    }
    %eq3A_30 = arith.constant 1 : i32
    %eq3A_31 = arith.cmpi eq, %arg0, %eq3A_30 : i32
    %convert_element_type3A_32 = arith.extui %eq3A_31 : i1 to i32
    %cond3A_33 = arith.constant 0 : i32
    %cond3A_34 = arith.cmpi ne, %convert_element_type3A_32, %cond3A_33 : i32
    scf.if %cond3A_34 {
      "tpu.region"() ({
        %run_scoped3A = tpu.sem_alloc : memref<!tpu.dma_semaphore, #tpu.memory_space<semaphore_mem>>
        %dma_start3A_193 = arith.constant 0 : i32
        %dma_start3A_194 = tpu.memref_slice %arg5[%add3A_27, %dma_start3A_193] : memref<1280x128xi32, #tpu.memory_space<hbm>> -> memref<40x128xi32, #tpu.memory_space<hbm>>
        %dma_start3A_195 = arith.constant 0 : i32
        %dma_start3A_196 = tpu.memref_slice %arg5[%add3A_27, %dma_start3A_195] : memref<1280x128xi32, #tpu.memory_space<hbm>> -> memref<40x128xi32, #tpu.memory_space<hbm>>
        tpu.enqueue_dma source(%dma_start3A_196 : memref<40x128xi32, #tpu.memory_space<hbm>>) target(%arg12 : memref<40x128xi32, #tpu.memory_space<vmem>>) target_semaphore(%run_scoped3A : memref<!tpu.dma_semaphore, #tpu.memory_space<semaphore_mem>>)
        %dma_wait3A_197 = arith.constant 0 : i32
        %dma_wait3A_198 = tpu.memref_slice %arg5[%add3A_27, %dma_wait3A_197] : memref<1280x128xi32, #tpu.memory_space<hbm>> -> memref<40x128xi32, #tpu.memory_space<hbm>>
        %dma_wait3A_199 = arith.constant 0 : i32
        %dma_wait3A_200 = tpu.memref_slice %arg5[%add3A_27, %dma_wait3A_199] : memref<1280x128xi32, #tpu.memory_space<hbm>> -> memref<40x128xi32, #tpu.memory_space<hbm>>
        tpu.wait_dma2 semaphore(%run_scoped3A : memref<!tpu.dma_semaphore, #tpu.memory_space<semaphore_mem>>) src(%dma_wait3A_200 : memref<40x128xi32, #tpu.memory_space<hbm>>) dst(%arg12 : memref<40x128xi32, #tpu.memory_space<vmem>>)
        tpu.yield
      }) : () -> ()
    } else {
    }
    "tpu.region"() ({
      %run_scoped3A = tpu.sem_alloc : memref<!tpu.dma_semaphore, #tpu.memory_space<semaphore_mem>>
      %dma_start3A_193 = arith.constant 0 : i32
      %dma_start3A_194 = tpu.memref_slice %arg6[%add3A_27, %dma_start3A_193] : memref<1280x128xi32, #tpu.memory_space<hbm>> -> memref<40x128xi32, #tpu.memory_space<hbm>>
      %dma_start3A_195 = arith.constant 0 : i32
      %dma_start3A_196 = tpu.memref_slice %arg6[%add3A_27, %dma_start3A_195] : memref<1280x128xi32, #tpu.memory_space<hbm>> -> memref<40x128xi32, #tpu.memory_space<hbm>>
      tpu.enqueue_dma source(%dma_start3A_196 : memref<40x128xi32, #tpu.memory_space<hbm>>) target(%arg13 : memref<40x128xi32, #tpu.memory_space<vmem>>) target_semaphore(%run_scoped3A : memref<!tpu.dma_semaphore, #tpu.memory_space<semaphore_mem>>)
      %dma_wait3A_197 = arith.constant 0 : i32
      %dma_wait3A_198 = tpu.memref_slice %arg6[%add3A_27, %dma_wait3A_197] : memref<1280x128xi32, #tpu.memory_space<hbm>> -> memref<40x128xi32, #tpu.memory_space<hbm>>
      %dma_wait3A_199 = arith.constant 0 : i32
      %dma_wait3A_200 = tpu.memref_slice %arg6[%add3A_27, %dma_wait3A_199] : memref<1280x128xi32, #tpu.memory_space<hbm>> -> memref<40x128xi32, #tpu.memory_space<hbm>>
      tpu.wait_dma2 semaphore(%run_scoped3A : memref<!tpu.dma_semaphore, #tpu.memory_space<semaphore_mem>>) src(%dma_wait3A_200 : memref<40x128xi32, #tpu.memory_space<hbm>>) dst(%arg13 : memref<40x128xi32, #tpu.memory_space<vmem>>)
      tpu.yield
    }) : () -> ()
    %dma_start3A = arith.constant 0 : i32
    %dma_start3A_35 = arith.constant 0 : i32
    %dma_start3A_36 = tpu.memref_slice %arg12[%dma_start3A, %dma_start3A_35] : memref<40x128xi32, #tpu.memory_space<vmem>> -> memref<1x128xi32, #tpu.memory_space<vmem>>
    %dma_start3A_37 = tpu.memref_squeeze %dma_start3A_36 : memref<1x128xi32, #tpu.memory_space<vmem>> -> memref<128xi32, #tpu.memory_space<vmem>>
    %dma_start3A_38 = arith.constant 0 : i32
    %dma_start3A_39 = arith.constant 0 : i32
    %dma_start3A_40 = tpu.memref_slice %arg2[%dma_start3A_38, %dma_start3A_39] : memref<20000x128xf32, #tpu.memory_space<hbm>> -> memref<20000x128xf32, #tpu.memory_space<hbm>>
    tpu.enqueue_indirect_dma source(%dma_start3A_40 : memref<20000x128xf32, #tpu.memory_space<hbm>>) target(%arg14 : memref<128x128xf32, #tpu.memory_space<vmem>>) offsets(%dma_start3A_37 : memref<128xi32, #tpu.memory_space<vmem>>) semaphore(%arg17 : memref<!tpu.dma_semaphore, #tpu.memory_space<semaphore_mem>>)
    %scan3A_41 = arith.constant 0 : i32
    %scan3A_42 = arith.constant 0 : i32
    %scan3A_43 = arith.constant 20 : i32
    %scan3A_44 = arith.addi %scan3A_42, %scan3A_43 : i32
    %scan3A_45 = arith.constant 1 : i32
    %scan3A_46 = scf.for %scan3A_193 = %scan3A_42 to %scan3A_44 step %scan3A_45 iter_args(%scan3A_194 = %scan3A_41) -> (i32)  : i32 {
      %mul3A_195 = arith.constant 2 : i32
      %mul3A_196 = arith.muli %mul3A_195, %scan3A_193 : i32
      %mul3A_197 = arith.constant 2 : i32
      %mul3A_198 = arith.muli %mul3A_197, %scan3A_193 : i32
      %add3A_199 = arith.constant 1 : i32
      %add3A_200 = arith.addi %mul3A_198, %add3A_199 : i32
      %dma_wait3A_201 = arith.constant 0 : i32
      %dma_wait3A_202 = arith.constant 0 : i32
      %dma_wait3A_203 = tpu.memref_slice %arg12[%dma_wait3A_201, %dma_wait3A_202] : memref<40x128xi32, #tpu.memory_space<vmem>> -> memref<1x128xi32, #tpu.memory_space<vmem>>
      %dma_wait3A_204 = tpu.memref_squeeze %dma_wait3A_203 : memref<1x128xi32, #tpu.memory_space<vmem>> -> memref<128xi32, #tpu.memory_space<vmem>>
      %dma_wait3A_205 = arith.constant 0 : i32
      %dma_wait3A_206 = arith.constant 0 : i32
      %dma_wait3A_207 = tpu.memref_slice %arg2[%dma_wait3A_205, %dma_wait3A_206] : memref<20000x128xf32, #tpu.memory_space<hbm>> -> memref<20000x128xf32, #tpu.memory_space<hbm>>
      tpu.wait_indirect_dma semaphore(%arg17 : memref<!tpu.dma_semaphore, #tpu.memory_space<semaphore_mem>>) src(%dma_wait3A_207 : memref<20000x128xf32, #tpu.memory_space<hbm>>) dst(%arg14 : memref<128x128xf32, #tpu.memory_space<vmem>>)
      %dma_start3A_208 = arith.constant 0 : i32
      %dma_start3A_209 = tpu.memref_slice %arg12[%add3A_200, %dma_start3A_208] : memref<40x128xi32, #tpu.memory_space<vmem>> -> memref<1x128xi32, #tpu.memory_space<vmem>>
      %dma_start3A_210 = tpu.memref_squeeze %dma_start3A_209 : memref<1x128xi32, #tpu.memory_space<vmem>> -> memref<128xi32, #tpu.memory_space<vmem>>
      %dma_start3A_211 = arith.constant 0 : i32
      %dma_start3A_212 = arith.constant 0 : i32
      %dma_start3A_213 = tpu.memref_slice %arg2[%dma_start3A_211, %dma_start3A_212] : memref<20000x128xf32, #tpu.memory_space<hbm>> -> memref<20000x128xf32, #tpu.memory_space<hbm>>
      tpu.enqueue_indirect_dma source(%dma_start3A_213 : memref<20000x128xf32, #tpu.memory_space<hbm>>) target(%arg15 : memref<128x128xf32, #tpu.memory_space<vmem>>) offsets(%dma_start3A_210 : memref<128xi32, #tpu.memory_space<vmem>>) semaphore(%arg18 : memref<!tpu.dma_semaphore, #tpu.memory_space<semaphore_mem>>)
      "tpu.region"() ({
        %run_scoped3A = tpu.sem_alloc : memref<!tpu.dma_semaphore, #tpu.memory_space<semaphore_mem>>
        %dma_start3A_231 = arith.constant 0 : i32
        %dma_start3A_232 = tpu.memref_slice %arg13[%mul3A_196, %dma_start3A_231] : memref<40x128xi32, #tpu.memory_space<vmem>> -> memref<1x128xi32, #tpu.memory_space<vmem>>
        %dma_start3A_233 = tpu.memref_squeeze %dma_start3A_232 : memref<1x128xi32, #tpu.memory_space<vmem>> -> memref<128xi32, #tpu.memory_space<vmem>>
        %dma_start3A_234 = arith.constant 0 : i32
        %dma_start3A_235 = arith.constant 0 : i32
        %dma_start3A_236 = tpu.memref_slice %arg16[%dma_start3A_234, %dma_start3A_235] : memref<10240x128xf32, #tpu.memory_space<vmem_shared>> -> memref<10240x128xf32, #tpu.memory_space<vmem_shared>>
        tpu.enqueue_indirect_dma source(%arg14 : memref<128x128xf32, #tpu.memory_space<vmem>>) target(%dma_start3A_236 : memref<10240x128xf32, #tpu.memory_space<vmem_shared>>) offsets(%dma_start3A_233 : memref<128xi32, #tpu.memory_space<vmem>>) semaphore(%run_scoped3A : memref<!tpu.dma_semaphore, #tpu.memory_space<semaphore_mem>>) {add = true}
        %dma_wait3A_237 = arith.constant 0 : i32
        %dma_wait3A_238 = tpu.memref_slice %arg13[%mul3A_196, %dma_wait3A_237] : memref<40x128xi32, #tpu.memory_space<vmem>> -> memref<1x128xi32, #tpu.memory_space<vmem>>
        %dma_wait3A_239 = tpu.memref_squeeze %dma_wait3A_238 : memref<1x128xi32, #tpu.memory_space<vmem>> -> memref<128xi32, #tpu.memory_space<vmem>>
        %dma_wait3A_240 = arith.constant 0 : i32
        %dma_wait3A_241 = arith.constant 0 : i32
        %dma_wait3A_242 = tpu.memref_slice %arg16[%dma_wait3A_240, %dma_wait3A_241] : memref<10240x128xf32, #tpu.memory_space<vmem_shared>> -> memref<10240x128xf32, #tpu.memory_space<vmem_shared>>
        tpu.wait_indirect_dma semaphore(%run_scoped3A : memref<!tpu.dma_semaphore, #tpu.memory_space<semaphore_mem>>) src(%arg14 : memref<128x128xf32, #tpu.memory_space<vmem>>) dst(%dma_wait3A_242 : memref<10240x128xf32, #tpu.memory_space<vmem_shared>>)
        tpu.yield
      }) : () -> ()
      %dma_wait3A_214 = arith.constant 0 : i32
      %dma_wait3A_215 = arith.constant 0 : i32
      %dma_wait3A_216 = tpu.memref_slice %arg12[%dma_wait3A_214, %dma_wait3A_215] : memref<40x128xi32, #tpu.memory_space<vmem>> -> memref<1x128xi32, #tpu.memory_space<vmem>>
      %dma_wait3A_217 = tpu.memref_squeeze %dma_wait3A_216 : memref<1x128xi32, #tpu.memory_space<vmem>> -> memref<128xi32, #tpu.memory_space<vmem>>
      %dma_wait3A_218 = arith.constant 0 : i32
      %dma_wait3A_219 = arith.constant 0 : i32
      %dma_wait3A_220 = tpu.memref_slice %arg2[%dma_wait3A_218, %dma_wait3A_219] : memref<20000x128xf32, #tpu.memory_space<hbm>> -> memref<20000x128xf32, #tpu.memory_space<hbm>>
      tpu.wait_indirect_dma semaphore(%arg18 : memref<!tpu.dma_semaphore, #tpu.memory_space<semaphore_mem>>) src(%dma_wait3A_220 : memref<20000x128xf32, #tpu.memory_space<hbm>>) dst(%arg15 : memref<128x128xf32, #tpu.memory_space<vmem>>)
      %add3A_221 = arith.constant 2 : i32
      %add3A_222 = arith.addi %mul3A_196, %add3A_221 : i32
      %min3A = arith.constant 39 : i32
      %min3A_223 = arith.minsi %add3A_222, %min3A : i32
      %dma_start3A_224 = arith.constant 0 : i32
      %dma_start3A_225 = tpu.memref_slice %arg12[%min3A_223, %dma_start3A_224] : memref<40x128xi32, #tpu.memory_space<vmem>> -> memref<1x128xi32, #tpu.memory_space<vmem>>
      %dma_start3A_226 = tpu.memref_squeeze %dma_start3A_225 : memref<1x128xi32, #tpu.memory_space<vmem>> -> memref<128xi32, #tpu.memory_space<vmem>>
      %dma_start3A_227 = arith.constant 0 : i32
      %dma_start3A_228 = arith.constant 0 : i32
      %dma_start3A_229 = tpu.memref_slice %arg2[%dma_start3A_227, %dma_start3A_228] : memref<20000x128xf32, #tpu.memory_space<hbm>> -> memref<20000x128xf32, #tpu.memory_space<hbm>>
      tpu.enqueue_indirect_dma source(%dma_start3A_229 : memref<20000x128xf32, #tpu.memory_space<hbm>>) target(%arg14 : memref<128x128xf32, #tpu.memory_space<vmem>>) offsets(%dma_start3A_226 : memref<128xi32, #tpu.memory_space<vmem>>) semaphore(%arg17 : memref<!tpu.dma_semaphore, #tpu.memory_space<semaphore_mem>>)
      "tpu.region"() ({
        %run_scoped3A = tpu.sem_alloc : memref<!tpu.dma_semaphore, #tpu.memory_space<semaphore_mem>>
        %dma_start3A_231 = arith.constant 0 : i32
        %dma_start3A_232 = tpu.memref_slice %arg13[%add3A_200, %dma_start3A_231] : memref<40x128xi32, #tpu.memory_space<vmem>> -> memref<1x128xi32, #tpu.memory_space<vmem>>
        %dma_start3A_233 = tpu.memref_squeeze %dma_start3A_232 : memref<1x128xi32, #tpu.memory_space<vmem>> -> memref<128xi32, #tpu.memory_space<vmem>>
        %dma_start3A_234 = arith.constant 0 : i32
        %dma_start3A_235 = arith.constant 0 : i32
        %dma_start3A_236 = tpu.memref_slice %arg16[%dma_start3A_234, %dma_start3A_235] : memref<10240x128xf32, #tpu.memory_space<vmem_shared>> -> memref<10240x128xf32, #tpu.memory_space<vmem_shared>>
        tpu.enqueue_indirect_dma source(%arg15 : memref<128x128xf32, #tpu.memory_space<vmem>>) target(%dma_start3A_236 : memref<10240x128xf32, #tpu.memory_space<vmem_shared>>) offsets(%dma_start3A_233 : memref<128xi32, #tpu.memory_space<vmem>>) semaphore(%run_scoped3A : memref<!tpu.dma_semaphore, #tpu.memory_space<semaphore_mem>>) {add = true}
        %dma_wait3A_237 = arith.constant 0 : i32
        %dma_wait3A_238 = tpu.memref_slice %arg13[%add3A_200, %dma_wait3A_237] : memref<40x128xi32, #tpu.memory_space<vmem>> -> memref<1x128xi32, #tpu.memory_space<vmem>>
        %dma_wait3A_239 = tpu.memref_squeeze %dma_wait3A_238 : memref<1x128xi32, #tpu.memory_space<vmem>> -> memref<128xi32, #tpu.memory_space<vmem>>
        %dma_wait3A_240 = arith.constant 0 : i32
        %dma_wait3A_241 = arith.constant 0 : i32
        %dma_wait3A_242 = tpu.memref_slice %arg16[%dma_wait3A_240, %dma_wait3A_241] : memref<10240x128xf32, #tpu.memory_space<vmem_shared>> -> memref<10240x128xf32, #tpu.memory_space<vmem_shared>>
        tpu.wait_indirect_dma semaphore(%run_scoped3A : memref<!tpu.dma_semaphore, #tpu.memory_space<semaphore_mem>>) src(%arg15 : memref<128x128xf32, #tpu.memory_space<vmem>>) dst(%dma_wait3A_242 : memref<10240x128xf32, #tpu.memory_space<vmem_shared>>)
        tpu.yield
      }) : () -> ()
      %scan3A_230 = arith.constant 0 : i32
      scf.yield %scan3A_230 : i32
    }
    %scan3A_47 = arith.constant 20 : i32
    %dma_wait3A = arith.constant 0 : i32
    %dma_wait3A_48 = arith.constant 0 : i32
    %dma_wait3A_49 = tpu.memref_slice %arg12[%dma_wait3A, %dma_wait3A_48] : memref<40x128xi32, #tpu.memory_space<vmem>> -> memref<1x128xi32, #tpu.memory_space<vmem>>
    %dma_wait3A_50 = tpu.memref_squeeze %dma_wait3A_49 : memref<1x128xi32, #tpu.memory_space<vmem>> -> memref<128xi32, #tpu.memory_space<vmem>>
    %dma_wait3A_51 = arith.constant 0 : i32
    %dma_wait3A_52 = arith.constant 0 : i32
    %dma_wait3A_53 = tpu.memref_slice %arg2[%dma_wait3A_51, %dma_wait3A_52] : memref<20000x128xf32, #tpu.memory_space<hbm>> -> memref<20000x128xf32, #tpu.memory_space<hbm>>
    tpu.wait_indirect_dma semaphore(%arg17 : memref<!tpu.dma_semaphore, #tpu.memory_space<semaphore_mem>>) src(%dma_wait3A_53 : memref<20000x128xf32, #tpu.memory_space<hbm>>) dst(%arg14 : memref<128x128xf32, #tpu.memory_space<vmem>>)
    %add3A_54 = arith.constant 40 : i32
    %add3A_55 = arith.addi %mul3A_0, %add3A_54 : i32
    %eq3A_56 = arith.constant 0 : i32
    %eq3A_57 = arith.cmpi eq, %arg0, %eq3A_56 : i32
    %convert_element_type3A_58 = arith.extui %eq3A_57 : i1 to i32
    %cond3A_59 = arith.constant 0 : i32
    %cond3A_60 = arith.cmpi ne, %convert_element_type3A_58, %cond3A_59 : i32
    scf.if %cond3A_60 {
      "tpu.region"() ({
        %run_scoped3A = tpu.sem_alloc : memref<!tpu.dma_semaphore, #tpu.memory_space<semaphore_mem>>
        %dma_start3A_193 = arith.constant 0 : i32
        %dma_start3A_194 = tpu.memref_slice %arg4[%add3A_55, %dma_start3A_193] : memref<1280x128xi32, #tpu.memory_space<hbm>> -> memref<40x128xi32, #tpu.memory_space<hbm>>
        %dma_start3A_195 = arith.constant 0 : i32
        %dma_start3A_196 = tpu.memref_slice %arg4[%add3A_55, %dma_start3A_195] : memref<1280x128xi32, #tpu.memory_space<hbm>> -> memref<40x128xi32, #tpu.memory_space<hbm>>
        tpu.enqueue_dma source(%dma_start3A_196 : memref<40x128xi32, #tpu.memory_space<hbm>>) target(%arg12 : memref<40x128xi32, #tpu.memory_space<vmem>>) target_semaphore(%run_scoped3A : memref<!tpu.dma_semaphore, #tpu.memory_space<semaphore_mem>>)
        %dma_wait3A_197 = arith.constant 0 : i32
        %dma_wait3A_198 = tpu.memref_slice %arg4[%add3A_55, %dma_wait3A_197] : memref<1280x128xi32, #tpu.memory_space<hbm>> -> memref<40x128xi32, #tpu.memory_space<hbm>>
        %dma_wait3A_199 = arith.constant 0 : i32
        %dma_wait3A_200 = tpu.memref_slice %arg4[%add3A_55, %dma_wait3A_199] : memref<1280x128xi32, #tpu.memory_space<hbm>> -> memref<40x128xi32, #tpu.memory_space<hbm>>
        tpu.wait_dma2 semaphore(%run_scoped3A : memref<!tpu.dma_semaphore, #tpu.memory_space<semaphore_mem>>) src(%dma_wait3A_200 : memref<40x128xi32, #tpu.memory_space<hbm>>) dst(%arg12 : memref<40x128xi32, #tpu.memory_space<vmem>>)
        tpu.yield
      }) : () -> ()
    } else {
    }
    %eq3A_61 = arith.constant 1 : i32
    %eq3A_62 = arith.cmpi eq, %arg0, %eq3A_61 : i32
    %convert_element_type3A_63 = arith.extui %eq3A_62 : i1 to i32
    %cond3A_64 = arith.constant 0 : i32
    %cond3A_65 = arith.cmpi ne, %convert_element_type3A_63, %cond3A_64 : i32
    scf.if %cond3A_65 {
      "tpu.region"() ({
        %run_scoped3A = tpu.sem_alloc : memref<!tpu.dma_semaphore, #tpu.memory_space<semaphore_mem>>
        %dma_start3A_193 = arith.constant 0 : i32
        %dma_start3A_194 = tpu.memref_slice %arg5[%add3A_55, %dma_start3A_193] : memref<1280x128xi32, #tpu.memory_space<hbm>> -> memref<40x128xi32, #tpu.memory_space<hbm>>
        %dma_start3A_195 = arith.constant 0 : i32
        %dma_start3A_196 = tpu.memref_slice %arg5[%add3A_55, %dma_start3A_195] : memref<1280x128xi32, #tpu.memory_space<hbm>> -> memref<40x128xi32, #tpu.memory_space<hbm>>
        tpu.enqueue_dma source(%dma_start3A_196 : memref<40x128xi32, #tpu.memory_space<hbm>>) target(%arg12 : memref<40x128xi32, #tpu.memory_space<vmem>>) target_semaphore(%run_scoped3A : memref<!tpu.dma_semaphore, #tpu.memory_space<semaphore_mem>>)
        %dma_wait3A_197 = arith.constant 0 : i32
        %dma_wait3A_198 = tpu.memref_slice %arg5[%add3A_55, %dma_wait3A_197] : memref<1280x128xi32, #tpu.memory_space<hbm>> -> memref<40x128xi32, #tpu.memory_space<hbm>>
        %dma_wait3A_199 = arith.constant 0 : i32
        %dma_wait3A_200 = tpu.memref_slice %arg5[%add3A_55, %dma_wait3A_199] : memref<1280x128xi32, #tpu.memory_space<hbm>> -> memref<40x128xi32, #tpu.memory_space<hbm>>
        tpu.wait_dma2 semaphore(%run_scoped3A : memref<!tpu.dma_semaphore, #tpu.memory_space<semaphore_mem>>) src(%dma_wait3A_200 : memref<40x128xi32, #tpu.memory_space<hbm>>) dst(%arg12 : memref<40x128xi32, #tpu.memory_space<vmem>>)
        tpu.yield
      }) : () -> ()
    } else {
    }
    "tpu.region"() ({
      %run_scoped3A = tpu.sem_alloc : memref<!tpu.dma_semaphore, #tpu.memory_space<semaphore_mem>>
      %dma_start3A_193 = arith.constant 0 : i32
      %dma_start3A_194 = tpu.memref_slice %arg6[%add3A_55, %dma_start3A_193] : memref<1280x128xi32, #tpu.memory_space<hbm>> -> memref<40x128xi32, #tpu.memory_space<hbm>>
      %dma_start3A_195 = arith.constant 0 : i32
      %dma_start3A_196 = tpu.memref_slice %arg6[%add3A_55, %dma_start3A_195] : memref<1280x128xi32, #tpu.memory_space<hbm>> -> memref<40x128xi32, #tpu.memory_space<hbm>>
      tpu.enqueue_dma source(%dma_start3A_196 : memref<40x128xi32, #tpu.memory_space<hbm>>) target(%arg13 : memref<40x128xi32, #tpu.memory_space<vmem>>) target_semaphore(%run_scoped3A : memref<!tpu.dma_semaphore, #tpu.memory_space<semaphore_mem>>)
      %dma_wait3A_197 = arith.constant 0 : i32
      %dma_wait3A_198 = tpu.memref_slice %arg6[%add3A_55, %dma_wait3A_197] : memref<1280x128xi32, #tpu.memory_space<hbm>> -> memref<40x128xi32, #tpu.memory_space<hbm>>
      %dma_wait3A_199 = arith.constant 0 : i32
      %dma_wait3A_200 = tpu.memref_slice %arg6[%add3A_55, %dma_wait3A_199] : memref<1280x128xi32, #tpu.memory_space<hbm>> -> memref<40x128xi32, #tpu.memory_space<hbm>>
      tpu.wait_dma2 semaphore(%run_scoped3A : memref<!tpu.dma_semaphore, #tpu.memory_space<semaphore_mem>>) src(%dma_wait3A_200 : memref<40x128xi32, #tpu.memory_space<hbm>>) dst(%arg13 : memref<40x128xi32, #tpu.memory_space<vmem>>)
      tpu.yield
    }) : () -> ()
    %dma_start3A_66 = arith.constant 0 : i32
    %dma_start3A_67 = arith.constant 0 : i32
    %dma_start3A_68 = tpu.memref_slice %arg12[%dma_start3A_66, %dma_start3A_67] : memref<40x128xi32, #tpu.memory_space<vmem>> -> memref<1x128xi32, #tpu.memory_space<vmem>>
    %dma_start3A_69 = tpu.memref_squeeze %dma_start3A_68 : memref<1x128xi32, #tpu.memory_space<vmem>> -> memref<128xi32, #tpu.memory_space<vmem>>
    %dma_start3A_70 = arith.constant 0 : i32
    %dma_start3A_71 = arith.constant 0 : i32
    %dma_start3A_72 = tpu.memref_slice %arg2[%dma_start3A_70, %dma_start3A_71] : memref<20000x128xf32, #tpu.memory_space<hbm>> -> memref<20000x128xf32, #tpu.memory_space<hbm>>
    tpu.enqueue_indirect_dma source(%dma_start3A_72 : memref<20000x128xf32, #tpu.memory_space<hbm>>) target(%arg14 : memref<128x128xf32, #tpu.memory_space<vmem>>) offsets(%dma_start3A_69 : memref<128xi32, #tpu.memory_space<vmem>>) semaphore(%arg17 : memref<!tpu.dma_semaphore, #tpu.memory_space<semaphore_mem>>)
    %scan3A_73 = arith.constant 0 : i32
    %scan3A_74 = arith.constant 0 : i32
    %scan3A_75 = arith.constant 20 : i32
    %scan3A_76 = arith.addi %scan3A_74, %scan3A_75 : i32
    %scan3A_77 = arith.constant 1 : i32
    %scan3A_78 = scf.for %scan3A_193 = %scan3A_74 to %scan3A_76 step %scan3A_77 iter_args(%scan3A_194 = %scan3A_73) -> (i32)  : i32 {
      %mul3A_195 = arith.constant 2 : i32
      %mul3A_196 = arith.muli %mul3A_195, %scan3A_193 : i32
      %mul3A_197 = arith.constant 2 : i32
      %mul3A_198 = arith.muli %mul3A_197, %scan3A_193 : i32
      %add3A_199 = arith.constant 1 : i32
      %add3A_200 = arith.addi %mul3A_198, %add3A_199 : i32
      %dma_wait3A_201 = arith.constant 0 : i32
      %dma_wait3A_202 = arith.constant 0 : i32
      %dma_wait3A_203 = tpu.memref_slice %arg12[%dma_wait3A_201, %dma_wait3A_202] : memref<40x128xi32, #tpu.memory_space<vmem>> -> memref<1x128xi32, #tpu.memory_space<vmem>>
      %dma_wait3A_204 = tpu.memref_squeeze %dma_wait3A_203 : memref<1x128xi32, #tpu.memory_space<vmem>> -> memref<128xi32, #tpu.memory_space<vmem>>
      %dma_wait3A_205 = arith.constant 0 : i32
      %dma_wait3A_206 = arith.constant 0 : i32
      %dma_wait3A_207 = tpu.memref_slice %arg2[%dma_wait3A_205, %dma_wait3A_206] : memref<20000x128xf32, #tpu.memory_space<hbm>> -> memref<20000x128xf32, #tpu.memory_space<hbm>>
      tpu.wait_indirect_dma semaphore(%arg17 : memref<!tpu.dma_semaphore, #tpu.memory_space<semaphore_mem>>) src(%dma_wait3A_207 : memref<20000x128xf32, #tpu.memory_space<hbm>>) dst(%arg14 : memref<128x128xf32, #tpu.memory_space<vmem>>)
      %dma_start3A_208 = arith.constant 0 : i32
      %dma_start3A_209 = tpu.memref_slice %arg12[%add3A_200, %dma_start3A_208] : memref<40x128xi32, #tpu.memory_space<vmem>> -> memref<1x128xi32, #tpu.memory_space<vmem>>
      %dma_start3A_210 = tpu.memref_squeeze %dma_start3A_209 : memref<1x128xi32, #tpu.memory_space<vmem>> -> memref<128xi32, #tpu.memory_space<vmem>>
      %dma_start3A_211 = arith.constant 0 : i32
      %dma_start3A_212 = arith.constant 0 : i32
      %dma_start3A_213 = tpu.memref_slice %arg2[%dma_start3A_211, %dma_start3A_212] : memref<20000x128xf32, #tpu.memory_space<hbm>> -> memref<20000x128xf32, #tpu.memory_space<hbm>>
      tpu.enqueue_indirect_dma source(%dma_start3A_213 : memref<20000x128xf32, #tpu.memory_space<hbm>>) target(%arg15 : memref<128x128xf32, #tpu.memory_space<vmem>>) offsets(%dma_start3A_210 : memref<128xi32, #tpu.memory_space<vmem>>) semaphore(%arg18 : memref<!tpu.dma_semaphore, #tpu.memory_space<semaphore_mem>>)
      "tpu.region"() ({
        %run_scoped3A = tpu.sem_alloc : memref<!tpu.dma_semaphore, #tpu.memory_space<semaphore_mem>>
        %dma_start3A_231 = arith.constant 0 : i32
        %dma_start3A_232 = tpu.memref_slice %arg13[%mul3A_196, %dma_start3A_231] : memref<40x128xi32, #tpu.memory_space<vmem>> -> memref<1x128xi32, #tpu.memory_space<vmem>>
        %dma_start3A_233 = tpu.memref_squeeze %dma_start3A_232 : memref<1x128xi32, #tpu.memory_space<vmem>> -> memref<128xi32, #tpu.memory_space<vmem>>
        %dma_start3A_234 = arith.constant 0 : i32
        %dma_start3A_235 = arith.constant 0 : i32
        %dma_start3A_236 = tpu.memref_slice %arg16[%dma_start3A_234, %dma_start3A_235] : memref<10240x128xf32, #tpu.memory_space<vmem_shared>> -> memref<10240x128xf32, #tpu.memory_space<vmem_shared>>
        tpu.enqueue_indirect_dma source(%arg14 : memref<128x128xf32, #tpu.memory_space<vmem>>) target(%dma_start3A_236 : memref<10240x128xf32, #tpu.memory_space<vmem_shared>>) offsets(%dma_start3A_233 : memref<128xi32, #tpu.memory_space<vmem>>) semaphore(%run_scoped3A : memref<!tpu.dma_semaphore, #tpu.memory_space<semaphore_mem>>) {add = true}
        %dma_wait3A_237 = arith.constant 0 : i32
        %dma_wait3A_238 = tpu.memref_slice %arg13[%mul3A_196, %dma_wait3A_237] : memref<40x128xi32, #tpu.memory_space<vmem>> -> memref<1x128xi32, #tpu.memory_space<vmem>>
        %dma_wait3A_239 = tpu.memref_squeeze %dma_wait3A_238 : memref<1x128xi32, #tpu.memory_space<vmem>> -> memref<128xi32, #tpu.memory_space<vmem>>
        %dma_wait3A_240 = arith.constant 0 : i32
        %dma_wait3A_241 = arith.constant 0 : i32
        %dma_wait3A_242 = tpu.memref_slice %arg16[%dma_wait3A_240, %dma_wait3A_241] : memref<10240x128xf32, #tpu.memory_space<vmem_shared>> -> memref<10240x128xf32, #tpu.memory_space<vmem_shared>>
        tpu.wait_indirect_dma semaphore(%run_scoped3A : memref<!tpu.dma_semaphore, #tpu.memory_space<semaphore_mem>>) src(%arg14 : memref<128x128xf32, #tpu.memory_space<vmem>>) dst(%dma_wait3A_242 : memref<10240x128xf32, #tpu.memory_space<vmem_shared>>)
        tpu.yield
      }) : () -> ()
      %dma_wait3A_214 = arith.constant 0 : i32
      %dma_wait3A_215 = arith.constant 0 : i32
      %dma_wait3A_216 = tpu.memref_slice %arg12[%dma_wait3A_214, %dma_wait3A_215] : memref<40x128xi32, #tpu.memory_space<vmem>> -> memref<1x128xi32, #tpu.memory_space<vmem>>
      %dma_wait3A_217 = tpu.memref_squeeze %dma_wait3A_216 : memref<1x128xi32, #tpu.memory_space<vmem>> -> memref<128xi32, #tpu.memory_space<vmem>>
      %dma_wait3A_218 = arith.constant 0 : i32
      %dma_wait3A_219 = arith.constant 0 : i32
      %dma_wait3A_220 = tpu.memref_slice %arg2[%dma_wait3A_218, %dma_wait3A_219] : memref<20000x128xf32, #tpu.memory_space<hbm>> -> memref<20000x128xf32, #tpu.memory_space<hbm>>
      tpu.wait_indirect_dma semaphore(%arg18 : memref<!tpu.dma_semaphore, #tpu.memory_space<semaphore_mem>>) src(%dma_wait3A_220 : memref<20000x128xf32, #tpu.memory_space<hbm>>) dst(%arg15 : memref<128x128xf32, #tpu.memory_space<vmem>>)
      %add3A_221 = arith.constant 2 : i32
      %add3A_222 = arith.addi %mul3A_196, %add3A_221 : i32
      %min3A = arith.constant 39 : i32
      %min3A_223 = arith.minsi %add3A_222, %min3A : i32
      %dma_start3A_224 = arith.constant 0 : i32
      %dma_start3A_225 = tpu.memref_slice %arg12[%min3A_223, %dma_start3A_224] : memref<40x128xi32, #tpu.memory_space<vmem>> -> memref<1x128xi32, #tpu.memory_space<vmem>>
      %dma_start3A_226 = tpu.memref_squeeze %dma_start3A_225 : memref<1x128xi32, #tpu.memory_space<vmem>> -> memref<128xi32, #tpu.memory_space<vmem>>
      %dma_start3A_227 = arith.constant 0 : i32
      %dma_start3A_228 = arith.constant 0 : i32
      %dma_start3A_229 = tpu.memref_slice %arg2[%dma_start3A_227, %dma_start3A_228] : memref<20000x128xf32, #tpu.memory_space<hbm>> -> memref<20000x128xf32, #tpu.memory_space<hbm>>
      tpu.enqueue_indirect_dma source(%dma_start3A_229 : memref<20000x128xf32, #tpu.memory_space<hbm>>) target(%arg14 : memref<128x128xf32, #tpu.memory_space<vmem>>) offsets(%dma_start3A_226 : memref<128xi32, #tpu.memory_space<vmem>>) semaphore(%arg17 : memref<!tpu.dma_semaphore, #tpu.memory_space<semaphore_mem>>)
      "tpu.region"() ({
        %run_scoped3A = tpu.sem_alloc : memref<!tpu.dma_semaphore, #tpu.memory_space<semaphore_mem>>
        %dma_start3A_231 = arith.constant 0 : i32
        %dma_start3A_232 = tpu.memref_slice %arg13[%add3A_200, %dma_start3A_231] : memref<40x128xi32, #tpu.memory_space<vmem>> -> memref<1x128xi32, #tpu.memory_space<vmem>>
        %dma_start3A_233 = tpu.memref_squeeze %dma_start3A_232 : memref<1x128xi32, #tpu.memory_space<vmem>> -> memref<128xi32, #tpu.memory_space<vmem>>
        %dma_start3A_234 = arith.constant 0 : i32
        %dma_start3A_235 = arith.constant 0 : i32
        %dma_start3A_236 = tpu.memref_slice %arg16[%dma_start3A_234, %dma_start3A_235] : memref<10240x128xf32, #tpu.memory_space<vmem_shared>> -> memref<10240x128xf32, #tpu.memory_space<vmem_shared>>
        tpu.enqueue_indirect_dma source(%arg15 : memref<128x128xf32, #tpu.memory_space<vmem>>) target(%dma_start3A_236 : memref<10240x128xf32, #tpu.memory_space<vmem_shared>>) offsets(%dma_start3A_233 : memref<128xi32, #tpu.memory_space<vmem>>) semaphore(%run_scoped3A : memref<!tpu.dma_semaphore, #tpu.memory_space<semaphore_mem>>) {add = true}
        %dma_wait3A_237 = arith.constant 0 : i32
        %dma_wait3A_238 = tpu.memref_slice %arg13[%add3A_200, %dma_wait3A_237] : memref<40x128xi32, #tpu.memory_space<vmem>> -> memref<1x128xi32, #tpu.memory_space<vmem>>
        %dma_wait3A_239 = tpu.memref_squeeze %dma_wait3A_238 : memref<1x128xi32, #tpu.memory_space<vmem>> -> memref<128xi32, #tpu.memory_space<vmem>>
        %dma_wait3A_240 = arith.constant 0 : i32
        %dma_wait3A_241 = arith.constant 0 : i32
        %dma_wait3A_242 = tpu.memref_slice %arg16[%dma_wait3A_240, %dma_wait3A_241] : memref<10240x128xf32, #tpu.memory_space<vmem_shared>> -> memref<10240x128xf32, #tpu.memory_space<vmem_shared>>
        tpu.wait_indirect_dma semaphore(%run_scoped3A : memref<!tpu.dma_semaphore, #tpu.memory_space<semaphore_mem>>) src(%arg15 : memref<128x128xf32, #tpu.memory_space<vmem>>) dst(%dma_wait3A_242 : memref<10240x128xf32, #tpu.memory_space<vmem_shared>>)
        tpu.yield
      }) : () -> ()
      %scan3A_230 = arith.constant 0 : i32
      scf.yield %scan3A_230 : i32
    }
    %scan3A_79 = arith.constant 20 : i32
    %dma_wait3A_80 = arith.constant 0 : i32
    %dma_wait3A_81 = arith.constant 0 : i32
    %dma_wait3A_82 = tpu.memref_slice %arg12[%dma_wait3A_80, %dma_wait3A_81] : memref<40x128xi32, #tpu.memory_space<vmem>> -> memref<1x128xi32, #tpu.memory_space<vmem>>
    %dma_wait3A_83 = tpu.memref_squeeze %dma_wait3A_82 : memref<1x128xi32, #tpu.memory_space<vmem>> -> memref<128xi32, #tpu.memory_space<vmem>>
    %dma_wait3A_84 = arith.constant 0 : i32
    %dma_wait3A_85 = arith.constant 0 : i32
    %dma_wait3A_86 = tpu.memref_slice %arg2[%dma_wait3A_84, %dma_wait3A_85] : memref<20000x128xf32, #tpu.memory_space<hbm>> -> memref<20000x128xf32, #tpu.memory_space<hbm>>
    tpu.wait_indirect_dma semaphore(%arg17 : memref<!tpu.dma_semaphore, #tpu.memory_space<semaphore_mem>>) src(%dma_wait3A_86 : memref<20000x128xf32, #tpu.memory_space<hbm>>) dst(%arg14 : memref<128x128xf32, #tpu.memory_space<vmem>>)
    %barrier3A_87 = arith.constant 0 : index
    tpu.barrier barrier_id(%barrier3A_87)
    %mul3A_88 = arith.constant 640 : i32
    %mul3A_89 = arith.muli %arg1, %mul3A_88 : i32
    %mul3A_90 = arith.constant 640 : i32
    %mul3A_91 = arith.muli %arg1, %mul3A_90 : i32
    "tpu.region"() ({
      %run_scoped3A = tpu.sem_alloc : memref<!tpu.dma_semaphore, #tpu.memory_space<semaphore_mem>>
      %dma_start3A_193 = arith.constant 0 : i32
      %dma_start3A_194 = tpu.memref_slice %arg10[%arg0, %mul3A_91, %dma_start3A_193] : memref<2x10240x128xf32, #tpu.memory_space<hbm>> -> memref<1x640x128xf32, #tpu.memory_space<hbm>>
      %dma_start3A_195 = tpu.memref_squeeze %dma_start3A_194 : memref<1x640x128xf32, #tpu.memory_space<hbm>> -> memref<640x128xf32, #tpu.memory_space<hbm>>
      %dma_start3A_196 = arith.constant 0 : i32
      %dma_start3A_197 = tpu.memref_slice %arg16[%mul3A_89, %dma_start3A_196] : memref<10240x128xf32, #tpu.memory_space<vmem_shared>> -> memref<640x128xf32, #tpu.memory_space<vmem_shared>>
      tpu.enqueue_dma source(%dma_start3A_197 : memref<640x128xf32, #tpu.memory_space<vmem_shared>>) target(%dma_start3A_195 : memref<640x128xf32, #tpu.memory_space<hbm>>) target_semaphore(%run_scoped3A : memref<!tpu.dma_semaphore, #tpu.memory_space<semaphore_mem>>)
      %dma_wait3A_198 = arith.constant 0 : i32
      %dma_wait3A_199 = tpu.memref_slice %arg10[%arg0, %mul3A_91, %dma_wait3A_198] : memref<2x10240x128xf32, #tpu.memory_space<hbm>> -> memref<1x640x128xf32, #tpu.memory_space<hbm>>
      %dma_wait3A_200 = tpu.memref_squeeze %dma_wait3A_199 : memref<1x640x128xf32, #tpu.memory_space<hbm>> -> memref<640x128xf32, #tpu.memory_space<hbm>>
      %dma_wait3A_201 = arith.constant 0 : i32
      %dma_wait3A_202 = tpu.memref_slice %arg16[%mul3A_89, %dma_wait3A_201] : memref<10240x128xf32, #tpu.memory_space<vmem_shared>> -> memref<640x128xf32, #tpu.memory_space<vmem_shared>>
      tpu.wait_dma2 semaphore(%run_scoped3A : memref<!tpu.dma_semaphore, #tpu.memory_space<semaphore_mem>>) src(%dma_wait3A_202 : memref<640x128xf32, #tpu.memory_space<vmem_shared>>) dst(%dma_wait3A_200 : memref<640x128xf32, #tpu.memory_space<hbm>>)
      tpu.yield
    }) : () -> ()
    %barrier3A_92 = arith.constant 0 : index
    tpu.barrier barrier_id(%barrier3A_92)
    %scan3A_93 = arith.constant 0 : i32
    %scan3A_94 = arith.constant 0 : i32
    %scan3A_95 = arith.constant 1024 : i32
    %scan3A_96 = arith.addi %scan3A_94, %scan3A_95 : i32
    %scan3A_97 = arith.constant 1 : i32
    %scan3A_98 = scf.for %scan3A_193 = %scan3A_94 to %scan3A_96 step %scan3A_97 iter_args(%scan3A_194 = %scan3A_93) -> (i32)  : i32 {
      %broadcast_in_dim3A = arith.constant 0.000000e+00 : f32
      %broadcast_in_dim3A_195 = vector.broadcast %broadcast_in_dim3A : f32 to vector<16xf32>
      %jit3A = arith.constant 8 : i32
      %div3A = arith.divsi %scan3A_193, %jit3A : i32
      %sign3A = arith.constant 0 : i32
      %sign3A_196 = arith.cmpi sgt, %scan3A_193, %sign3A : i32
      %sign3A_197 = arith.extui %sign3A_196 : i1 to i32
      %sign3A_198 = arith.constant 0 : i32
      %sign3A_199 = arith.cmpi slt, %scan3A_193, %sign3A_198 : i32
      %sign3A_200 = arith.extui %sign3A_199 : i1 to i32
      %sign3A_201 = arith.subi %sign3A_197, %sign3A_200 : i32
      %sign3A_202 = arith.constant 0 : i32
      %sign3A_203 = arith.cmpi sgt, %jit3A, %sign3A_202 : i32
      %sign3A_204 = arith.extui %sign3A_203 : i1 to i32
      %sign3A_205 = arith.constant 0 : i32
      %sign3A_206 = arith.cmpi slt, %jit3A, %sign3A_205 : i32
      %sign3A_207 = arith.extui %sign3A_206 : i1 to i32
      %sign3A_208 = arith.subi %sign3A_204, %sign3A_207 : i32
      %ne3A = arith.cmpi ne, %sign3A_201, %sign3A_208 : i32
      %rem3A = arith.remsi %scan3A_193, %jit3A : i32
      %ne3A_209 = arith.constant 0 : i32
      %ne3A_210 = arith.cmpi ne, %rem3A, %ne3A_209 : i32
      %and3A = arith.andi %ne3A, %ne3A_210 : i1
      %sub3A = arith.constant 1 : i32
      %sub3A_211 = arith.subi %div3A, %sub3A : i32
      %select_n3A = arith.select %and3A, %sub3A_211, %div3A : i32
      %jit3A_212 = arith.constant 8 : i32
      %eq3A_213 = arith.constant 0 : i32
      %eq3A_214 = arith.cmpi eq, %jit3A_212, %eq3A_213 : i32
      %jit3A_215 = arith.constant 1 : i32
      %select_n3A_216 = arith.select %eq3A_214, %jit3A_215, %jit3A_212 : i32
      %rem3A_217 = arith.remsi %scan3A_193, %select_n3A_216 : i32
      %ne3A_218 = arith.constant 0 : i32
      %ne3A_219 = arith.cmpi ne, %rem3A_217, %ne3A_218 : i32
      %lt3A = arith.constant 0 : i32
      %lt3A_220 = arith.cmpi slt, %rem3A_217, %lt3A : i32
      %lt3A_221 = arith.constant 0 : i32
      %lt3A_222 = arith.cmpi slt, %select_n3A_216, %lt3A_221 : i32
      %ne3A_223 = arith.xori %lt3A_220, %lt3A_222 : i1
      %and3A_224 = arith.andi %ne3A_223, %ne3A_219 : i1
      %add3A_225 = arith.addi %rem3A_217, %select_n3A_216 : i32
      %select_n3A_226 = arith.select %and3A_224, %add3A_225, %rem3A_217 : i32
      %mul3A_227 = arith.constant 16 : i32
      %mul3A_228 = arith.muli %select_n3A_226, %mul3A_227 : i32
      %swap3A = arith.index_cast %select_n3A : i32 to index
      %swap3A_229 = arith.index_cast %mul3A_228 : i32 to index
      %swap3A_230 = tpu.vector_load %arg14[%swap3A, %swap3A_229] {strides = array<i32>} : memref<128x128xf32, #tpu.memory_space<vmem>>, vector<1x16xf32>,
      %swap3A_231 = vector.shape_cast %swap3A_230 : vector<1x16xf32> to vector<16xf32>
      %swap3A_232 = vector.shape_cast %broadcast_in_dim3A_195 : vector<16xf32> to vector<1x16xf32>
      tpu.vector_store %arg14[%swap3A, %swap3A_229], %swap3A_232 {strides = array<i32>} : memref<128x128xf32, #tpu.memory_space<vmem>>, vector<1x16xf32>,
      %scan3A_233 = arith.constant 0 : i32
      scf.yield %scan3A_233 : i32
    }
    %scan3A_99 = arith.constant 1024 : i32
    %mul3A_100 = arith.constant 640 : i32
    %mul3A_101 = arith.muli %arg1, %mul3A_100 : i32
    %add3A_102 = arith.constant 0 : i32
    %add3A_103 = arith.addi %mul3A_101, %add3A_102 : i32
    "tpu.region"() ({
      %run_scoped3A = tpu.sem_alloc : memref<!tpu.dma_semaphore, #tpu.memory_space<semaphore_mem>>
      %dma_start3A_193 = arith.constant 0 : i32
      %dma_start3A_194 = tpu.memref_slice %arg16[%add3A_103, %dma_start3A_193] : memref<10240x128xf32, #tpu.memory_space<vmem_shared>> -> memref<128x128xf32, #tpu.memory_space<vmem_shared>>
      %dma_start3A_195 = arith.constant 0 : i32
      %dma_start3A_196 = tpu.memref_slice %arg16[%add3A_103, %dma_start3A_195] : memref<10240x128xf32, #tpu.memory_space<vmem_shared>> -> memref<128x128xf32, #tpu.memory_space<vmem_shared>>
      tpu.enqueue_dma source(%arg14 : memref<128x128xf32, #tpu.memory_space<vmem>>) target(%dma_start3A_196 : memref<128x128xf32, #tpu.memory_space<vmem_shared>>) target_semaphore(%run_scoped3A : memref<!tpu.dma_semaphore, #tpu.memory_space<semaphore_mem>>)
      %dma_wait3A_197 = arith.constant 0 : i32
      %dma_wait3A_198 = tpu.memref_slice %arg16[%add3A_103, %dma_wait3A_197] : memref<10240x128xf32, #tpu.memory_space<vmem_shared>> -> memref<128x128xf32, #tpu.memory_space<vmem_shared>>
      %dma_wait3A_199 = arith.constant 0 : i32
      %dma_wait3A_200 = tpu.memref_slice %arg16[%add3A_103, %dma_wait3A_199] : memref<10240x128xf32, #tpu.memory_space<vmem_shared>> -> memref<128x128xf32, #tpu.memory_space<vmem_shared>>
      tpu.wait_dma2 semaphore(%run_scoped3A : memref<!tpu.dma_semaphore, #tpu.memory_space<semaphore_mem>>) src(%arg14 : memref<128x128xf32, #tpu.memory_space<vmem>>) dst(%dma_wait3A_200 : memref<128x128xf32, #tpu.memory_space<vmem_shared>>)
      tpu.yield
    }) : () -> ()
    %mul3A_104 = arith.constant 640 : i32
    %mul3A_105 = arith.muli %arg1, %mul3A_104 : i32
    %add3A_106 = arith.constant 128 : i32
    %add3A_107 = arith.addi %mul3A_105, %add3A_106 : i32
    "tpu.region"() ({
      %run_scoped3A = tpu.sem_alloc : memref<!tpu.dma_semaphore, #tpu.memory_space<semaphore_mem>>
      %dma_start3A_193 = arith.constant 0 : i32
      %dma_start3A_194 = tpu.memref_slice %arg16[%add3A_107, %dma_start3A_193] : memref<10240x128xf32, #tpu.memory_space<vmem_shared>> -> memref<128x128xf32, #tpu.memory_space<vmem_shared>>
      %dma_start3A_195 = arith.constant 0 : i32
      %dma_start3A_196 = tpu.memref_slice %arg16[%add3A_107, %dma_start3A_195] : memref<10240x128xf32, #tpu.memory_space<vmem_shared>> -> memref<128x128xf32, #tpu.memory_space<vmem_shared>>
      tpu.enqueue_dma source(%arg14 : memref<128x128xf32, #tpu.memory_space<vmem>>) target(%dma_start3A_196 : memref<128x128xf32, #tpu.memory_space<vmem_shared>>) target_semaphore(%run_scoped3A : memref<!tpu.dma_semaphore, #tpu.memory_space<semaphore_mem>>)
      %dma_wait3A_197 = arith.constant 0 : i32
      %dma_wait3A_198 = tpu.memref_slice %arg16[%add3A_107, %dma_wait3A_197] : memref<10240x128xf32, #tpu.memory_space<vmem_shared>> -> memref<128x128xf32, #tpu.memory_space<vmem_shared>>
      %dma_wait3A_199 = arith.constant 0 : i32
      %dma_wait3A_200 = tpu.memref_slice %arg16[%add3A_107, %dma_wait3A_199] : memref<10240x128xf32, #tpu.memory_space<vmem_shared>> -> memref<128x128xf32, #tpu.memory_space<vmem_shared>>
      tpu.wait_dma2 semaphore(%run_scoped3A : memref<!tpu.dma_semaphore, #tpu.memory_space<semaphore_mem>>) src(%arg14 : memref<128x128xf32, #tpu.memory_space<vmem>>) dst(%dma_wait3A_200 : memref<128x128xf32, #tpu.memory_space<vmem_shared>>)
      tpu.yield
    }) : () -> ()
    %mul3A_108 = arith.constant 640 : i32
    %mul3A_109 = arith.muli %arg1, %mul3A_108 : i32
    %add3A_110 = arith.constant 256 : i32
    %add3A_111 = arith.addi %mul3A_109, %add3A_110 : i32
    "tpu.region"() ({
      %run_scoped3A = tpu.sem_alloc : memref<!tpu.dma_semaphore, #tpu.memory_space<semaphore_mem>>
      %dma_start3A_193 = arith.constant 0 : i32
      %dma_start3A_194 = tpu.memref_slice %arg16[%add3A_111, %dma_start3A_193] : memref<10240x128xf32, #tpu.memory_space<vmem_shared>> -> memref<128x128xf32, #tpu.memory_space<vmem_shared>>
      %dma_start3A_195 = arith.constant 0 : i32
      %dma_start3A_196 = tpu.memref_slice %arg16[%add3A_111, %dma_start3A_195] : memref<10240x128xf32, #tpu.memory_space<vmem_shared>> -> memref<128x128xf32, #tpu.memory_space<vmem_shared>>
      tpu.enqueue_dma source(%arg14 : memref<128x128xf32, #tpu.memory_space<vmem>>) target(%dma_start3A_196 : memref<128x128xf32, #tpu.memory_space<vmem_shared>>) target_semaphore(%run_scoped3A : memref<!tpu.dma_semaphore, #tpu.memory_space<semaphore_mem>>)
      %dma_wait3A_197 = arith.constant 0 : i32
      %dma_wait3A_198 = tpu.memref_slice %arg16[%add3A_111, %dma_wait3A_197] : memref<10240x128xf32, #tpu.memory_space<vmem_shared>> -> memref<128x128xf32, #tpu.memory_space<vmem_shared>>
      %dma_wait3A_199 = arith.constant 0 : i32
      %dma_wait3A_200 = tpu.memref_slice %arg16[%add3A_111, %dma_wait3A_199] : memref<10240x128xf32, #tpu.memory_space<vmem_shared>> -> memref<128x128xf32, #tpu.memory_space<vmem_shared>>
      tpu.wait_dma2 semaphore(%run_scoped3A : memref<!tpu.dma_semaphore, #tpu.memory_space<semaphore_mem>>) src(%arg14 : memref<128x128xf32, #tpu.memory_space<vmem>>) dst(%dma_wait3A_200 : memref<128x128xf32, #tpu.memory_space<vmem_shared>>)
      tpu.yield
    }) : () -> ()
    %mul3A_112 = arith.constant 640 : i32
    %mul3A_113 = arith.muli %arg1, %mul3A_112 : i32
    %add3A_114 = arith.constant 384 : i32
    %add3A_115 = arith.addi %mul3A_113, %add3A_114 : i32
    "tpu.region"() ({
      %run_scoped3A = tpu.sem_alloc : memref<!tpu.dma_semaphore, #tpu.memory_space<semaphore_mem>>
      %dma_start3A_193 = arith.constant 0 : i32
      %dma_start3A_194 = tpu.memref_slice %arg16[%add3A_115, %dma_start3A_193] : memref<10240x128xf32, #tpu.memory_space<vmem_shared>> -> memref<128x128xf32, #tpu.memory_space<vmem_shared>>
      %dma_start3A_195 = arith.constant 0 : i32
      %dma_start3A_196 = tpu.memref_slice %arg16[%add3A_115, %dma_start3A_195] : memref<10240x128xf32, #tpu.memory_space<vmem_shared>> -> memref<128x128xf32, #tpu.memory_space<vmem_shared>>
      tpu.enqueue_dma source(%arg14 : memref<128x128xf32, #tpu.memory_space<vmem>>) target(%dma_start3A_196 : memref<128x128xf32, #tpu.memory_space<vmem_shared>>) target_semaphore(%run_scoped3A : memref<!tpu.dma_semaphore, #tpu.memory_space<semaphore_mem>>)
      %dma_wait3A_197 = arith.constant 0 : i32
      %dma_wait3A_198 = tpu.memref_slice %arg16[%add3A_115, %dma_wait3A_197] : memref<10240x128xf32, #tpu.memory_space<vmem_shared>> -> memref<128x128xf32, #tpu.memory_space<vmem_shared>>
      %dma_wait3A_199 = arith.constant 0 : i32
      %dma_wait3A_200 = tpu.memref_slice %arg16[%add3A_115, %dma_wait3A_199] : memref<10240x128xf32, #tpu.memory_space<vmem_shared>> -> memref<128x128xf32, #tpu.memory_space<vmem_shared>>
      tpu.wait_dma2 semaphore(%run_scoped3A : memref<!tpu.dma_semaphore, #tpu.memory_space<semaphore_mem>>) src(%arg14 : memref<128x128xf32, #tpu.memory_space<vmem>>) dst(%dma_wait3A_200 : memref<128x128xf32, #tpu.memory_space<vmem_shared>>)
      tpu.yield
    }) : () -> ()
    %mul3A_116 = arith.constant 640 : i32
    %mul3A_117 = arith.muli %arg1, %mul3A_116 : i32
    %add3A_118 = arith.constant 512 : i32
    %add3A_119 = arith.addi %mul3A_117, %add3A_118 : i32
    "tpu.region"() ({
      %run_scoped3A = tpu.sem_alloc : memref<!tpu.dma_semaphore, #tpu.memory_space<semaphore_mem>>
      %dma_start3A_193 = arith.constant 0 : i32
      %dma_start3A_194 = tpu.memref_slice %arg16[%add3A_119, %dma_start3A_193] : memref<10240x128xf32, #tpu.memory_space<vmem_shared>> -> memref<128x128xf32, #tpu.memory_space<vmem_shared>>
      %dma_start3A_195 = arith.constant 0 : i32
      %dma_start3A_196 = tpu.memref_slice %arg16[%add3A_119, %dma_start3A_195] : memref<10240x128xf32, #tpu.memory_space<vmem_shared>> -> memref<128x128xf32, #tpu.memory_space<vmem_shared>>
      tpu.enqueue_dma source(%arg14 : memref<128x128xf32, #tpu.memory_space<vmem>>) target(%dma_start3A_196 : memref<128x128xf32, #tpu.memory_space<vmem_shared>>) target_semaphore(%run_scoped3A : memref<!tpu.dma_semaphore, #tpu.memory_space<semaphore_mem>>)
      %dma_wait3A_197 = arith.constant 0 : i32
      %dma_wait3A_198 = tpu.memref_slice %arg16[%add3A_119, %dma_wait3A_197] : memref<10240x128xf32, #tpu.memory_space<vmem_shared>> -> memref<128x128xf32, #tpu.memory_space<vmem_shared>>
      %dma_wait3A_199 = arith.constant 0 : i32
      %dma_wait3A_200 = tpu.memref_slice %arg16[%add3A_119, %dma_wait3A_199] : memref<10240x128xf32, #tpu.memory_space<vmem_shared>> -> memref<128x128xf32, #tpu.memory_space<vmem_shared>>
      tpu.wait_dma2 semaphore(%run_scoped3A : memref<!tpu.dma_semaphore, #tpu.memory_space<semaphore_mem>>) src(%arg14 : memref<128x128xf32, #tpu.memory_space<vmem>>) dst(%dma_wait3A_200 : memref<128x128xf32, #tpu.memory_space<vmem_shared>>)
      tpu.yield
    }) : () -> ()
    %barrier3A_120 = arith.constant 0 : index
    tpu.barrier barrier_id(%barrier3A_120)
    %add3A_121 = arith.constant 0 : i32
    %add3A_122 = arith.addi %mul3A_0, %add3A_121 : i32
    %eq3A_123 = arith.constant 0 : i32
    %eq3A_124 = arith.cmpi eq, %arg0, %eq3A_123 : i32
    %convert_element_type3A_125 = arith.extui %eq3A_124 : i1 to i32
    %cond3A_126 = arith.constant 0 : i32
    %cond3A_127 = arith.cmpi ne, %convert_element_type3A_125, %cond3A_126 : i32
    scf.if %cond3A_127 {
      "tpu.region"() ({
        %run_scoped3A = tpu.sem_alloc : memref<!tpu.dma_semaphore, #tpu.memory_space<semaphore_mem>>
        %dma_start3A_193 = arith.constant 0 : i32
        %dma_start3A_194 = tpu.memref_slice %arg7[%add3A_122, %dma_start3A_193] : memref<1280x128xi32, #tpu.memory_space<hbm>> -> memref<40x128xi32, #tpu.memory_space<hbm>>
        %dma_start3A_195 = arith.constant 0 : i32
        %dma_start3A_196 = tpu.memref_slice %arg7[%add3A_122, %dma_start3A_195] : memref<1280x128xi32, #tpu.memory_space<hbm>> -> memref<40x128xi32, #tpu.memory_space<hbm>>
        tpu.enqueue_dma source(%dma_start3A_196 : memref<40x128xi32, #tpu.memory_space<hbm>>) target(%arg12 : memref<40x128xi32, #tpu.memory_space<vmem>>) target_semaphore(%run_scoped3A : memref<!tpu.dma_semaphore, #tpu.memory_space<semaphore_mem>>)
        %dma_wait3A_197 = arith.constant 0 : i32
        %dma_wait3A_198 = tpu.memref_slice %arg7[%add3A_122, %dma_wait3A_197] : memref<1280x128xi32, #tpu.memory_space<hbm>> -> memref<40x128xi32, #tpu.memory_space<hbm>>
        %dma_wait3A_199 = arith.constant 0 : i32
        %dma_wait3A_200 = tpu.memref_slice %arg7[%add3A_122, %dma_wait3A_199] : memref<1280x128xi32, #tpu.memory_space<hbm>> -> memref<40x128xi32, #tpu.memory_space<hbm>>
        tpu.wait_dma2 semaphore(%run_scoped3A : memref<!tpu.dma_semaphore, #tpu.memory_space<semaphore_mem>>) src(%dma_wait3A_200 : memref<40x128xi32, #tpu.memory_space<hbm>>) dst(%arg12 : memref<40x128xi32, #tpu.memory_space<vmem>>)
        tpu.yield
      }) : () -> ()
    } else {
    }
    %eq3A_128 = arith.constant 1 : i32
    %eq3A_129 = arith.cmpi eq, %arg0, %eq3A_128 : i32
    %convert_element_type3A_130 = arith.extui %eq3A_129 : i1 to i32
    %cond3A_131 = arith.constant 0 : i32
    %cond3A_132 = arith.cmpi ne, %convert_element_type3A_130, %cond3A_131 : i32
    scf.if %cond3A_132 {
      "tpu.region"() ({
        %run_scoped3A = tpu.sem_alloc : memref<!tpu.dma_semaphore, #tpu.memory_space<semaphore_mem>>
        %dma_start3A_193 = arith.constant 0 : i32
        %dma_start3A_194 = tpu.memref_slice %arg8[%add3A_122, %dma_start3A_193] : memref<1280x128xi32, #tpu.memory_space<hbm>> -> memref<40x128xi32, #tpu.memory_space<hbm>>
        %dma_start3A_195 = arith.constant 0 : i32
        %dma_start3A_196 = tpu.memref_slice %arg8[%add3A_122, %dma_start3A_195] : memref<1280x128xi32, #tpu.memory_space<hbm>> -> memref<40x128xi32, #tpu.memory_space<hbm>>
        tpu.enqueue_dma source(%dma_start3A_196 : memref<40x128xi32, #tpu.memory_space<hbm>>) target(%arg12 : memref<40x128xi32, #tpu.memory_space<vmem>>) target_semaphore(%run_scoped3A : memref<!tpu.dma_semaphore, #tpu.memory_space<semaphore_mem>>)
        %dma_wait3A_197 = arith.constant 0 : i32
        %dma_wait3A_198 = tpu.memref_slice %arg8[%add3A_122, %dma_wait3A_197] : memref<1280x128xi32, #tpu.memory_space<hbm>> -> memref<40x128xi32, #tpu.memory_space<hbm>>
        %dma_wait3A_199 = arith.constant 0 : i32
        %dma_wait3A_200 = tpu.memref_slice %arg8[%add3A_122, %dma_wait3A_199] : memref<1280x128xi32, #tpu.memory_space<hbm>> -> memref<40x128xi32, #tpu.memory_space<hbm>>
        tpu.wait_dma2 semaphore(%run_scoped3A : memref<!tpu.dma_semaphore, #tpu.memory_space<semaphore_mem>>) src(%dma_wait3A_200 : memref<40x128xi32, #tpu.memory_space<hbm>>) dst(%arg12 : memref<40x128xi32, #tpu.memory_space<vmem>>)
        tpu.yield
      }) : () -> ()
    } else {
    }
    "tpu.region"() ({
      %run_scoped3A = tpu.sem_alloc : memref<!tpu.dma_semaphore, #tpu.memory_space<semaphore_mem>>
      %dma_start3A_193 = arith.constant 0 : i32
      %dma_start3A_194 = tpu.memref_slice %arg9[%add3A_122, %dma_start3A_193] : memref<1280x128xi32, #tpu.memory_space<hbm>> -> memref<40x128xi32, #tpu.memory_space<hbm>>
      %dma_start3A_195 = arith.constant 0 : i32
      %dma_start3A_196 = tpu.memref_slice %arg9[%add3A_122, %dma_start3A_195] : memref<1280x128xi32, #tpu.memory_space<hbm>> -> memref<40x128xi32, #tpu.memory_space<hbm>>
      tpu.enqueue_dma source(%dma_start3A_196 : memref<40x128xi32, #tpu.memory_space<hbm>>) target(%arg13 : memref<40x128xi32, #tpu.memory_space<vmem>>) target_semaphore(%run_scoped3A : memref<!tpu.dma_semaphore, #tpu.memory_space<semaphore_mem>>)
      %dma_wait3A_197 = arith.constant 0 : i32
      %dma_wait3A_198 = tpu.memref_slice %arg9[%add3A_122, %dma_wait3A_197] : memref<1280x128xi32, #tpu.memory_space<hbm>> -> memref<40x128xi32, #tpu.memory_space<hbm>>
      %dma_wait3A_199 = arith.constant 0 : i32
      %dma_wait3A_200 = tpu.memref_slice %arg9[%add3A_122, %dma_wait3A_199] : memref<1280x128xi32, #tpu.memory_space<hbm>> -> memref<40x128xi32, #tpu.memory_space<hbm>>
      tpu.wait_dma2 semaphore(%run_scoped3A : memref<!tpu.dma_semaphore, #tpu.memory_space<semaphore_mem>>) src(%dma_wait3A_200 : memref<40x128xi32, #tpu.memory_space<hbm>>) dst(%arg13 : memref<40x128xi32, #tpu.memory_space<vmem>>)
      tpu.yield
    }) : () -> ()
    %dma_start3A_133 = arith.constant 0 : i32
    %dma_start3A_134 = arith.constant 0 : i32
    %dma_start3A_135 = tpu.memref_slice %arg12[%dma_start3A_133, %dma_start3A_134] : memref<40x128xi32, #tpu.memory_space<vmem>> -> memref<1x128xi32, #tpu.memory_space<vmem>>
    %dma_start3A_136 = tpu.memref_squeeze %dma_start3A_135 : memref<1x128xi32, #tpu.memory_space<vmem>> -> memref<128xi32, #tpu.memory_space<vmem>>
    %dma_start3A_137 = arith.constant 0 : i32
    %dma_start3A_138 = arith.constant 0 : i32
    %dma_start3A_139 = tpu.memref_slice %arg3[%dma_start3A_137, %dma_start3A_138] : memref<20000x128xf32, #tpu.memory_space<hbm>> -> memref<20000x128xf32, #tpu.memory_space<hbm>>
    tpu.enqueue_indirect_dma source(%dma_start3A_139 : memref<20000x128xf32, #tpu.memory_space<hbm>>) target(%arg14 : memref<128x128xf32, #tpu.memory_space<vmem>>) offsets(%dma_start3A_136 : memref<128xi32, #tpu.memory_space<vmem>>) semaphore(%arg17 : memref<!tpu.dma_semaphore, #tpu.memory_space<semaphore_mem>>)
    %scan3A_140 = arith.constant 0 : i32
    %scan3A_141 = arith.constant 0 : i32
    %scan3A_142 = arith.constant 20 : i32
    %scan3A_143 = arith.addi %scan3A_141, %scan3A_142 : i32
    %scan3A_144 = arith.constant 1 : i32
    %scan3A_145 = scf.for %scan3A_193 = %scan3A_141 to %scan3A_143 step %scan3A_144 iter_args(%scan3A_194 = %scan3A_140) -> (i32)  : i32 {
      %mul3A_195 = arith.constant 2 : i32
      %mul3A_196 = arith.muli %mul3A_195, %scan3A_193 : i32
      %mul3A_197 = arith.constant 2 : i32
      %mul3A_198 = arith.muli %mul3A_197, %scan3A_193 : i32
      %add3A_199 = arith.constant 1 : i32
      %add3A_200 = arith.addi %mul3A_198, %add3A_199 : i32
      %dma_wait3A_201 = arith.constant 0 : i32
      %dma_wait3A_202 = arith.constant 0 : i32
      %dma_wait3A_203 = tpu.memref_slice %arg12[%dma_wait3A_201, %dma_wait3A_202] : memref<40x128xi32, #tpu.memory_space<vmem>> -> memref<1x128xi32, #tpu.memory_space<vmem>>
      %dma_wait3A_204 = tpu.memref_squeeze %dma_wait3A_203 : memref<1x128xi32, #tpu.memory_space<vmem>> -> memref<128xi32, #tpu.memory_space<vmem>>
      %dma_wait3A_205 = arith.constant 0 : i32
      %dma_wait3A_206 = arith.constant 0 : i32
      %dma_wait3A_207 = tpu.memref_slice %arg3[%dma_wait3A_205, %dma_wait3A_206] : memref<20000x128xf32, #tpu.memory_space<hbm>> -> memref<20000x128xf32, #tpu.memory_space<hbm>>
      tpu.wait_indirect_dma semaphore(%arg17 : memref<!tpu.dma_semaphore, #tpu.memory_space<semaphore_mem>>) src(%dma_wait3A_207 : memref<20000x128xf32, #tpu.memory_space<hbm>>) dst(%arg14 : memref<128x128xf32, #tpu.memory_space<vmem>>)
      %dma_start3A_208 = arith.constant 0 : i32
      %dma_start3A_209 = tpu.memref_slice %arg12[%add3A_200, %dma_start3A_208] : memref<40x128xi32, #tpu.memory_space<vmem>> -> memref<1x128xi32, #tpu.memory_space<vmem>>
      %dma_start3A_210 = tpu.memref_squeeze %dma_start3A_209 : memref<1x128xi32, #tpu.memory_space<vmem>> -> memref<128xi32, #tpu.memory_space<vmem>>
      %dma_start3A_211 = arith.constant 0 : i32
      %dma_start3A_212 = arith.constant 0 : i32
      %dma_start3A_213 = tpu.memref_slice %arg3[%dma_start3A_211, %dma_start3A_212] : memref<20000x128xf32, #tpu.memory_space<hbm>> -> memref<20000x128xf32, #tpu.memory_space<hbm>>
      tpu.enqueue_indirect_dma source(%dma_start3A_213 : memref<20000x128xf32, #tpu.memory_space<hbm>>) target(%arg15 : memref<128x128xf32, #tpu.memory_space<vmem>>) offsets(%dma_start3A_210 : memref<128xi32, #tpu.memory_space<vmem>>) semaphore(%arg18 : memref<!tpu.dma_semaphore, #tpu.memory_space<semaphore_mem>>)
      "tpu.region"() ({
        %run_scoped3A = tpu.sem_alloc : memref<!tpu.dma_semaphore, #tpu.memory_space<semaphore_mem>>
        %dma_start3A_231 = arith.constant 0 : i32
        %dma_start3A_232 = tpu.memref_slice %arg13[%mul3A_196, %dma_start3A_231] : memref<40x128xi32, #tpu.memory_space<vmem>> -> memref<1x128xi32, #tpu.memory_space<vmem>>
        %dma_start3A_233 = tpu.memref_squeeze %dma_start3A_232 : memref<1x128xi32, #tpu.memory_space<vmem>> -> memref<128xi32, #tpu.memory_space<vmem>>
        %dma_start3A_234 = arith.constant 0 : i32
        %dma_start3A_235 = arith.constant 0 : i32
        %dma_start3A_236 = tpu.memref_slice %arg16[%dma_start3A_234, %dma_start3A_235] : memref<10240x128xf32, #tpu.memory_space<vmem_shared>> -> memref<10240x128xf32, #tpu.memory_space<vmem_shared>>
        tpu.enqueue_indirect_dma source(%arg14 : memref<128x128xf32, #tpu.memory_space<vmem>>) target(%dma_start3A_236 : memref<10240x128xf32, #tpu.memory_space<vmem_shared>>) offsets(%dma_start3A_233 : memref<128xi32, #tpu.memory_space<vmem>>) semaphore(%run_scoped3A : memref<!tpu.dma_semaphore, #tpu.memory_space<semaphore_mem>>) {add = true}
        %dma_wait3A_237 = arith.constant 0 : i32
        %dma_wait3A_238 = tpu.memref_slice %arg13[%mul3A_196, %dma_wait3A_237] : memref<40x128xi32, #tpu.memory_space<vmem>> -> memref<1x128xi32, #tpu.memory_space<vmem>>
        %dma_wait3A_239 = tpu.memref_squeeze %dma_wait3A_238 : memref<1x128xi32, #tpu.memory_space<vmem>> -> memref<128xi32, #tpu.memory_space<vmem>>
        %dma_wait3A_240 = arith.constant 0 : i32
        %dma_wait3A_241 = arith.constant 0 : i32
        %dma_wait3A_242 = tpu.memref_slice %arg16[%dma_wait3A_240, %dma_wait3A_241] : memref<10240x128xf32, #tpu.memory_space<vmem_shared>> -> memref<10240x128xf32, #tpu.memory_space<vmem_shared>>
        tpu.wait_indirect_dma semaphore(%run_scoped3A : memref<!tpu.dma_semaphore, #tpu.memory_space<semaphore_mem>>) src(%arg14 : memref<128x128xf32, #tpu.memory_space<vmem>>) dst(%dma_wait3A_242 : memref<10240x128xf32, #tpu.memory_space<vmem_shared>>)
        tpu.yield
      }) : () -> ()
      %dma_wait3A_214 = arith.constant 0 : i32
      %dma_wait3A_215 = arith.constant 0 : i32
      %dma_wait3A_216 = tpu.memref_slice %arg12[%dma_wait3A_214, %dma_wait3A_215] : memref<40x128xi32, #tpu.memory_space<vmem>> -> memref<1x128xi32, #tpu.memory_space<vmem>>
      %dma_wait3A_217 = tpu.memref_squeeze %dma_wait3A_216 : memref<1x128xi32, #tpu.memory_space<vmem>> -> memref<128xi32, #tpu.memory_space<vmem>>
      %dma_wait3A_218 = arith.constant 0 : i32
      %dma_wait3A_219 = arith.constant 0 : i32
      %dma_wait3A_220 = tpu.memref_slice %arg3[%dma_wait3A_218, %dma_wait3A_219] : memref<20000x128xf32, #tpu.memory_space<hbm>> -> memref<20000x128xf32, #tpu.memory_space<hbm>>
      tpu.wait_indirect_dma semaphore(%arg18 : memref<!tpu.dma_semaphore, #tpu.memory_space<semaphore_mem>>) src(%dma_wait3A_220 : memref<20000x128xf32, #tpu.memory_space<hbm>>) dst(%arg15 : memref<128x128xf32, #tpu.memory_space<vmem>>)
      %add3A_221 = arith.constant 2 : i32
      %add3A_222 = arith.addi %mul3A_196, %add3A_221 : i32
      %min3A = arith.constant 39 : i32
      %min3A_223 = arith.minsi %add3A_222, %min3A : i32
      %dma_start3A_224 = arith.constant 0 : i32
      %dma_start3A_225 = tpu.memref_slice %arg12[%min3A_223, %dma_start3A_224] : memref<40x128xi32, #tpu.memory_space<vmem>> -> memref<1x128xi32, #tpu.memory_space<vmem>>
      %dma_start3A_226 = tpu.memref_squeeze %dma_start3A_225 : memref<1x128xi32, #tpu.memory_space<vmem>> -> memref<128xi32, #tpu.memory_space<vmem>>
      %dma_start3A_227 = arith.constant 0 : i32
      %dma_start3A_228 = arith.constant 0 : i32
      %dma_start3A_229 = tpu.memref_slice %arg3[%dma_start3A_227, %dma_start3A_228] : memref<20000x128xf32, #tpu.memory_space<hbm>> -> memref<20000x128xf32, #tpu.memory_space<hbm>>
      tpu.enqueue_indirect_dma source(%dma_start3A_229 : memref<20000x128xf32, #tpu.memory_space<hbm>>) target(%arg14 : memref<128x128xf32, #tpu.memory_space<vmem>>) offsets(%dma_start3A_226 : memref<128xi32, #tpu.memory_space<vmem>>) semaphore(%arg17 : memref<!tpu.dma_semaphore, #tpu.memory_space<semaphore_mem>>)
      "tpu.region"() ({
        %run_scoped3A = tpu.sem_alloc : memref<!tpu.dma_semaphore, #tpu.memory_space<semaphore_mem>>
        %dma_start3A_231 = arith.constant 0 : i32
        %dma_start3A_232 = tpu.memref_slice %arg13[%add3A_200, %dma_start3A_231] : memref<40x128xi32, #tpu.memory_space<vmem>> -> memref<1x128xi32, #tpu.memory_space<vmem>>
        %dma_start3A_233 = tpu.memref_squeeze %dma_start3A_232 : memref<1x128xi32, #tpu.memory_space<vmem>> -> memref<128xi32, #tpu.memory_space<vmem>>
        %dma_start3A_234 = arith.constant 0 : i32
        %dma_start3A_235 = arith.constant 0 : i32
        %dma_start3A_236 = tpu.memref_slice %arg16[%dma_start3A_234, %dma_start3A_235] : memref<10240x128xf32, #tpu.memory_space<vmem_shared>> -> memref<10240x128xf32, #tpu.memory_space<vmem_shared>>
        tpu.enqueue_indirect_dma source(%arg15 : memref<128x128xf32, #tpu.memory_space<vmem>>) target(%dma_start3A_236 : memref<10240x128xf32, #tpu.memory_space<vmem_shared>>) offsets(%dma_start3A_233 : memref<128xi32, #tpu.memory_space<vmem>>) semaphore(%run_scoped3A : memref<!tpu.dma_semaphore, #tpu.memory_space<semaphore_mem>>) {add = true}
        %dma_wait3A_237 = arith.constant 0 : i32
        %dma_wait3A_238 = tpu.memref_slice %arg13[%add3A_200, %dma_wait3A_237] : memref<40x128xi32, #tpu.memory_space<vmem>> -> memref<1x128xi32, #tpu.memory_space<vmem>>
        %dma_wait3A_239 = tpu.memref_squeeze %dma_wait3A_238 : memref<1x128xi32, #tpu.memory_space<vmem>> -> memref<128xi32, #tpu.memory_space<vmem>>
        %dma_wait3A_240 = arith.constant 0 : i32
        %dma_wait3A_241 = arith.constant 0 : i32
        %dma_wait3A_242 = tpu.memref_slice %arg16[%dma_wait3A_240, %dma_wait3A_241] : memref<10240x128xf32, #tpu.memory_space<vmem_shared>> -> memref<10240x128xf32, #tpu.memory_space<vmem_shared>>
        tpu.wait_indirect_dma semaphore(%run_scoped3A : memref<!tpu.dma_semaphore, #tpu.memory_space<semaphore_mem>>) src(%arg15 : memref<128x128xf32, #tpu.memory_space<vmem>>) dst(%dma_wait3A_242 : memref<10240x128xf32, #tpu.memory_space<vmem_shared>>)
        tpu.yield
      }) : () -> ()
      %scan3A_230 = arith.constant 0 : i32
      scf.yield %scan3A_230 : i32
    }
    %scan3A_146 = arith.constant 20 : i32
    %dma_wait3A_147 = arith.constant 0 : i32
    %dma_wait3A_148 = arith.constant 0 : i32
    %dma_wait3A_149 = tpu.memref_slice %arg12[%dma_wait3A_147, %dma_wait3A_148] : memref<40x128xi32, #tpu.memory_space<vmem>> -> memref<1x128xi32, #tpu.memory_space<vmem>>
    %dma_wait3A_150 = tpu.memref_squeeze %dma_wait3A_149 : memref<1x128xi32, #tpu.memory_space<vmem>> -> memref<128xi32, #tpu.memory_space<vmem>>
    %dma_wait3A_151 = arith.constant 0 : i32
    %dma_wait3A_152 = arith.constant 0 : i32
    %dma_wait3A_153 = tpu.memref_slice %arg3[%dma_wait3A_151, %dma_wait3A_152] : memref<20000x128xf32, #tpu.memory_space<hbm>> -> memref<20000x128xf32, #tpu.memory_space<hbm>>
    tpu.wait_indirect_dma semaphore(%arg17 : memref<!tpu.dma_semaphore, #tpu.memory_space<semaphore_mem>>) src(%dma_wait3A_153 : memref<20000x128xf32, #tpu.memory_space<hbm>>) dst(%arg14 : memref<128x128xf32, #tpu.memory_space<vmem>>)
    %add3A_154 = arith.constant 40 : i32
    %add3A_155 = arith.addi %mul3A_0, %add3A_154 : i32
    %eq3A_156 = arith.constant 0 : i32
    %eq3A_157 = arith.cmpi eq, %arg0, %eq3A_156 : i32
    %convert_element_type3A_158 = arith.extui %eq3A_157 : i1 to i32
    %cond3A_159 = arith.constant 0 : i32
    %cond3A_160 = arith.cmpi ne, %convert_element_type3A_158, %cond3A_159 : i32
    scf.if %cond3A_160 {
      "tpu.region"() ({
        %run_scoped3A = tpu.sem_alloc : memref<!tpu.dma_semaphore, #tpu.memory_space<semaphore_mem>>
        %dma_start3A_193 = arith.constant 0 : i32
        %dma_start3A_194 = tpu.memref_slice %arg7[%add3A_155, %dma_start3A_193] : memref<1280x128xi32, #tpu.memory_space<hbm>> -> memref<40x128xi32, #tpu.memory_space<hbm>>
        %dma_start3A_195 = arith.constant 0 : i32
        %dma_start3A_196 = tpu.memref_slice %arg7[%add3A_155, %dma_start3A_195] : memref<1280x128xi32, #tpu.memory_space<hbm>> -> memref<40x128xi32, #tpu.memory_space<hbm>>
        tpu.enqueue_dma source(%dma_start3A_196 : memref<40x128xi32, #tpu.memory_space<hbm>>) target(%arg12 : memref<40x128xi32, #tpu.memory_space<vmem>>) target_semaphore(%run_scoped3A : memref<!tpu.dma_semaphore, #tpu.memory_space<semaphore_mem>>)
        %dma_wait3A_197 = arith.constant 0 : i32
        %dma_wait3A_198 = tpu.memref_slice %arg7[%add3A_155, %dma_wait3A_197] : memref<1280x128xi32, #tpu.memory_space<hbm>> -> memref<40x128xi32, #tpu.memory_space<hbm>>
        %dma_wait3A_199 = arith.constant 0 : i32
        %dma_wait3A_200 = tpu.memref_slice %arg7[%add3A_155, %dma_wait3A_199] : memref<1280x128xi32, #tpu.memory_space<hbm>> -> memref<40x128xi32, #tpu.memory_space<hbm>>
        tpu.wait_dma2 semaphore(%run_scoped3A : memref<!tpu.dma_semaphore, #tpu.memory_space<semaphore_mem>>) src(%dma_wait3A_200 : memref<40x128xi32, #tpu.memory_space<hbm>>) dst(%arg12 : memref<40x128xi32, #tpu.memory_space<vmem>>)
        tpu.yield
      }) : () -> ()
    } else {
    }
    %eq3A_161 = arith.constant 1 : i32
    %eq3A_162 = arith.cmpi eq, %arg0, %eq3A_161 : i32
    %convert_element_type3A_163 = arith.extui %eq3A_162 : i1 to i32
    %cond3A_164 = arith.constant 0 : i32
    %cond3A_165 = arith.cmpi ne, %convert_element_type3A_163, %cond3A_164 : i32
    scf.if %cond3A_165 {
      "tpu.region"() ({
        %run_scoped3A = tpu.sem_alloc : memref<!tpu.dma_semaphore, #tpu.memory_space<semaphore_mem>>
        %dma_start3A_193 = arith.constant 0 : i32
        %dma_start3A_194 = tpu.memref_slice %arg8[%add3A_155, %dma_start3A_193] : memref<1280x128xi32, #tpu.memory_space<hbm>> -> memref<40x128xi32, #tpu.memory_space<hbm>>
        %dma_start3A_195 = arith.constant 0 : i32
        %dma_start3A_196 = tpu.memref_slice %arg8[%add3A_155, %dma_start3A_195] : memref<1280x128xi32, #tpu.memory_space<hbm>> -> memref<40x128xi32, #tpu.memory_space<hbm>>
        tpu.enqueue_dma source(%dma_start3A_196 : memref<40x128xi32, #tpu.memory_space<hbm>>) target(%arg12 : memref<40x128xi32, #tpu.memory_space<vmem>>) target_semaphore(%run_scoped3A : memref<!tpu.dma_semaphore, #tpu.memory_space<semaphore_mem>>)
        %dma_wait3A_197 = arith.constant 0 : i32
        %dma_wait3A_198 = tpu.memref_slice %arg8[%add3A_155, %dma_wait3A_197] : memref<1280x128xi32, #tpu.memory_space<hbm>> -> memref<40x128xi32, #tpu.memory_space<hbm>>
        %dma_wait3A_199 = arith.constant 0 : i32
        %dma_wait3A_200 = tpu.memref_slice %arg8[%add3A_155, %dma_wait3A_199] : memref<1280x128xi32, #tpu.memory_space<hbm>> -> memref<40x128xi32, #tpu.memory_space<hbm>>
        tpu.wait_dma2 semaphore(%run_scoped3A : memref<!tpu.dma_semaphore, #tpu.memory_space<semaphore_mem>>) src(%dma_wait3A_200 : memref<40x128xi32, #tpu.memory_space<hbm>>) dst(%arg12 : memref<40x128xi32, #tpu.memory_space<vmem>>)
        tpu.yield
      }) : () -> ()
    } else {
    }
    "tpu.region"() ({
      %run_scoped3A = tpu.sem_alloc : memref<!tpu.dma_semaphore, #tpu.memory_space<semaphore_mem>>
      %dma_start3A_193 = arith.constant 0 : i32
      %dma_start3A_194 = tpu.memref_slice %arg9[%add3A_155, %dma_start3A_193] : memref<1280x128xi32, #tpu.memory_space<hbm>> -> memref<40x128xi32, #tpu.memory_space<hbm>>
      %dma_start3A_195 = arith.constant 0 : i32
      %dma_start3A_196 = tpu.memref_slice %arg9[%add3A_155, %dma_start3A_195] : memref<1280x128xi32, #tpu.memory_space<hbm>> -> memref<40x128xi32, #tpu.memory_space<hbm>>
      tpu.enqueue_dma source(%dma_start3A_196 : memref<40x128xi32, #tpu.memory_space<hbm>>) target(%arg13 : memref<40x128xi32, #tpu.memory_space<vmem>>) target_semaphore(%run_scoped3A : memref<!tpu.dma_semaphore, #tpu.memory_space<semaphore_mem>>)
      %dma_wait3A_197 = arith.constant 0 : i32
      %dma_wait3A_198 = tpu.memref_slice %arg9[%add3A_155, %dma_wait3A_197] : memref<1280x128xi32, #tpu.memory_space<hbm>> -> memref<40x128xi32, #tpu.memory_space<hbm>>
      %dma_wait3A_199 = arith.constant 0 : i32
      %dma_wait3A_200 = tpu.memref_slice %arg9[%add3A_155, %dma_wait3A_199] : memref<1280x128xi32, #tpu.memory_space<hbm>> -> memref<40x128xi32, #tpu.memory_space<hbm>>
      tpu.wait_dma2 semaphore(%run_scoped3A : memref<!tpu.dma_semaphore, #tpu.memory_space<semaphore_mem>>) src(%dma_wait3A_200 : memref<40x128xi32, #tpu.memory_space<hbm>>) dst(%arg13 : memref<40x128xi32, #tpu.memory_space<vmem>>)
      tpu.yield
    }) : () -> ()
    %dma_start3A_166 = arith.constant 0 : i32
    %dma_start3A_167 = arith.constant 0 : i32
    %dma_start3A_168 = tpu.memref_slice %arg12[%dma_start3A_166, %dma_start3A_167] : memref<40x128xi32, #tpu.memory_space<vmem>> -> memref<1x128xi32, #tpu.memory_space<vmem>>
    %dma_start3A_169 = tpu.memref_squeeze %dma_start3A_168 : memref<1x128xi32, #tpu.memory_space<vmem>> -> memref<128xi32, #tpu.memory_space<vmem>>
    %dma_start3A_170 = arith.constant 0 : i32
    %dma_start3A_171 = arith.constant 0 : i32
    %dma_start3A_172 = tpu.memref_slice %arg3[%dma_start3A_170, %dma_start3A_171] : memref<20000x128xf32, #tpu.memory_space<hbm>> -> memref<20000x128xf32, #tpu.memory_space<hbm>>
    tpu.enqueue_indirect_dma source(%dma_start3A_172 : memref<20000x128xf32, #tpu.memory_space<hbm>>) target(%arg14 : memref<128x128xf32, #tpu.memory_space<vmem>>) offsets(%dma_start3A_169 : memref<128xi32, #tpu.memory_space<vmem>>) semaphore(%arg17 : memref<!tpu.dma_semaphore, #tpu.memory_space<semaphore_mem>>)
    %scan3A_173 = arith.constant 0 : i32
    %scan3A_174 = arith.constant 0 : i32
    %scan3A_175 = arith.constant 20 : i32
    %scan3A_176 = arith.addi %scan3A_174, %scan3A_175 : i32
    %scan3A_177 = arith.constant 1 : i32
    %scan3A_178 = scf.for %scan3A_193 = %scan3A_174 to %scan3A_176 step %scan3A_177 iter_args(%scan3A_194 = %scan3A_173) -> (i32)  : i32 {
      %mul3A_195 = arith.constant 2 : i32
      %mul3A_196 = arith.muli %mul3A_195, %scan3A_193 : i32
      %mul3A_197 = arith.constant 2 : i32
      %mul3A_198 = arith.muli %mul3A_197, %scan3A_193 : i32
      %add3A_199 = arith.constant 1 : i32
      %add3A_200 = arith.addi %mul3A_198, %add3A_199 : i32
      %dma_wait3A_201 = arith.constant 0 : i32
      %dma_wait3A_202 = arith.constant 0 : i32
      %dma_wait3A_203 = tpu.memref_slice %arg12[%dma_wait3A_201, %dma_wait3A_202] : memref<40x128xi32, #tpu.memory_space<vmem>> -> memref<1x128xi32, #tpu.memory_space<vmem>>
      %dma_wait3A_204 = tpu.memref_squeeze %dma_wait3A_203 : memref<1x128xi32, #tpu.memory_space<vmem>> -> memref<128xi32, #tpu.memory_space<vmem>>
      %dma_wait3A_205 = arith.constant 0 : i32
      %dma_wait3A_206 = arith.constant 0 : i32
      %dma_wait3A_207 = tpu.memref_slice %arg3[%dma_wait3A_205, %dma_wait3A_206] : memref<20000x128xf32, #tpu.memory_space<hbm>> -> memref<20000x128xf32, #tpu.memory_space<hbm>>
      tpu.wait_indirect_dma semaphore(%arg17 : memref<!tpu.dma_semaphore, #tpu.memory_space<semaphore_mem>>) src(%dma_wait3A_207 : memref<20000x128xf32, #tpu.memory_space<hbm>>) dst(%arg14 : memref<128x128xf32, #tpu.memory_space<vmem>>)
      %dma_start3A_208 = arith.constant 0 : i32
      %dma_start3A_209 = tpu.memref_slice %arg12[%add3A_200, %dma_start3A_208] : memref<40x128xi32, #tpu.memory_space<vmem>> -> memref<1x128xi32, #tpu.memory_space<vmem>>
      %dma_start3A_210 = tpu.memref_squeeze %dma_start3A_209 : memref<1x128xi32, #tpu.memory_space<vmem>> -> memref<128xi32, #tpu.memory_space<vmem>>
      %dma_start3A_211 = arith.constant 0 : i32
      %dma_start3A_212 = arith.constant 0 : i32
      %dma_start3A_213 = tpu.memref_slice %arg3[%dma_start3A_211, %dma_start3A_212] : memref<20000x128xf32, #tpu.memory_space<hbm>> -> memref<20000x128xf32, #tpu.memory_space<hbm>>
      tpu.enqueue_indirect_dma source(%dma_start3A_213 : memref<20000x128xf32, #tpu.memory_space<hbm>>) target(%arg15 : memref<128x128xf32, #tpu.memory_space<vmem>>) offsets(%dma_start3A_210 : memref<128xi32, #tpu.memory_space<vmem>>) semaphore(%arg18 : memref<!tpu.dma_semaphore, #tpu.memory_space<semaphore_mem>>)
      "tpu.region"() ({
        %run_scoped3A = tpu.sem_alloc : memref<!tpu.dma_semaphore, #tpu.memory_space<semaphore_mem>>
        %dma_start3A_231 = arith.constant 0 : i32
        %dma_start3A_232 = tpu.memref_slice %arg13[%mul3A_196, %dma_start3A_231] : memref<40x128xi32, #tpu.memory_space<vmem>> -> memref<1x128xi32, #tpu.memory_space<vmem>>
        %dma_start3A_233 = tpu.memref_squeeze %dma_start3A_232 : memref<1x128xi32, #tpu.memory_space<vmem>> -> memref<128xi32, #tpu.memory_space<vmem>>
        %dma_start3A_234 = arith.constant 0 : i32
        %dma_start3A_235 = arith.constant 0 : i32
        %dma_start3A_236 = tpu.memref_slice %arg16[%dma_start3A_234, %dma_start3A_235] : memref<10240x128xf32, #tpu.memory_space<vmem_shared>> -> memref<10240x128xf32, #tpu.memory_space<vmem_shared>>
        tpu.enqueue_indirect_dma source(%arg14 : memref<128x128xf32, #tpu.memory_space<vmem>>) target(%dma_start3A_236 : memref<10240x128xf32, #tpu.memory_space<vmem_shared>>) offsets(%dma_start3A_233 : memref<128xi32, #tpu.memory_space<vmem>>) semaphore(%run_scoped3A : memref<!tpu.dma_semaphore, #tpu.memory_space<semaphore_mem>>) {add = true}
        %dma_wait3A_237 = arith.constant 0 : i32
        %dma_wait3A_238 = tpu.memref_slice %arg13[%mul3A_196, %dma_wait3A_237] : memref<40x128xi32, #tpu.memory_space<vmem>> -> memref<1x128xi32, #tpu.memory_space<vmem>>
        %dma_wait3A_239 = tpu.memref_squeeze %dma_wait3A_238 : memref<1x128xi32, #tpu.memory_space<vmem>> -> memref<128xi32, #tpu.memory_space<vmem>>
        %dma_wait3A_240 = arith.constant 0 : i32
        %dma_wait3A_241 = arith.constant 0 : i32
        %dma_wait3A_242 = tpu.memref_slice %arg16[%dma_wait3A_240, %dma_wait3A_241] : memref<10240x128xf32, #tpu.memory_space<vmem_shared>> -> memref<10240x128xf32, #tpu.memory_space<vmem_shared>>
        tpu.wait_indirect_dma semaphore(%run_scoped3A : memref<!tpu.dma_semaphore, #tpu.memory_space<semaphore_mem>>) src(%arg14 : memref<128x128xf32, #tpu.memory_space<vmem>>) dst(%dma_wait3A_242 : memref<10240x128xf32, #tpu.memory_space<vmem_shared>>)
        tpu.yield
      }) : () -> ()
      %dma_wait3A_214 = arith.constant 0 : i32
      %dma_wait3A_215 = arith.constant 0 : i32
      %dma_wait3A_216 = tpu.memref_slice %arg12[%dma_wait3A_214, %dma_wait3A_215] : memref<40x128xi32, #tpu.memory_space<vmem>> -> memref<1x128xi32, #tpu.memory_space<vmem>>
      %dma_wait3A_217 = tpu.memref_squeeze %dma_wait3A_216 : memref<1x128xi32, #tpu.memory_space<vmem>> -> memref<128xi32, #tpu.memory_space<vmem>>
      %dma_wait3A_218 = arith.constant 0 : i32
      %dma_wait3A_219 = arith.constant 0 : i32
      %dma_wait3A_220 = tpu.memref_slice %arg3[%dma_wait3A_218, %dma_wait3A_219] : memref<20000x128xf32, #tpu.memory_space<hbm>> -> memref<20000x128xf32, #tpu.memory_space<hbm>>
      tpu.wait_indirect_dma semaphore(%arg18 : memref<!tpu.dma_semaphore, #tpu.memory_space<semaphore_mem>>) src(%dma_wait3A_220 : memref<20000x128xf32, #tpu.memory_space<hbm>>) dst(%arg15 : memref<128x128xf32, #tpu.memory_space<vmem>>)
      %add3A_221 = arith.constant 2 : i32
      %add3A_222 = arith.addi %mul3A_196, %add3A_221 : i32
      %min3A = arith.constant 39 : i32
      %min3A_223 = arith.minsi %add3A_222, %min3A : i32
      %dma_start3A_224 = arith.constant 0 : i32
      %dma_start3A_225 = tpu.memref_slice %arg12[%min3A_223, %dma_start3A_224] : memref<40x128xi32, #tpu.memory_space<vmem>> -> memref<1x128xi32, #tpu.memory_space<vmem>>
      %dma_start3A_226 = tpu.memref_squeeze %dma_start3A_225 : memref<1x128xi32, #tpu.memory_space<vmem>> -> memref<128xi32, #tpu.memory_space<vmem>>
      %dma_start3A_227 = arith.constant 0 : i32
      %dma_start3A_228 = arith.constant 0 : i32
      %dma_start3A_229 = tpu.memref_slice %arg3[%dma_start3A_227, %dma_start3A_228] : memref<20000x128xf32, #tpu.memory_space<hbm>> -> memref<20000x128xf32, #tpu.memory_space<hbm>>
      tpu.enqueue_indirect_dma source(%dma_start3A_229 : memref<20000x128xf32, #tpu.memory_space<hbm>>) target(%arg14 : memref<128x128xf32, #tpu.memory_space<vmem>>) offsets(%dma_start3A_226 : memref<128xi32, #tpu.memory_space<vmem>>) semaphore(%arg17 : memref<!tpu.dma_semaphore, #tpu.memory_space<semaphore_mem>>)
      "tpu.region"() ({
        %run_scoped3A = tpu.sem_alloc : memref<!tpu.dma_semaphore, #tpu.memory_space<semaphore_mem>>
        %dma_start3A_231 = arith.constant 0 : i32
        %dma_start3A_232 = tpu.memref_slice %arg13[%add3A_200, %dma_start3A_231] : memref<40x128xi32, #tpu.memory_space<vmem>> -> memref<1x128xi32, #tpu.memory_space<vmem>>
        %dma_start3A_233 = tpu.memref_squeeze %dma_start3A_232 : memref<1x128xi32, #tpu.memory_space<vmem>> -> memref<128xi32, #tpu.memory_space<vmem>>
        %dma_start3A_234 = arith.constant 0 : i32
        %dma_start3A_235 = arith.constant 0 : i32
        %dma_start3A_236 = tpu.memref_slice %arg16[%dma_start3A_234, %dma_start3A_235] : memref<10240x128xf32, #tpu.memory_space<vmem_shared>> -> memref<10240x128xf32, #tpu.memory_space<vmem_shared>>
        tpu.enqueue_indirect_dma source(%arg15 : memref<128x128xf32, #tpu.memory_space<vmem>>) target(%dma_start3A_236 : memref<10240x128xf32, #tpu.memory_space<vmem_shared>>) offsets(%dma_start3A_233 : memref<128xi32, #tpu.memory_space<vmem>>) semaphore(%run_scoped3A : memref<!tpu.dma_semaphore, #tpu.memory_space<semaphore_mem>>) {add = true}
        %dma_wait3A_237 = arith.constant 0 : i32
        %dma_wait3A_238 = tpu.memref_slice %arg13[%add3A_200, %dma_wait3A_237] : memref<40x128xi32, #tpu.memory_space<vmem>> -> memref<1x128xi32, #tpu.memory_space<vmem>>
        %dma_wait3A_239 = tpu.memref_squeeze %dma_wait3A_238 : memref<1x128xi32, #tpu.memory_space<vmem>> -> memref<128xi32, #tpu.memory_space<vmem>>
        %dma_wait3A_240 = arith.constant 0 : i32
        %dma_wait3A_241 = arith.constant 0 : i32
        %dma_wait3A_242 = tpu.memref_slice %arg16[%dma_wait3A_240, %dma_wait3A_241] : memref<10240x128xf32, #tpu.memory_space<vmem_shared>> -> memref<10240x128xf32, #tpu.memory_space<vmem_shared>>
        tpu.wait_indirect_dma semaphore(%run_scoped3A : memref<!tpu.dma_semaphore, #tpu.memory_space<semaphore_mem>>) src(%arg15 : memref<128x128xf32, #tpu.memory_space<vmem>>) dst(%dma_wait3A_242 : memref<10240x128xf32, #tpu.memory_space<vmem_shared>>)
        tpu.yield
      }) : () -> ()
      %scan3A_230 = arith.constant 0 : i32
      scf.yield %scan3A_230 : i32
    }
    %scan3A_179 = arith.constant 20 : i32
    %dma_wait3A_180 = arith.constant 0 : i32
    %dma_wait3A_181 = arith.constant 0 : i32
    %dma_wait3A_182 = tpu.memref_slice %arg12[%dma_wait3A_180, %dma_wait3A_181] : memref<40x128xi32, #tpu.memory_space<vmem>> -> memref<1x128xi32, #tpu.memory_space<vmem>>
    %dma_wait3A_183 = tpu.memref_squeeze %dma_wait3A_182 : memref<1x128xi32, #tpu.memory_space<vmem>> -> memref<128xi32, #tpu.memory_space<vmem>>
    %dma_wait3A_184 = arith.constant 0 : i32
    %dma_wait3A_185 = arith.constant 0 : i32
    %dma_wait3A_186 = tpu.memref_slice %arg3[%dma_wait3A_184, %dma_wait3A_185] : memref<20000x128xf32, #tpu.memory_space<hbm>> -> memref<20000x128xf32, #tpu.memory_space<hbm>>
    tpu.wait_indirect_dma semaphore(%arg17 : memref<!tpu.dma_semaphore, #tpu.memory_space<semaphore_mem>>) src(%dma_wait3A_186 : memref<20000x128xf32, #tpu.memory_space<hbm>>) dst(%arg14 : memref<128x128xf32, #tpu.memory_space<vmem>>)
    %barrier3A_187 = arith.constant 0 : index
    tpu.barrier barrier_id(%barrier3A_187)
    %mul3A_188 = arith.constant 640 : i32
    %mul3A_189 = arith.muli %arg1, %mul3A_188 : i32
    %mul3A_190 = arith.constant 640 : i32
    %mul3A_191 = arith.muli %arg1, %mul3A_190 : i32
    "tpu.region"() ({
      %run_scoped3A = tpu.sem_alloc : memref<!tpu.dma_semaphore, #tpu.memory_space<semaphore_mem>>
      %dma_start3A_193 = arith.constant 0 : i32
      %dma_start3A_194 = tpu.memref_slice %arg11[%arg0, %mul3A_191, %dma_start3A_193] : memref<2x10240x128xf32, #tpu.memory_space<hbm>> -> memref<1x640x128xf32, #tpu.memory_space<hbm>>
      %dma_start3A_195 = tpu.memref_squeeze %dma_start3A_194 : memref<1x640x128xf32, #tpu.memory_space<hbm>> -> memref<640x128xf32, #tpu.memory_space<hbm>>
      %dma_start3A_196 = arith.constant 0 : i32
      %dma_start3A_197 = tpu.memref_slice %arg16[%mul3A_189, %dma_start3A_196] : memref<10240x128xf32, #tpu.memory_space<vmem_shared>> -> memref<640x128xf32, #tpu.memory_space<vmem_shared>>
      tpu.enqueue_dma source(%dma_start3A_197 : memref<640x128xf32, #tpu.memory_space<vmem_shared>>) target(%dma_start3A_195 : memref<640x128xf32, #tpu.memory_space<hbm>>) target_semaphore(%run_scoped3A : memref<!tpu.dma_semaphore, #tpu.memory_space<semaphore_mem>>)
      %dma_wait3A_198 = arith.constant 0 : i32
      %dma_wait3A_199 = tpu.memref_slice %arg11[%arg0, %mul3A_191, %dma_wait3A_198] : memref<2x10240x128xf32, #tpu.memory_space<hbm>> -> memref<1x640x128xf32, #tpu.memory_space<hbm>>
      %dma_wait3A_200 = tpu.memref_squeeze %dma_wait3A_199 : memref<1x640x128xf32, #tpu.memory_space<hbm>> -> memref<640x128xf32, #tpu.memory_space<hbm>>
      %dma_wait3A_201 = arith.constant 0 : i32
      %dma_wait3A_202 = tpu.memref_slice %arg16[%mul3A_189, %dma_wait3A_201] : memref<10240x128xf32, #tpu.memory_space<vmem_shared>> -> memref<640x128xf32, #tpu.memory_space<vmem_shared>>
      tpu.wait_dma2 semaphore(%run_scoped3A : memref<!tpu.dma_semaphore, #tpu.memory_space<semaphore_mem>>) src(%dma_wait3A_202 : memref<640x128xf32, #tpu.memory_space<vmem_shared>>) dst(%dma_wait3A_200 : memref<640x128xf32, #tpu.memory_space<hbm>>)
      tpu.yield
    }) : () -> ()
    %barrier3A_192 = arith.constant 0 : index
    tpu.barrier barrier_id(%barrier3A_192)
    return
  }
}

module attributes {stable_mosaic.version = 14 : i64} {
  func.func @_prep1_body(%arg0: i32, %arg1: memref<2000x256xf32, #tpu.memory_space<vmem>>, %arg2: memref<256x768xf32, #tpu.memory_space<vmem>>, %arg3: memref<2000x2xf32, #tpu.memory_space<vmem>>, %arg4: memref<2000x256xf32, #tpu.memory_space<vmem>>, %arg5: memref<4000x128xf32, #tpu.memory_space<vmem>>, %arg6: memref<4000x128xf32, #tpu.memory_space<vmem>>) attributes {dimension_semantics = [#tpu.dimension_semantics<arbitrary>], iteration_bounds = array<i64: 5>, scalar_prefetch = 0 : i64, scratch_operands = 0 : i64, tpu.core_type = #tpu.core_type<tc>, window_params = [{transform_indices = @transform_0, window_bounds = array<i64: 2000, 256>}, {pipeline_mode = #tpu.pipeline_mode<synchronous>, transform_indices = @transform_1, window_bounds = array<i64: 256, 768>}, {transform_indices = @transform_2, window_bounds = array<i64: 2000, 2>}, {transform_indices = @transform_3, window_bounds = array<i64: 2000, 256>}, {transform_indices = @transform_4, window_bounds = array<i64: 4000, 128>}, {transform_indices = @transform_5, window_bounds = array<i64: 4000, 128>}]} {
    %get3A = arith.constant 0 : index
    %get3A_0 = arith.constant 0 : index
    %get3A_1 = vector.load %arg1[%get3A, %get3A_0] : memref<2000x256xf32, #tpu.memory_space<vmem>>, vector<2000x256xf32>
    %get3A_2 = arith.constant 0 : index
    %get3A_3 = arith.constant 0 : index
    %get3A_4 = vector.load %arg2[%get3A_2, %get3A_3] : memref<256x768xf32, #tpu.memory_space<vmem>>, vector<256x768xf32>
    %dot_general3A = arith.constant dense<0.000000e+00> : vector<2000x768xf32>
    %dot_general3A_5 = tpu.matmul %get3A_1, %get3A_4, %dot_general3A {dimension_numbers = #tpu.dot_dimension_numbers<[1], [0], [0], [1], [0, 0, 1, 1], [], []>, transpose_lhs_hint = false} : vector<2000x256xf32>, vector<256x768xf32>, vector<2000x768xf32> -> vector<2000x768xf32>
    %get3A_6 = arith.constant 0 : index
    %get3A_7 = arith.constant 0 : index
    %get3A_8 = vector.load %arg3[%get3A_6, %get3A_7] : memref<2000x2xf32, #tpu.memory_space<vmem>>, vector<2000x2xf32>
    %slice3A = vector.extract_strided_slice %get3A_8 {offsets = [0, 0], sizes = [2000, 1], strides = [1, 1]} : vector<2000x2xf32> to vector<2000x1xf32>
    %squeeze3A = vector.shape_cast %slice3A : vector<2000x1xf32> to vector<2000xf32>
    %gt3A = arith.constant 0.000000e+00 : f32
    %gt3A_9 = vector.broadcast %gt3A : f32 to vector<2000xf32>
    %gt3A_10 = arith.cmpf ogt, %squeeze3A, %gt3A_9 : vector<2000xf32>
    %gt3A_11 = arith.constant 0.000000e+00 : f32
    %gt3A_12 = vector.broadcast %gt3A_11 : f32 to vector<2000xf32>
    %gt3A_13 = arith.cmpf ogt, %squeeze3A, %gt3A_12 : vector<2000xf32>
    %jit3A = arith.constant 1.000000e+00 : f32
    %broadcast_in_dim3A = vector.broadcast %jit3A : f32 to vector<2000xf32>
    %select_n3A = arith.select %gt3A_13, %squeeze3A, %broadcast_in_dim3A : vector<2000xi1>, vector<2000xf32>
    %rsqrt3A = math.rsqrt %select_n3A : vector<2000xf32>
    %jit3A_14 = arith.constant 0.000000e+00 : f32
    %broadcast_in_dim3A_15 = vector.broadcast %jit3A_14 : f32 to vector<2000xf32>
    %select_n3A_16 = arith.select %gt3A_10, %rsqrt3A, %broadcast_in_dim3A_15 : vector<2000xi1>, vector<2000xf32>
    %broadcast_in_dim3A_17 = vector.shape_cast %select_n3A_16 : vector<2000xf32> to vector<2000x1xf32>
    %slice3A_18 = vector.extract_strided_slice %get3A_8 {offsets = [0, 1], sizes = [2000, 1], strides = [1, 1]} : vector<2000x2xf32> to vector<2000x1xf32>
    %squeeze3A_19 = vector.shape_cast %slice3A_18 : vector<2000x1xf32> to vector<2000xf32>
    %gt3A_20 = arith.constant 0.000000e+00 : f32
    %gt3A_21 = vector.broadcast %gt3A_20 : f32 to vector<2000xf32>
    %gt3A_22 = arith.cmpf ogt, %squeeze3A_19, %gt3A_21 : vector<2000xf32>
    %gt3A_23 = arith.constant 0.000000e+00 : f32
    %gt3A_24 = vector.broadcast %gt3A_23 : f32 to vector<2000xf32>
    %gt3A_25 = arith.cmpf ogt, %squeeze3A_19, %gt3A_24 : vector<2000xf32>
    %jit3A_26 = arith.constant 1.000000e+00 : f32
    %broadcast_in_dim3A_27 = vector.broadcast %jit3A_26 : f32 to vector<2000xf32>
    %select_n3A_28 = arith.select %gt3A_25, %squeeze3A_19, %broadcast_in_dim3A_27 : vector<2000xi1>, vector<2000xf32>
    %rsqrt3A_29 = math.rsqrt %select_n3A_28 : vector<2000xf32>
    %jit3A_30 = arith.constant 0.000000e+00 : f32
    %broadcast_in_dim3A_31 = vector.broadcast %jit3A_30 : f32 to vector<2000xf32>
    %select_n3A_32 = arith.select %gt3A_22, %rsqrt3A_29, %broadcast_in_dim3A_31 : vector<2000xi1>, vector<2000xf32>
    %broadcast_in_dim3A_33 = vector.shape_cast %select_n3A_32 : vector<2000xf32> to vector<2000x1xf32>
    %slice3A_34 = vector.extract_strided_slice %dot_general3A_5 {offsets = [0, 0], sizes = [2000, 256], strides = [1, 1]} : vector<2000x768xf32> to vector<2000x256xf32>
    %swap3A = arith.constant 0 : index
    %swap3A_35 = arith.constant 0 : index
    %swap3A_36 = vector.load %arg4[%swap3A, %swap3A_35] : memref<2000x256xf32, #tpu.memory_space<vmem>>, vector<2000x256xf32>
    tpu.vector_store %arg4[%swap3A, %swap3A_35], %slice3A_34 {strides = array<i32>} : memref<2000x256xf32, #tpu.memory_space<vmem>>, vector<2000x256xf32>,
    %slice3A_37 = vector.extract_strided_slice %dot_general3A_5 {offsets = [0, 256], sizes = [2000, 256], strides = [1, 1]} : vector<2000x768xf32> to vector<2000x256xf32>
    %mul3A = vector.broadcast %broadcast_in_dim3A_17 : vector<2000x1xf32> to vector<2000x256xf32>
    %mul3A_38 = arith.mulf %slice3A_37, %mul3A : vector<2000x256xf32>
    %reshape3A = vector.shape_cast %mul3A_38 : vector<2000x256xf32> to vector<4000x128xf32>
    %swap3A_39 = arith.constant 0 : index
    %swap3A_40 = arith.constant 0 : index
    %swap3A_41 = vector.load %arg5[%swap3A_39, %swap3A_40] : memref<4000x128xf32, #tpu.memory_space<vmem>>, vector<4000x128xf32>
    tpu.vector_store %arg5[%swap3A_39, %swap3A_40], %reshape3A {strides = array<i32>} : memref<4000x128xf32, #tpu.memory_space<vmem>>, vector<4000x128xf32>,
    %slice3A_42 = vector.extract_strided_slice %dot_general3A_5 {offsets = [0, 512], sizes = [2000, 256], strides = [1, 1]} : vector<2000x768xf32> to vector<2000x256xf32>
    %mul3A_43 = vector.broadcast %broadcast_in_dim3A_33 : vector<2000x1xf32> to vector<2000x256xf32>
    %mul3A_44 = arith.mulf %slice3A_42, %mul3A_43 : vector<2000x256xf32>
    %reshape3A_45 = vector.shape_cast %mul3A_44 : vector<2000x256xf32> to vector<4000x128xf32>
    %swap3A_46 = arith.constant 0 : index
    %swap3A_47 = arith.constant 0 : index
    %swap3A_48 = vector.load %arg6[%swap3A_46, %swap3A_47] : memref<4000x128xf32, #tpu.memory_space<vmem>>, vector<4000x128xf32>
    tpu.vector_store %arg6[%swap3A_46, %swap3A_47], %reshape3A_45 {strides = array<i32>} : memref<4000x128xf32, #tpu.memory_space<vmem>>, vector<4000x128xf32>,
    return
  }
  func.func @transform_0(%arg0: i32) -> (i32, i32) {
    %c0_i32 = arith.constant 0 : i32
    %c0_i32_0 = arith.constant 0 : i32
    return %arg0, %c0_i32 : i32, i32
  }
  func.func @transform_1(%arg0: i32) -> (i32, i32) {
    %c0_i32 = arith.constant 0 : i32
    %c0_i32_0 = arith.constant 0 : i32
    %c0_i32_1 = arith.constant 0 : i32
    return %c0_i32, %c0_i32_0 : i32, i32
  }
  func.func @transform_2(%arg0: i32) -> (i32, i32) {
    %c0_i32 = arith.constant 0 : i32
    %c0_i32_0 = arith.constant 0 : i32
    return %arg0, %c0_i32 : i32, i32
  }
  func.func @transform_3(%arg0: i32) -> (i32, i32) {
    %c0_i32 = arith.constant 0 : i32
    %c0_i32_0 = arith.constant 0 : i32
    return %arg0, %c0_i32 : i32, i32
  }
  func.func @transform_4(%arg0: i32) -> (i32, i32) {
    %c0_i32 = arith.constant 0 : i32
    %c0_i32_0 = arith.constant 0 : i32
    return %arg0, %c0_i32 : i32, i32
  }
  func.func @transform_5(%arg0: i32) -> (i32, i32) {
    %c0_i32 = arith.constant 0 : i32
    %c0_i32_0 = arith.constant 0 : i32
    return %arg0, %c0_i32 : i32, i32
  }
}

module attributes {stable_mosaic.version = 14 : i64} {
  func.func @_combine1_body(%arg0: i32, %arg1: memref<2000x256xf32, #tpu.memory_space<vmem>>, %arg2: memref<2x2000x128xf32, #tpu.memory_space<vmem>>, %arg3: memref<2x2000x128xf32, #tpu.memory_space<vmem>>, %arg4: memref<2000x2xf32, #tpu.memory_space<vmem>>, %arg5: memref<256x384xf32, #tpu.memory_space<vmem>>, %arg6: memref<2000x128xf32, #tpu.memory_space<vmem>>, %arg7: memref<2000x128xf32, #tpu.memory_space<vmem>>, %arg8: memref<2000x128xf32, #tpu.memory_space<vmem>>) attributes {dimension_semantics = [#tpu.dimension_semantics<arbitrary>], iteration_bounds = array<i64: 5>, scalar_prefetch = 0 : i64, scratch_operands = 0 : i64, tpu.core_type = #tpu.core_type<tc>, window_params = [{transform_indices = @transform_0, window_bounds = array<i64: 2000, 256>}, {transform_indices = @transform_1, window_bounds = array<i64: 2, 2000, 128>}, {transform_indices = @transform_2, window_bounds = array<i64: 2, 2000, 128>}, {transform_indices = @transform_3, window_bounds = array<i64: 2000, 2>}, {pipeline_mode = #tpu.pipeline_mode<synchronous>, transform_indices = @transform_4, window_bounds = array<i64: 256, 384>}, {transform_indices = @transform_5, window_bounds = array<i64: 2000, 128>}, {transform_indices = @transform_6, window_bounds = array<i64: 2000, 128>}, {transform_indices = @transform_7, window_bounds = array<i64: 2000, 128>}]} {
    %get3A = arith.constant 0 : index
    %get3A_0 = arith.constant 0 : index
    %get3A_1 = vector.load %arg4[%get3A, %get3A_0] : memref<2000x2xf32, #tpu.memory_space<vmem>>, vector<2000x2xf32>
    %slice3A = vector.extract_strided_slice %get3A_1 {offsets = [0, 0], sizes = [2000, 1], strides = [1, 1]} : vector<2000x2xf32> to vector<2000x1xf32>
    %squeeze3A = vector.shape_cast %slice3A : vector<2000x1xf32> to vector<2000xf32>
    %gt3A = arith.constant 0.000000e+00 : f32
    %gt3A_2 = vector.broadcast %gt3A : f32 to vector<2000xf32>
    %gt3A_3 = arith.cmpf ogt, %squeeze3A, %gt3A_2 : vector<2000xf32>
    %gt3A_4 = arith.constant 0.000000e+00 : f32
    %gt3A_5 = vector.broadcast %gt3A_4 : f32 to vector<2000xf32>
    %gt3A_6 = arith.cmpf ogt, %squeeze3A, %gt3A_5 : vector<2000xf32>
    %jit3A = arith.constant 1.000000e+00 : f32
    %broadcast_in_dim3A = vector.broadcast %jit3A : f32 to vector<2000xf32>
    %select_n3A = arith.select %gt3A_6, %squeeze3A, %broadcast_in_dim3A : vector<2000xi1>, vector<2000xf32>
    %rsqrt3A = math.rsqrt %select_n3A : vector<2000xf32>
    %jit3A_7 = arith.constant 0.000000e+00 : f32
    %broadcast_in_dim3A_8 = vector.broadcast %jit3A_7 : f32 to vector<2000xf32>
    %select_n3A_9 = arith.select %gt3A_3, %rsqrt3A, %broadcast_in_dim3A_8 : vector<2000xi1>, vector<2000xf32>
    %broadcast_in_dim3A_10 = vector.shape_cast %select_n3A_9 : vector<2000xf32> to vector<2000x1xf32>
    %slice3A_11 = vector.extract_strided_slice %get3A_1 {offsets = [0, 1], sizes = [2000, 1], strides = [1, 1]} : vector<2000x2xf32> to vector<2000x1xf32>
    %squeeze3A_12 = vector.shape_cast %slice3A_11 : vector<2000x1xf32> to vector<2000xf32>
    %gt3A_13 = arith.constant 0.000000e+00 : f32
    %gt3A_14 = vector.broadcast %gt3A_13 : f32 to vector<2000xf32>
    %gt3A_15 = arith.cmpf ogt, %squeeze3A_12, %gt3A_14 : vector<2000xf32>
    %gt3A_16 = arith.constant 0.000000e+00 : f32
    %gt3A_17 = vector.broadcast %gt3A_16 : f32 to vector<2000xf32>
    %gt3A_18 = arith.cmpf ogt, %squeeze3A_12, %gt3A_17 : vector<2000xf32>
    %jit3A_19 = arith.constant 1.000000e+00 : f32
    %broadcast_in_dim3A_20 = vector.broadcast %jit3A_19 : f32 to vector<2000xf32>
    %select_n3A_21 = arith.select %gt3A_18, %squeeze3A_12, %broadcast_in_dim3A_20 : vector<2000xi1>, vector<2000xf32>
    %rsqrt3A_22 = math.rsqrt %select_n3A_21 : vector<2000xf32>
    %jit3A_23 = arith.constant 0.000000e+00 : f32
    %broadcast_in_dim3A_24 = vector.broadcast %jit3A_23 : f32 to vector<2000xf32>
    %select_n3A_25 = arith.select %gt3A_15, %rsqrt3A_22, %broadcast_in_dim3A_24 : vector<2000xi1>, vector<2000xf32>
    %broadcast_in_dim3A_26 = vector.shape_cast %select_n3A_25 : vector<2000xf32> to vector<2000x1xf32>
    %get3A_27 = arith.constant 0 : index
    %get3A_28 = arith.constant 0 : index
    %get3A_29 = arith.constant 0 : index
    %get3A_30 = vector.load %arg2[%get3A_27, %get3A_28, %get3A_29] : memref<2x2000x128xf32, #tpu.memory_space<vmem>>, vector<1x2000x128xf32>
    %get3A_31 = vector.shape_cast %get3A_30 : vector<1x2000x128xf32> to vector<2000x128xf32>
    %get3A_32 = arith.constant 1 : index
    %get3A_33 = arith.constant 0 : index
    %get3A_34 = arith.constant 0 : index
    %get3A_35 = vector.load %arg2[%get3A_32, %get3A_33, %get3A_34] : memref<2x2000x128xf32, #tpu.memory_space<vmem>>, vector<1x2000x128xf32>
    %get3A_36 = vector.shape_cast %get3A_35 : vector<1x2000x128xf32> to vector<2000x128xf32>
    %concatenate3A = tpu.concatenate %get3A_31, %get3A_36 in 1 : vector<2000x128xf32>, vector<2000x128xf32> -> vector<2000x256xf32>
    %get3A_37 = arith.constant 0 : index
    %get3A_38 = arith.constant 0 : index
    %get3A_39 = arith.constant 0 : index
    %get3A_40 = vector.load %arg3[%get3A_37, %get3A_38, %get3A_39] : memref<2x2000x128xf32, #tpu.memory_space<vmem>>, vector<1x2000x128xf32>
    %get3A_41 = vector.shape_cast %get3A_40 : vector<1x2000x128xf32> to vector<2000x128xf32>
    %get3A_42 = arith.constant 1 : index
    %get3A_43 = arith.constant 0 : index
    %get3A_44 = arith.constant 0 : index
    %get3A_45 = vector.load %arg3[%get3A_42, %get3A_43, %get3A_44] : memref<2x2000x128xf32, #tpu.memory_space<vmem>>, vector<1x2000x128xf32>
    %get3A_46 = vector.shape_cast %get3A_45 : vector<1x2000x128xf32> to vector<2000x128xf32>
    %concatenate3A_47 = tpu.concatenate %get3A_41, %get3A_46 in 1 : vector<2000x128xf32>, vector<2000x128xf32> -> vector<2000x256xf32>
    %get3A_48 = arith.constant 0 : index
    %get3A_49 = arith.constant 0 : index
    %get3A_50 = vector.load %arg1[%get3A_48, %get3A_49] : memref<2000x256xf32, #tpu.memory_space<vmem>>, vector<2000x256xf32>
    %mul3A = arith.constant 5.000000e-01 : f32
    %mul3A_51 = vector.broadcast %mul3A : f32 to vector<2000x1xf32>
    %mul3A_52 = arith.mulf %mul3A_51, %broadcast_in_dim3A_10 : vector<2000x1xf32>
    %mul3A_53 = vector.broadcast %mul3A_52 : vector<2000x1xf32> to vector<2000x256xf32>
    %mul3A_54 = arith.mulf %mul3A_53, %concatenate3A : vector<2000x256xf32>
    %add3A = arith.addf %get3A_50, %mul3A_54 : vector<2000x256xf32>
    %mul3A_55 = arith.constant 5.000000e-01 : f32
    %mul3A_56 = vector.broadcast %mul3A_55 : f32 to vector<2000x1xf32>
    %mul3A_57 = arith.mulf %mul3A_56, %broadcast_in_dim3A_26 : vector<2000x1xf32>
    %mul3A_58 = vector.broadcast %mul3A_57 : vector<2000x1xf32> to vector<2000x256xf32>
    %mul3A_59 = arith.mulf %mul3A_58, %concatenate3A_47 : vector<2000x256xf32>
    %add3A_60 = arith.addf %add3A, %mul3A_59 : vector<2000x256xf32>
    %max3A = arith.constant 0.000000e+00 : f32
    %max3A_61 = vector.broadcast %max3A : f32 to vector<2000x256xf32>
    %max3A_62 = arith.maximumf %add3A_60, %max3A_61 : vector<2000x256xf32>
    %get3A_63 = arith.constant 0 : index
    %get3A_64 = arith.constant 0 : index
    %get3A_65 = vector.load %arg5[%get3A_63, %get3A_64] : memref<256x384xf32, #tpu.memory_space<vmem>>, vector<256x384xf32>
    %dot_general3A = arith.constant dense<0.000000e+00> : vector<2000x384xf32>
    %dot_general3A_66 = tpu.matmul %max3A_62, %get3A_65, %dot_general3A {dimension_numbers = #tpu.dot_dimension_numbers<[1], [0], [0], [1], [0, 0, 1, 1], [], []>, transpose_lhs_hint = false} : vector<2000x256xf32>, vector<256x384xf32>, vector<2000x384xf32> -> vector<2000x384xf32>
    %slice3A_67 = vector.extract_strided_slice %dot_general3A_66 {offsets = [0, 0], sizes = [2000, 128], strides = [1, 1]} : vector<2000x384xf32> to vector<2000x128xf32>
    %swap3A = arith.constant 0 : index
    %swap3A_68 = arith.constant 0 : index
    %swap3A_69 = vector.load %arg6[%swap3A, %swap3A_68] : memref<2000x128xf32, #tpu.memory_space<vmem>>, vector<2000x128xf32>
    tpu.vector_store %arg6[%swap3A, %swap3A_68], %slice3A_67 {strides = array<i32>} : memref<2000x128xf32, #tpu.memory_space<vmem>>, vector<2000x128xf32>,
    %slice3A_70 = vector.extract_strided_slice %dot_general3A_66 {offsets = [0, 128], sizes = [2000, 128], strides = [1, 1]} : vector<2000x384xf32> to vector<2000x128xf32>
    %mul3A_71 = vector.broadcast %broadcast_in_dim3A_10 : vector<2000x1xf32> to vector<2000x128xf32>
    %mul3A_72 = arith.mulf %slice3A_70, %mul3A_71 : vector<2000x128xf32>
    %swap3A_73 = arith.constant 0 : index
    %swap3A_74 = arith.constant 0 : index
    %swap3A_75 = vector.load %arg7[%swap3A_73, %swap3A_74] : memref<2000x128xf32, #tpu.memory_space<vmem>>, vector<2000x128xf32>
    tpu.vector_store %arg7[%swap3A_73, %swap3A_74], %mul3A_72 {strides = array<i32>} : memref<2000x128xf32, #tpu.memory_space<vmem>>, vector<2000x128xf32>,
    %slice3A_76 = vector.extract_strided_slice %dot_general3A_66 {offsets = [0, 256], sizes = [2000, 128], strides = [1, 1]} : vector<2000x384xf32> to vector<2000x128xf32>
    %mul3A_77 = vector.broadcast %broadcast_in_dim3A_26 : vector<2000x1xf32> to vector<2000x128xf32>
    %mul3A_78 = arith.mulf %slice3A_76, %mul3A_77 : vector<2000x128xf32>
    %swap3A_79 = arith.constant 0 : index
    %swap3A_80 = arith.constant 0 : index
    %swap3A_81 = vector.load %arg8[%swap3A_79, %swap3A_80] : memref<2000x128xf32, #tpu.memory_space<vmem>>, vector<2000x128xf32>
    tpu.vector_store %arg8[%swap3A_79, %swap3A_80], %mul3A_78 {strides = array<i32>} : memref<2000x128xf32, #tpu.memory_space<vmem>>, vector<2000x128xf32>,
    return
  }
  func.func @transform_0(%arg0: i32) -> (i32, i32) {
    %c0_i32 = arith.constant 0 : i32
    %c0_i32_0 = arith.constant 0 : i32
    return %arg0, %c0_i32 : i32, i32
  }
  func.func @transform_1(%arg0: i32) -> (i32, i32, i32) {
    %c0_i32 = arith.constant 0 : i32
    %c0_i32_0 = arith.constant 0 : i32
    %c0_i32_1 = arith.constant 0 : i32
    return %c0_i32, %arg0, %c0_i32_0 : i32, i32, i32
  }
  func.func @transform_2(%arg0: i32) -> (i32, i32, i32) {
    %c0_i32 = arith.constant 0 : i32
    %c0_i32_0 = arith.constant 0 : i32
    %c0_i32_1 = arith.constant 0 : i32
    return %c0_i32, %arg0, %c0_i32_0 : i32, i32, i32
  }
  func.func @transform_3(%arg0: i32) -> (i32, i32) {
    %c0_i32 = arith.constant 0 : i32
    %c0_i32_0 = arith.constant 0 : i32
    return %arg0, %c0_i32 : i32, i32
  }
  func.func @transform_4(%arg0: i32) -> (i32, i32) {
    %c0_i32 = arith.constant 0 : i32
    %c0_i32_0 = arith.constant 0 : i32
    %c0_i32_1 = arith.constant 0 : i32
    return %c0_i32, %c0_i32_0 : i32, i32
  }
  func.func @transform_5(%arg0: i32) -> (i32, i32) {
    %c0_i32 = arith.constant 0 : i32
    %c0_i32_0 = arith.constant 0 : i32
    return %arg0, %c0_i32 : i32, i32
  }
  func.func @transform_6(%arg0: i32) -> (i32, i32) {
    %c0_i32 = arith.constant 0 : i32
    %c0_i32_0 = arith.constant 0 : i32
    return %arg0, %c0_i32 : i32, i32
  }
  func.func @transform_7(%arg0: i32) -> (i32, i32) {
    %c0_i32 = arith.constant 0 : i32
    %c0_i32_0 = arith.constant 0 : i32
    return %arg0, %c0_i32 : i32, i32
  }
}

module attributes {stable_mosaic.version = 14 : i64} {
  func.func @_combine2_body(%arg0: i32, %arg1: memref<2000x128xf32, #tpu.memory_space<vmem>>, %arg2: memref<2x2000x128xf32, #tpu.memory_space<vmem>>, %arg3: memref<2x2000x128xf32, #tpu.memory_space<vmem>>, %arg4: memref<2000x2xf32, #tpu.memory_space<vmem>>, %arg5: memref<2000x128xf32, #tpu.memory_space<vmem>>, %arg6: memref<2000x128xf32, #tpu.memory_space<vmem>>) attributes {dimension_semantics = [#tpu.dimension_semantics<arbitrary>], iteration_bounds = array<i64: 5>, scalar_prefetch = 0 : i64, scratch_operands = 0 : i64, tpu.core_type = #tpu.core_type<tc>, window_params = [{transform_indices = @transform_0, window_bounds = array<i64: 2000, 128>}, {transform_indices = @transform_1, window_bounds = array<i64: 2, 2000, 128>}, {transform_indices = @transform_2, window_bounds = array<i64: 2, 2000, 128>}, {transform_indices = @transform_3, window_bounds = array<i64: 2000, 2>}, {transform_indices = @transform_4, window_bounds = array<i64: 2000, 128>}, {transform_indices = @transform_5, window_bounds = array<i64: 2000, 128>}]} {
    %get3A = arith.constant 0 : index
    %get3A_0 = arith.constant 0 : index
    %get3A_1 = vector.load %arg4[%get3A, %get3A_0] : memref<2000x2xf32, #tpu.memory_space<vmem>>, vector<2000x2xf32>
    %slice3A = vector.extract_strided_slice %get3A_1 {offsets = [0, 0], sizes = [2000, 1], strides = [1, 1]} : vector<2000x2xf32> to vector<2000x1xf32>
    %squeeze3A = vector.shape_cast %slice3A : vector<2000x1xf32> to vector<2000xf32>
    %gt3A = arith.constant 0.000000e+00 : f32
    %gt3A_2 = vector.broadcast %gt3A : f32 to vector<2000xf32>
    %gt3A_3 = arith.cmpf ogt, %squeeze3A, %gt3A_2 : vector<2000xf32>
    %gt3A_4 = arith.constant 0.000000e+00 : f32
    %gt3A_5 = vector.broadcast %gt3A_4 : f32 to vector<2000xf32>
    %gt3A_6 = arith.cmpf ogt, %squeeze3A, %gt3A_5 : vector<2000xf32>
    %jit3A = arith.constant 1.000000e+00 : f32
    %broadcast_in_dim3A = vector.broadcast %jit3A : f32 to vector<2000xf32>
    %select_n3A = arith.select %gt3A_6, %squeeze3A, %broadcast_in_dim3A : vector<2000xi1>, vector<2000xf32>
    %rsqrt3A = math.rsqrt %select_n3A : vector<2000xf32>
    %jit3A_7 = arith.constant 0.000000e+00 : f32
    %broadcast_in_dim3A_8 = vector.broadcast %jit3A_7 : f32 to vector<2000xf32>
    %select_n3A_9 = arith.select %gt3A_3, %rsqrt3A, %broadcast_in_dim3A_8 : vector<2000xi1>, vector<2000xf32>
    %broadcast_in_dim3A_10 = vector.shape_cast %select_n3A_9 : vector<2000xf32> to vector<2000x1xf32>
    %slice3A_11 = vector.extract_strided_slice %get3A_1 {offsets = [0, 1], sizes = [2000, 1], strides = [1, 1]} : vector<2000x2xf32> to vector<2000x1xf32>
    %squeeze3A_12 = vector.shape_cast %slice3A_11 : vector<2000x1xf32> to vector<2000xf32>
    %gt3A_13 = arith.constant 0.000000e+00 : f32
    %gt3A_14 = vector.broadcast %gt3A_13 : f32 to vector<2000xf32>
    %gt3A_15 = arith.cmpf ogt, %squeeze3A_12, %gt3A_14 : vector<2000xf32>
    %gt3A_16 = arith.constant 0.000000e+00 : f32
    %gt3A_17 = vector.broadcast %gt3A_16 : f32 to vector<2000xf32>
    %gt3A_18 = arith.cmpf ogt, %squeeze3A_12, %gt3A_17 : vector<2000xf32>
    %jit3A_19 = arith.constant 1.000000e+00 : f32
    %broadcast_in_dim3A_20 = vector.broadcast %jit3A_19 : f32 to vector<2000xf32>
    %select_n3A_21 = arith.select %gt3A_18, %squeeze3A_12, %broadcast_in_dim3A_20 : vector<2000xi1>, vector<2000xf32>
    %rsqrt3A_22 = math.rsqrt %select_n3A_21 : vector<2000xf32>
    %jit3A_23 = arith.constant 0.000000e+00 : f32
    %broadcast_in_dim3A_24 = vector.broadcast %jit3A_23 : f32 to vector<2000xf32>
    %select_n3A_25 = arith.select %gt3A_15, %rsqrt3A_22, %broadcast_in_dim3A_24 : vector<2000xi1>, vector<2000xf32>
    %broadcast_in_dim3A_26 = vector.shape_cast %select_n3A_25 : vector<2000xf32> to vector<2000x1xf32>
    %get3A_27 = arith.constant 0 : index
    %get3A_28 = arith.constant 0 : index
    %get3A_29 = vector.load %arg1[%get3A_27, %get3A_28] : memref<2000x128xf32, #tpu.memory_space<vmem>>, vector<2000x128xf32>
    %mul3A = arith.constant 5.000000e-01 : f32
    %mul3A_30 = vector.broadcast %mul3A : f32 to vector<2000x1xf32>
    %mul3A_31 = arith.mulf %mul3A_30, %broadcast_in_dim3A_10 : vector<2000x1xf32>
    %get3A_32 = arith.constant 0 : index
    %get3A_33 = arith.constant 0 : index
    %get3A_34 = arith.constant 0 : index
    %get3A_35 = vector.load %arg2[%get3A_32, %get3A_33, %get3A_34] : memref<2x2000x128xf32, #tpu.memory_space<vmem>>, vector<1x2000x128xf32>
    %get3A_36 = vector.shape_cast %get3A_35 : vector<1x2000x128xf32> to vector<2000x128xf32>
    %get3A_37 = arith.constant 1 : index
    %get3A_38 = arith.constant 0 : index
    %get3A_39 = arith.constant 0 : index
    %get3A_40 = vector.load %arg2[%get3A_37, %get3A_38, %get3A_39] : memref<2x2000x128xf32, #tpu.memory_space<vmem>>, vector<1x2000x128xf32>
    %get3A_41 = vector.shape_cast %get3A_40 : vector<1x2000x128xf32> to vector<2000x128xf32>
    %add3A = arith.addf %get3A_36, %get3A_41 : vector<2000x128xf32>
    %mul3A_42 = vector.broadcast %mul3A_31 : vector<2000x1xf32> to vector<2000x128xf32>
    %mul3A_43 = arith.mulf %mul3A_42, %add3A : vector<2000x128xf32>
    %add3A_44 = arith.addf %get3A_29, %mul3A_43 : vector<2000x128xf32>
    %mul3A_45 = arith.constant 5.000000e-01 : f32
    %mul3A_46 = vector.broadcast %mul3A_45 : f32 to vector<2000x1xf32>
    %mul3A_47 = arith.mulf %mul3A_46, %broadcast_in_dim3A_26 : vector<2000x1xf32>
    %get3A_48 = arith.constant 0 : index
    %get3A_49 = arith.constant 0 : index
    %get3A_50 = arith.constant 0 : index
    %get3A_51 = vector.load %arg3[%get3A_48, %get3A_49, %get3A_50] : memref<2x2000x128xf32, #tpu.memory_space<vmem>>, vector<1x2000x128xf32>
    %get3A_52 = vector.shape_cast %get3A_51 : vector<1x2000x128xf32> to vector<2000x128xf32>
    %get3A_53 = arith.constant 1 : index
    %get3A_54 = arith.constant 0 : index
    %get3A_55 = arith.constant 0 : index
    %get3A_56 = vector.load %arg3[%get3A_53, %get3A_54, %get3A_55] : memref<2x2000x128xf32, #tpu.memory_space<vmem>>, vector<1x2000x128xf32>
    %get3A_57 = vector.shape_cast %get3A_56 : vector<1x2000x128xf32> to vector<2000x128xf32>
    %add3A_58 = arith.addf %get3A_52, %get3A_57 : vector<2000x128xf32>
    %mul3A_59 = vector.broadcast %mul3A_47 : vector<2000x1xf32> to vector<2000x128xf32>
    %mul3A_60 = arith.mulf %mul3A_59, %add3A_58 : vector<2000x128xf32>
    %add3A_61 = arith.addf %add3A_44, %mul3A_60 : vector<2000x128xf32>
    %reduce_max3A = arith.constant dense<0xFF800000> : vector<2000xf32>
    %reduce_max3A_62 = vector.multi_reduction <maximumf>, %add3A_61, %reduce_max3A [1] : vector<2000x128xf32> to vector<2000xf32>
    %broadcast_in_dim3A_63 = vector.shape_cast %reduce_max3A_62 : vector<2000xf32> to vector<2000x1xf32>
    %sub3A = vector.broadcast %broadcast_in_dim3A_63 : vector<2000x1xf32> to vector<2000x128xf32>
    %sub3A_64 = arith.subf %add3A_61, %sub3A : vector<2000x128xf32>
    %exp3A = math.exp %sub3A_64 : vector<2000x128xf32>
    %reduce_sum3A = arith.constant dense<0.000000e+00> : vector<2000xf32>
    %reduce_sum3A_65 = vector.multi_reduction <add>, %exp3A, %reduce_sum3A [1] : vector<2000x128xf32> to vector<2000xf32>
    %broadcast_in_dim3A_66 = vector.shape_cast %reduce_sum3A_65 : vector<2000xf32> to vector<2000x1xf32>
    %div3A = vector.broadcast %broadcast_in_dim3A_66 : vector<2000x1xf32> to vector<2000x128xf32>
    %div3A_67 = arith.divf %exp3A, %div3A : vector<2000x128xf32>
    %swap3A = arith.constant 0 : index
    %swap3A_68 = arith.constant 0 : index
    %swap3A_69 = vector.load %arg5[%swap3A, %swap3A_68] : memref<2000x128xf32, #tpu.memory_space<vmem>>, vector<2000x128xf32>
    tpu.vector_store %arg5[%swap3A, %swap3A_68], %div3A_67 {strides = array<i32>} : memref<2000x128xf32, #tpu.memory_space<vmem>>, vector<2000x128xf32>,
    %sub3A_70 = vector.broadcast %broadcast_in_dim3A_63 : vector<2000x1xf32> to vector<2000x128xf32>
    %sub3A_71 = arith.subf %add3A_61, %sub3A_70 : vector<2000x128xf32>
    %log3A = math.log %broadcast_in_dim3A_66 : vector<2000x1xf32>
    %sub3A_72 = vector.broadcast %log3A : vector<2000x1xf32> to vector<2000x128xf32>
    %sub3A_73 = arith.subf %sub3A_71, %sub3A_72 : vector<2000x128xf32>
    %swap3A_74 = arith.constant 0 : index
    %swap3A_75 = arith.constant 0 : index
    %swap3A_76 = vector.load %arg6[%swap3A_74, %swap3A_75] : memref<2000x128xf32, #tpu.memory_space<vmem>>, vector<2000x128xf32>
    tpu.vector_store %arg6[%swap3A_74, %swap3A_75], %sub3A_73 {strides = array<i32>} : memref<2000x128xf32, #tpu.memory_space<vmem>>, vector<2000x128xf32>,
    return
  }
  func.func @transform_0(%arg0: i32) -> (i32, i32) {
    %c0_i32 = arith.constant 0 : i32
    %c0_i32_0 = arith.constant 0 : i32
    return %arg0, %c0_i32 : i32, i32
  }
  func.func @transform_1(%arg0: i32) -> (i32, i32, i32) {
    %c0_i32 = arith.constant 0 : i32
    %c0_i32_0 = arith.constant 0 : i32
    %c0_i32_1 = arith.constant 0 : i32
    return %c0_i32, %arg0, %c0_i32_0 : i32, i32, i32
  }
  func.func @transform_2(%arg0: i32) -> (i32, i32, i32) {
    %c0_i32 = arith.constant 0 : i32
    %c0_i32_0 = arith.constant 0 : i32
    %c0_i32_1 = arith.constant 0 : i32
    return %c0_i32, %arg0, %c0_i32_0 : i32, i32, i32
  }
  func.func @transform_3(%arg0: i32) -> (i32, i32) {
    %c0_i32 = arith.constant 0 : i32
    %c0_i32_0 = arith.constant 0 : i32
    return %arg0, %c0_i32 : i32, i32
  }
  func.func @transform_4(%arg0: i32) -> (i32, i32) {
    %c0_i32 = arith.constant 0 : i32
    %c0_i32_0 = arith.constant 0 : i32
    return %arg0, %c0_i32 : i32, i32
  }
  func.func @transform_5(%arg0: i32) -> (i32, i32) {
    %c0_i32 = arith.constant 0 : i32
    %c0_i32_0 = arith.constant 0 : i32
    return %arg0, %c0_i32 : i32, i32
  }
}

</mosaic_0001>

<sc_bundles>
// kernel: kernel.11.cloned.1.call-start
scs
__scs_entry_jumppad:
0x0: {  	(pc) =	sbr.rel $0x88, $3  }
0x1: {  	(tag) =	ssettag $0x0;
	lr =	simm.s32 $0x1  }
0x2: {  	[smem:$0x3F98] =	sst lr;
	_ =	strace $0xD0000000  }
0x3: {  	_ = 	snop  }
0x4: {  	_ = 	snop  }
0x5: {  	_ = 	snop  }
0x6: {  	_ = 	snop  }
0x7: {  	_ = 	snop  }
__scs_overlays_trampoline_lowered:
0x8: {  	[smem:$0x3FA7] =	sst s0  }
0x9: {  	[smem:$0x3FA8] =	sst s1  }
0xa: {  	[smem:$0x3FA9] =	sst s2  }
0xb: {  	[smem:$0x3FAA] =	sst s3  }
0xc: {  	[smem:$0x3FAB] =	sst s4  }
0xd: {  	[smem:$0x3FAC] =	sst s5  }
0xe: {  	[smem:$0x3FAD] =	sst s6  }
0xf: {  	[smem:$0x3FAE] =	sst s7  }
0x10: {  	[smem:$0x3FAF] =	sst s8  }
0x11: {  	[smem:$0x3FB0] =	sst s9;
	s0 =	simm.s32 @!p0 $0x0  }
0x12: {  	s1 =	sld [smem:$0x3F96];
	s0 =	simm.s32 @p0 $0x1  }
0x13: {  	[smem:$0x3FB1] =	sst s0;
	s0 =	simm.s32 @!p1 $0x0  }
0x14: {  	s2 =	sld [smem:$0x3F95];
	s0 =	simm.s32 @p1 $0x1  }
0x15: {  	[smem:$0x3FB2] =	sst s0;
	s0 =	simm.s32 @!p2 $0x0  }
0x16: {  	s3 =	sld [smem:$0x3FDB];
	s0 =	simm.s32 @p2 $0x1  }
0x17: {  	s4 =	simm.s32 $0x1BF5;
	[smem:$0x3FB4] =	sst s0  }
0x18: {  	s0 =	sld [smem:$0x3F97];
	_ =	swait.ge [sflag:s4], $0x0  }
0x19: {  	s7 =	sld [smem:$0x3F98]  }
0x1a: {  	s8 =	sadd.s32 $0xFFFFE003, lr  }
0x1b: {  	s9 =	sadd.s32 $0xFFFFFEF7, lr;
	s5 =	simm.s32 $0xFFFFFFFF;
	p2 =	slt.u32 s8, $0xFFFFF086  }
0x1c: {  	p1 =	slt.u32 s9, $0xF7A;
	s5 =	simm.s32 @!p2 $0x0  }
0x1d: {  	s5 =	simm.s32 @p1 $0x1;
	p0 =	seq.s32 s7, s2  }
0x1e: {  	s7 =	smul.u32 @!p0 $0xF7A, s2;
	p2 =	seq.s32 @!p0 s5, $0x0  }
0x1f: {  	s9 =	smul.u32 $0xF7A, s1;
	s8 =	simm.s32 @!p0 $0x1BF5;
	p2 =	por !p2, p0  }
0x20: {  	[sflag:s8] =	ssyncset.s32 @!p0 $0xFFFFF086;
	s6 =	sadd.s32 @!p0 s3, s7;
	s7 =	simm.s32 @!p0 $0x108  }
0x21: {  	s3 =	sadd.s32 s3, s9;
	s6 =	sadd.s32 @!p0 $0x88, s6;
	s7 =	simm.s32 @p2 $0x1082  }
0x22: {  	[simem:s7], [sflag:s8] =	dma.local @!p0 [hbm:s6], $0xF7A  }
0x23: {  	s9 =	sor.u32 $0xD0000000, s2;
	s6 =	simm.s32 $0x108;
	_ =	swait.ge @!p0 [sflag:s8], $0x0  }
0x24: {  	s3 =	sadd.s32 $0x88, s3;
	s6 =	simm.s32 @!p1 $0x1082;
	[sflag:s4] =	ssyncset.s32 $0xFFFFF086  }
0x25: {  	[simem:s6], [sflag:s4] =	dma.local [hbm:s3], $0xF7A  }
0x26: {  	[smem:$0x3F98] =	sst s1;
	(tag) =	ssettag s2;
	_ =	strace s9  }
0x27: {  	s1 =	sld [smem:$0x3FA8]  }
0x28: {  	s2 =	sld [smem:$0x3FA9]  }
0x29: {  	s4 =	sld [smem:$0x3FAB]  }
0x2a: {  	p0 =	seq.s32 s5, $0x0;
	s5 =	sld [smem:$0x3FAC]  }
0x2b: {  	s6 =	sld [smem:$0x3FAD]  }
0x2c: {  	s7 =	sld [smem:$0x3FAE]  }
0x2d: {  	s3 =	simm.s32 $0x108;
	s8 =	sld [smem:$0x3FAF]  }
0x2e: {  	s3 =	simm.s32 @!p0 $0x1082;
	s9 =	sld [smem:$0x3FB0]  }
0x2f: {  	lr =	sadd.s32 s0, s3;
	s0 =	sld [smem:$0x3FA7]  }
0x30: {  	s3 =	sld [smem:$0x3FAA]  }
0x31: {  	[smem:$0x3FB3] =	sst s10  }
0x32: {  	s10 =	sld [smem:$0x3FB1];
	_ =	sdelay $0x3  }
0x33: {  	p0 =	seq.s32 s10, $0x1;
	s10 =	sld [smem:$0x3FB3];
	_ =	sdelay $0x3  }
0x34: {  	[smem:$0x3FB3] =	sst s10  }
0x35: {  	s10 =	sld [smem:$0x3FB2];
	_ =	sdelay $0x3  }
0x36: {  	p1 =	seq.s32 s10, $0x1;
	s10 =	sld [smem:$0x3FB3];
	_ =	sdelay $0x3  }
0x37: {  	[smem:$0x3FB3] =	sst s10  }
0x38: {  	s10 =	sld [smem:$0x3FB4]  }
0x39: {  	_ = 	snop;
	(pc) =	sbr.ind lr, $3  }
0x3a: {  	_ = 	snop  }
0x3b: {  	_ = 	snop  }
0x3c: {  	p2 =	seq.s32 s10, $0x1;
	s10 =	sld [smem:$0x3FB3]  }
0x3d: {  	_ =	shalt  }
0x3e: {  	_ =	shalt  }
0x3f: {  	_ =	shalt  }
0x40: {  	_ =	shalt  }
0x41: {  	_ =	shalt  }
0x42: {  	_ =	shalt  }
0x43: {  	_ =	shalt  }
0x44: {  	_ =	shalt  }
0x45: {  	_ =	shalt  }
0x46: {  	_ =	shalt  }
0x47: {  	_ =	shalt  }
0x48: {  	_ =	shalt  }
0x49: {  	_ =	shalt  }
0x4a: {  	_ =	shalt  }
0x4b: {  	_ =	shalt  }
0x4c: {  	_ =	shalt  }
0x4d: {  	_ =	shalt  }
0x4e: {  	_ =	shalt  }
0x4f: {  	_ =	shalt  }
0x50: {  	_ =	shalt  }
0x51: {  	_ =	shalt  }
0x52: {  	_ =	shalt  }
0x53: {  	_ =	shalt  }
0x54: {  	_ =	shalt  }
0x55: {  	_ =	shalt  }
0x56: {  	_ =	shalt  }
0x57: {  	_ =	shalt  }
0x58: {  	_ =	shalt  }
0x59: {  	_ =	shalt  }
0x5a: {  	_ =	shalt  }
0x5b: {  	_ =	shalt  }
0x5c: {  	_ =	shalt  }
0x5d: {  	_ =	shalt  }
0x5e: {  	_ =	shalt  }
0x5f: {  	_ =	shalt  }
0x60: {  	_ =	shalt  }
0x61: {  	_ =	shalt  }
0x62: {  	_ =	shalt  }
0x63: {  	_ =	shalt  }
0x64: {  	_ =	shalt  }
0x65: {  	_ =	shalt  }
0x66: {  	_ =	shalt  }
0x67: {  	_ =	shalt  }
0x68: {  	_ =	shalt  }
0x69: {  	_ =	shalt  }
0x6a: {  	_ =	shalt  }
0x6b: {  	_ =	shalt  }
0x6c: {  	_ =	shalt  }
0x6d: {  	_ =	shalt  }
0x6e: {  	_ =	shalt  }
0x6f: {  	_ =	shalt  }
0x70: {  	_ =	shalt  }
0x71: {  	_ =	shalt  }
0x72: {  	_ =	shalt  }
0x73: {  	_ =	shalt  }
0x74: {  	_ =	shalt  }
0x75: {  	_ =	shalt  }
0x76: {  	_ =	shalt  }
0x77: {  	_ =	shalt  }
0x78: {  	_ =	shalt  }
0x79: {  	_ =	shalt  }
0x7a: {  	_ =	shalt  }
0x7b: {  	_ =	shalt  }
0x7c: {  	_ =	shalt  }
0x7d: {  	_ =	shalt  }
0x7e: {  	_ =	shalt  }
0x7f: {  	_ =	shalt  }
0x80: {  	_ =	shalt  }
0x81: {  	_ =	shalt  }
0x82: {  	_ =	shalt  }
0x83: {  	_ =	shalt  }
0x84: {  	_ =	shalt  }
0x85: {  	_ =	shalt  }
0x86: {  	_ =	shalt  }
0x87: {  	_ =	shalt  }
.Lfunc_end0:
.L_simem_size_0:
called_computation.1_lowered:
.L_overlay_start_0:
0x88: {  	s2 =	sld [smem:$0x3FD9]  }
0x89: {  	s3 =	sld [smem:$0x3FFE];
	_ =	sdelay $0x1  }
0x8a: {  	s1 =	srdreg.scid  }
0x8b: {  	s0 =	sand.u32 $0x1, s1  }
0x8c: {  	s14 =	sshll.u32 s0, $0xA;
	s2 =	sadd.s32 s3, s2  }
0x8d: {  	s2 =	sadd.s32 s2, s14  }
0x8e: {  	[smem:$0x3FBF] =	sst s2  }
0x8f: {  	_ = 	snop  }
0x90: {  	s2 =	sld [smem:$0x3FD0];
	_ =	sdelay $0x2  }
0x91: {  	s15 =	simm.s32 $0xA;
	s4 =	simm.s32 $0x10  }
0x92: {  	[smem:s4], [sflag:s15] =	dma.local [hbm:s2], $0x1  }
0x93: {  	_ =	swait.eq [sflag:s15], $0x1  }
0x94: {  	[sflag:s15] =	ssyncset.done $0x0  }
0x95: {  	s16 =	sld [smem:$0x10];
	[sflag:s15] =	ssyncadd.s32 $0xFFFFFFFF  }
0x96: {  	s17 =	sld [smem:$0x11];
	(tm) =	ssettm $0x1  }
0x97: {  	s18 =	sld [smem:$0x3FFB];
	_ =	sdelay $0x3  }
0x98: {  	_ =	strace s18  }
0x99: {  	s4 =	sld [smem:$0x3FFC];
	_ =	sdelay $0x3  }
0x9a: {  	_ =	strace s4  }
0x9b: {  	s4 =	sld [smem:$0x3FFD];
	_ =	sdelay $0x3  }
0x9c: {  	_ =	strace s4  }
0x9d: {  	_ =	strace $0x8FFFFFFF  }
0x9e: {  	s19 =	sld [smem:$0x3FDB];
	_ =	sdelay $0x1  }
0x9f: {  	s5 =	simm.s32 $_scs_section_size  }
0xa0: {  	s6 =	simm.s32 $_size__tile_overlayer_lowered;
	s7 =	simm.s32 $_tile_overlayer_lowered  }
0xa1: {  	s22 =	simm.s32 $0x1BFF;
	s21 =	sshll.u32 s7, $0x1;
	s4 =	sadd.s32 s5, s19  }
0xa2: {  	s8 =	simm.s32 $0x0;
	s20 =	sshll.u32 s6, $0x1;
	s6 =	sadd.s32 s21, s4  }
0xa3: {  	[timem:s8], [sflag:s22] =	dma.local [hbm:s6], s20  }
0xa4: {  	_ =	swait.ge [sflag:s22], s20  }
0xa5: {  	s5 =	ssub.s32 $0x0, s20;
	[sflag:s22] =	ssyncset.done $0x0  }
0xa6: {  	[sflag:s22] =	ssyncadd.s32 s5;
	_ =	sdelay $0x1  }
0xa7: {  	s23 =	simm.s32 $0x1B8B  }
0xa8: {  	_ =	swait.ge [sflag:s23], $0x1  }
0xa9: {  	[sflag:s23] =	ssyncset.done $0x0  }
0xaa: {  	s25 =	simm.s32 $0x1B8E;
	s24 =	sld [smem:$0x3FFE];
	[sflag:s23] =	ssyncadd.s32 $0xFFFFFFFF  }
0xab: {  	s26 =	simm.s32 $execute0_lowered;
	[smem:$0x3FD2] =	sst s25  }
0xac: {  	s6 =	sshll.u32 s26, $0x1;
	_ =	strace $0x80000049;
	[dreg:$0x1] =	wrdreg $0xFFFFFFFF  }
0xad: {  	s28 =	simm.s32 $_size_execute0_lowered;
	s4 =	sadd.s32 s4, s6;
	[dreg:$0x0] =	wrdreg $0x0  }
0xae: {  	s6 =	sshll.u32 s28, $0x1;
	[dreg:$0x2] =	wrdreg s4  }
0xaf: {  	[dreg:$0x3] =	wrdreg s6  }
0xb0: {  	[dreg:$0x4] =	wrdreg $0xC0  }
0xb1: {  	_ =	task [dreg:s8], $0x5FFFF  }
0xb2: {  	[dreg:$0x1] =	wrdreg $0xFFFFFFFF  }
0xb3: {  	[dreg:$0x0] =	wrdreg $0x60  }
0xb4: {  	[dreg:$0x2] =	wrdreg s24  }
0xb5: {  	[dreg:$0x3] =	wrdreg s16  }
0xb6: {  	[dreg:$0x4] =	wrdreg s17  }
0xb7: {  	[dreg:$0x5] =	wrdreg $0xA8000  }
0xb8: {  	[dreg:$0x6] =	wrdreg $0x9  }
0xb9: {  	_ =	task.clear_ibuf [dreg:s8], $0x7FFFF;
	_ =	strace $0x90000049  }
0xba: {  	s29 =	simm.s32 $0x9;
	_ =	strace $0x8000004B  }
0xbb: {  	_ =	swait.ge [sflag:s29], $0x1  }
0xbc: {  	[sflag:s29] =	ssyncadd.s32 $0xFFFFFFFF  }
0xbd: {  	_ =	strace $0x9000004B  }
0xbe: {  	_ =	sfence  }
0xbf: {  	s30 =	sld [smem:$0x0];
	_ =	sdelay $0x2  }
0xc0: {  	s31 =	sshll.u32 s1, $0xD;
	s1 =	sshrl.u32 s1, $0x2  }
0xc1: {  	s3 =	sand.u32 $0x4000, s31;
	s1 =	sadd.s32 s1, s30  }
0xc2: {  	s0 =	sor.u32 s3, s0;
	s1 =	sshll.u32 s1, $0x11  }
0xc3: {  	s0 =	sor.u32 s1, s0  }
0xc4: {  	s0 =	sadd.s32 $0x8F2B, s0  }
0xc5: {  	[sflag:s0] =	ssyncadd.remote.s32 $0x1  }
0xc6: {  	_ =	sfence.sel $0xFFFF  }
0xc7: {  	[dreg:$0x0] =	wrdreg $0xFFFFFFFF;
	(pc) =	sbr.abs _section_cstart, $3  }
0xc8: {  	[dreg:$0x1] =	wrdreg $0xFFFFFFFF  }
0xc9: {  	_ =	task.clear_ibuf [dreg:s8], $0x2FFFF;
	_ =	strace $0x9FFFFFFF  }
0xca: {  	(tm) =	ssettm $0x7FFFFFFF  }
0xcb: {  	_ =	shalt  }
tec
execute0_lowered:
.L_overlay_start_1:
0x0: {  	(tag) =	ssettag $0x1  }
0x1: {  	s0 =	rddreg [dreg:$0x0]  }
0x2: {  	s2 =	rddreg [dreg:$0x1]  }
0x3: {  	s3 =	rddreg [dreg:$0x2]  }
0x4: {  	s1 =	rddreg [dreg:$0x3];
	s5 =	simm.s32 $0x0;
	s4 =	srdreg.scid  }
0x5: {  	s9 =	stileid.u32;
	s28 =	simm.s32 $0x6800;
	s29 =	simm.s32 $0x2  }
0x6: {  	s30 =	simm.s32 $0x1380;
	s31 =	simm.s32 $0x2700;
	[smem:$0x7FF] =	sst s5  }
0x7: {  	s11 =	sand.u32 $0x1, s4;
	s4 =	sadd.s32 $0x20A00, s0;
	s7 =	smul.u32 $0x14000, s9  }
0x8: {  	s5 =	sadd.s32 $0x6EC00, s0;
	s12 =	sadd.s32 $0x16A00, s0;
	s21 =	smul.u32 $0x50000, s9  }
0x9: {  	s13 =	sadd.s32 $0x7000, s0;
	s14 =	sadd.s32 $0x1BA00, s0;
	s20 =	smul.u32 $0x500, s9  }
0xa: {  	s15 =	sadd.s32 $0x2000, s0;
	s6 =	smul.u32 $0x140000, s11;
	s8 =	ssub.s32 $0x2, s11  }
0xb: {  	_ =	strace $0x8000004A;
	p0 =	seq.s32 s11, $0x0;
	s22 =	sshrl.u32 s8, $0x1  }
0xc: {  	s23 =	sadd.s32 $0x280, s20;
	s16 =	sadd.s32 s13, s20;
	s25 =	sadd.s32 s15, s20  }
0xd: {  	s2 =	smov.u32 @p0 s12;
	s3 =	smov.u32 @p0 s14;
	s6 =	sadd.s32 s7, s6  }
0xe: {  	s7 =	sshrl.u32 s21, $0x2;
	s17 =	ssub.s32 s8, s22;
	[dreg:$0x5] =	wrdreg s16  }
0xf: {  	s13 =	sadd.s32 s13, s23;
	[dreg:$0x8] =	wrdreg s25;
	s26 =	sadd.s32 s15, s23  }
0x10: {  	s18 =	sadd.s32 s2, s20;
	s19 =	sadd.s32 s2, s23;
	s20 =	sadd.s32 s3, s20  }
0x11: {  	s21 =	sadd.s32 s3, s23;
	s22 =	simm.s32 $0x2800;
	s23 =	simm.s32 $0x3  }
0x12: {  	s25 =	simm.s32 $0x80;
	s2 =	simm.s32 $0x0;
	[dreg:$0x6] =	wrdreg s13  }
0x13: {  	s6 =	sshrl.u32 s6, $0x3;
	[dreg:$0x9] =	wrdreg s26;
	s17 =	smax.u32 s17, $0x1  }
0x14: {  	s26 =	simm.s32 $0x1;
	s0 =	sadd.s32 s6, s0;
	s6 =	sadd.s32 s7, s1  }
0x15: {  	s7 =	sadd.s32 $0x4000, s6;
	s8 =	sadd.s32 $0x8000, s6;
	s9 =	sadd.s32 $0xC000, s6  }
0x16: {  	s10 =	sadd.s32 $0x10000, s6;
	s24 =	sadd.s32 $0x10B000, s0;
	s16 =	sadd.s32 $0x15B000, s0  }
0x17: {  	v0 =	vimm.f32 $0.0e+00;
	s0 =	simm.s32 $0x2780;
	[dreg:$0x7] =	wrdreg s24;
	s24 =	simm.s32 $0x1400  }
.LBB2_1:
0x18: {  	s11 =	simm.s32 $0x0  }
0x19: {  	s3 =	sand.u32 $0xFE00, s11  }
0x1a: {  	s11 =	sand.u32 $0x70, s11;
	s12 =	sshrl.u32 s3, $0x2  }
0x1b: {  	s3 =	simm.s32 $0x40;
	s12 =	sor.u32 s11, s12;
	s11 =	simm.s32 $0x0  }
.LBB2_2:
0x1c: {  	p0 =	sne.s32 s3, $0xFFC0  }
0x1d: {  	[tilespmem:s12+$0x2800] =	vst v0;
	s11 =	sadd.s32 $0x10, s11;
	s12 =	smov.u32 s3;
	s3 =	sadd.s32 $0x40, s3  }
.Ltmp0:
0x1e: {  	(pc) =	sbr.rel @p0 .LBB2_2-.Ltmp0, $4  }
0x1f: {  	_ = 	snop  }
0x20: {  	s12 =	sand.u32 $0xFE00, s12  }
0x21: {  	s13 =	sand.u32 $0x70, s11;
	s12 =	sshrl.u32 s12, $0x2  }
0x22: {  	s12 =	sor.u32 s13, s12  }
0x23: {  	[tilespmem:s12+$0x2800] =	vst v0  }
0x24: {  	[spmem:s6] =	stream.linear.scatter [tilespmem:s22], [sflag:$0x3], $0x4000, $0x38;
	[tilespmem:$0x1E800] =	vst v63  }
0x25: {  	_ =	swait.ge [sflag:s23], $0x4000  }
0x26: {  	[sflag:s23] =	ssyncset.done $0x0  }
0x27: {  	[sflag:s23] =	ssyncadd.s32 $0xFFFFC000  }
0x28: {  	[spmem:s7] =	stream.linear.scatter [tilespmem:s22], [sflag:$0x3], $0x4000, $0x38;
	[tilespmem:$0x1E800] =	vst v63  }
0x29: {  	_ =	swait.ge [sflag:s23], $0x4000  }
0x2a: {  	[sflag:s23] =	ssyncset.done $0x0  }
0x2b: {  	[sflag:s23] =	ssyncadd.s32 $0xFFFFC000  }
0x2c: {  	[spmem:s8] =	stream.linear.scatter [tilespmem:s22], [sflag:$0x3], $0x4000, $0x38;
	[tilespmem:$0x1E800] =	vst v63  }
0x2d: {  	_ =	swait.ge [sflag:s23], $0x4000  }
0x2e: {  	[sflag:s23] =	ssyncset.done $0x0  }
0x2f: {  	[sflag:s23] =	ssyncadd.s32 $0xFFFFC000  }
0x30: {  	[spmem:s9] =	stream.linear.scatter [tilespmem:s22], [sflag:$0x3], $0x4000, $0x38;
	[tilespmem:$0x1E800] =	vst v63  }
0x31: {  	_ =	swait.ge [sflag:s23], $0x4000  }
0x32: {  	[sflag:s23] =	ssyncset.done $0x0  }
0x33: {  	[sflag:s23] =	ssyncadd.s32 $0xFFFFC000  }
0x34: {  	[spmem:s10] =	stream.linear.scatter [tilespmem:s22], [sflag:$0x3], $0x4000, $0x38;
	[tilespmem:$0x1E800] =	vst v63  }
0x35: {  	_ =	swait.ge [sflag:s23], $0x4000  }
0x36: {  	[sflag:s23] =	ssyncset.done $0x0  }
0x37: {  	[sflag:s23] =	ssyncadd.s32 $0xFFFFC000  }
0x38: {  	s3 =	simm.s32 $0x0;
	[bflag:$0x0] =	sbarrier.arrive $0xFFFF  }
0x39: {  	[tilespmem:s3], [sflag:$0x3] =	stream.linear.gather [hbm4b:s18+s3], $0x1400, $0x38;
	[tilespmem:$0x1E800] =	vst v63  }
0x3a: {  	_ =	swait.ge [sflag:s23], $0x1400  }
0x3b: {  	[sflag:s23] =	ssyncset.done $0x0  }
0x3c: {  	s11 =	rddreg [dreg:$0x5];
	[sflag:s23] =	ssyncadd.s32 $0xFFFFEC00  }
0x3d: {  	[tilespmem:s24], [sflag:$0x3] =	stream.linear.gather [hbm4b:s11+s3], $0x1400, $0x38;
	[tilespmem:$0x1E800] =	vst v63  }
0x3e: {  	_ =	swait.ge [sflag:s23], $0x1400  }
0x3f: {  	[sflag:s23] =	ssyncset.done $0x0  }
0x40: {  	[sflag:s23] =	ssyncadd.s32 $0xFFFFEC00  }
0x41: {  	[tilespmem:s22], [sflag:$0x1] =	stream.indirect.gather [hbm4b:s4+s25], $0x80, s3, s25, $0xb8;
	[tilespmem:$0x1E800] =	vst v63  }
0x42: {  	_ =	swait.ge [sflag:s26], $0x4000  }
0x43: {  	[sflag:s26] =	ssyncset.done $0x0  }
0x44: {  	s12 =	simm.s32 $0x80;
	[sflag:s26] =	ssyncadd.s32 $0xFFFFC000  }
0x45: {  	[tilespmem:s28], [sflag:$0x2] =	stream.indirect.gather [hbm4b:s4+s25], $0x80, s12, s25, $0xb8;
	[tilespmem:$0x1E800] =	vst v63  }
0x46: {  	s13 =	simm.s32 $0x1400  }
0x47: {  	[spmem:s1] =	stream.indirect.scatter.add.f32 [tilespmem:s22], [sflag:$0x3], $0x80, s13, s25, $0xb8;
	[tilespmem:$0x1E800] =	vst v63  }
0x48: {  	_ =	swait.ge [sflag:s23], $0x4000  }
0x49: {  	[sflag:s23] =	ssyncset.done $0x0  }
0x4a: {  	[sflag:s23] =	ssyncadd.s32 $0xFFFFC000  }
0x4b: {  	_ =	swait.ge [sflag:s29], $0x4000  }
0x4c: {  	[sflag:s29] =	ssyncset.done $0x0  }
0x4d: {  	s14 =	simm.s32 $0x100;
	[sflag:s29] =	ssyncadd.s32 $0xFFFFC000  }
0x4e: {  	[tilespmem:s22], [sflag:$0x1] =	stream.indirect.gather [hbm4b:s4+s25], $0x80, s14, s25, $0xb8;
	[tilespmem:$0x1E800] =	vst v63  }
0x4f: {  	s15 =	simm.s32 $0x1480  }
0x50: {  	[spmem:s1] =	stream.indirect.scatter.add.f32 [tilespmem:s28], [sflag:$0x3], $0x80, s15, s25, $0xb8;
	[tilespmem:$0x1E800] =	vst v63  }
0x51: {  	_ =	swait.ge [sflag:s23], $0x4000  }
0x52: {  	s3 =	simm.s32 $0x400;
	[sflag:s23] =	ssyncset.done $0x0  }
.LBB2_4:
0x53: {  	p0 =	sne.s32 s3, $0x4800  }
0x54: {  	[sflag:s23] =	ssyncadd.s32 $0xFFFFC000;
	s11 =	smov.u32 s3;
	s3 =	sadd.s32 $0x400, s3  }
0x55: {  	_ = 	snop  }
0x56: {  	_ =	swait.ge [sflag:s26], $0x4000  }
0x57: {  	s11 =	sshra.s32 s11, $0x2;
	[sflag:s26] =	ssyncset.done $0x0  }
0x58: {  	s12 =	sadd.s32 $0x80, s11;
	[sflag:s26] =	ssyncadd.s32 $0xFFFFC000  }
0x59: {  	[tilespmem:s28], [sflag:$0x2] =	stream.indirect.gather [hbm4b:s4+s25], $0x80, s12, s25, $0xb8;
	[tilespmem:$0x1E800] =	vst v63  }
0x5a: {  	s12 =	sadd.s32 $0x1400, s11  }
0x5b: {  	[spmem:s1] =	stream.indirect.scatter.add.f32 [tilespmem:s22], [sflag:$0x3], $0x80, s12, s25, $0xb8;
	[tilespmem:$0x1E800] =	vst v63  }
0x5c: {  	_ =	swait.ge [sflag:s23], $0x4000  }
0x5d: {  	[sflag:s23] =	ssyncset.done $0x0  }
0x5e: {  	[sflag:s23] =	ssyncadd.s32 $0xFFFFC000  }
0x5f: {  	_ =	swait.ge [sflag:s29], $0x4000  }
0x60: {  	[sflag:s29] =	ssyncset.done $0x0  }
0x61: {  	s12 =	sadd.s32 $0x100, s11;
	[sflag:s29] =	ssyncadd.s32 $0xFFFFC000  }
0x62: {  	[tilespmem:s22], [sflag:$0x1] =	stream.indirect.gather [hbm4b:s4+s25], $0x80, s12, s25, $0xb8;
	[tilespmem:$0x1E800] =	vst v63  }
.Ltmp1:
0x63: {  	_ = 	snop;
	(pc) =	sbr.rel @p0 .LBB2_4-.Ltmp1, $4  }
0x64: {  	s11 =	sadd.s32 $0x1480, s11  }
0x65: {  	[spmem:s1] =	stream.indirect.scatter.add.f32 [tilespmem:s28], [sflag:$0x3], $0x80, s11, s25, $0xb8;
	[tilespmem:$0x1E800] =	vst v63  }
0x66: {  	_ =	swait.ge [sflag:s23], $0x4000  }
0x67: {  	[sflag:s23] =	ssyncset.done $0x0  }
0x68: {  	[sflag:s23] =	ssyncadd.s32 $0xFFFFC000  }
0x69: {  	_ =	swait.ge [sflag:s26], $0x4000  }
0x6a: {  	[sflag:s26] =	ssyncset.done $0x0  }
0x6b: {  	[sflag:s26] =	ssyncadd.s32 $0xFFFFC000  }
0x6c: {  	[tilespmem:s28], [sflag:$0x2] =	stream.indirect.gather [hbm4b:s4+s25], $0x80, s30, s25, $0xb8;
	[tilespmem:$0x1E800] =	vst v63  }
0x6d: {  	_ = 	snop  }
0x6e: {  	[spmem:s1] =	stream.indirect.scatter.add.f32 [tilespmem:s22], [sflag:$0x3], $0x80, s31, s25, $0xb8;
	[tilespmem:$0x1E800] =	vst v63  }
0x6f: {  	_ =	swait.ge [sflag:s23], $0x4000  }
0x70: {  	[sflag:s23] =	ssyncset.done $0x0  }
0x71: {  	[sflag:s23] =	ssyncadd.s32 $0xFFFFC000  }
0x72: {  	_ =	swait.ge [sflag:s29], $0x4000  }
0x73: {  	[sflag:s29] =	ssyncset.done $0x0  }
0x74: {  	[sflag:s29] =	ssyncadd.s32 $0xFFFFC000  }
0x75: {  	[tilespmem:s22], [sflag:$0x1] =	stream.indirect.gather [hbm4b:s4+s25], $0x80, s30, s25, $0xb8;
	[tilespmem:$0x1E800] =	vst v63  }
0x76: {  	_ = 	snop  }
0x77: {  	[spmem:s1] =	stream.indirect.scatter.add.f32 [tilespmem:s28], [sflag:$0x3], $0x80, s0, s25, $0xb8;
	[tilespmem:$0x1E800] =	vst v63  }
0x78: {  	_ =	swait.ge [sflag:s23], $0x4000  }
0x79: {  	[sflag:s23] =	ssyncset.done $0x0  }
0x7a: {  	[sflag:s23] =	ssyncadd.s32 $0xFFFFC000  }
0x7b: {  	_ =	swait.ge [sflag:s26], $0x4000  }
0x7c: {  	[sflag:s26] =	ssyncset.done $0x0  }
0x7d: {  	s3 =	simm.s32 $0x0;
	[sflag:s26] =	ssyncadd.s32 $0xFFFFC000  }
0x7e: {  	[tilespmem:s3], [sflag:$0x3] =	stream.linear.gather [hbm4b:s19+s3], $0x1400, $0x38;
	[tilespmem:$0x1E800] =	vst v63  }
0x7f: {  	_ =	swait.ge [sflag:s23], $0x1400  }
0x80: {  	[sflag:s23] =	ssyncset.done $0x0  }
0x81: {  	s11 =	rddreg [dreg:$0x6];
	[sflag:s23] =	ssyncadd.s32 $0xFFFFEC00  }
0x82: {  	[tilespmem:s24], [sflag:$0x3] =	stream.linear.gather [hbm4b:s11+s3], $0x1400, $0x38;
	[tilespmem:$0x1E800] =	vst v63  }
0x83: {  	_ =	swait.ge [sflag:s23], $0x1400  }
0x84: {  	[sflag:s23] =	ssyncset.done $0x0  }
0x85: {  	[sflag:s23] =	ssyncadd.s32 $0xFFFFEC00  }
0x86: {  	[tilespmem:s22], [sflag:$0x1] =	stream.indirect.gather [hbm4b:s4+s25], $0x80, s3, s25, $0xb8;
	[tilespmem:$0x1E800] =	vst v63  }
0x87: {  	_ =	swait.ge [sflag:s26], $0x4000  }
0x88: {  	[sflag:s26] =	ssyncset.done $0x0  }
0x89: {  	s12 =	simm.s32 $0x80;
	[sflag:s26] =	ssyncadd.s32 $0xFFFFC000  }
0x8a: {  	[tilespmem:s28], [sflag:$0x2] =	stream.indirect.gather [hbm4b:s4+s25], $0x80, s12, s25, $0xb8;
	[tilespmem:$0x1E800] =	vst v63  }
0x8b: {  	s13 =	simm.s32 $0x1400  }
0x8c: {  	[spmem:s1] =	stream.indirect.scatter.add.f32 [tilespmem:s22], [sflag:$0x3], $0x80, s13, s25, $0xb8;
	[tilespmem:$0x1E800] =	vst v63  }
0x8d: {  	_ =	swait.ge [sflag:s23], $0x4000  }
0x8e: {  	[sflag:s23] =	ssyncset.done $0x0  }
0x8f: {  	[sflag:s23] =	ssyncadd.s32 $0xFFFFC000  }
0x90: {  	_ =	swait.ge [sflag:s29], $0x4000  }
0x91: {  	[sflag:s29] =	ssyncset.done $0x0  }
0x92: {  	s14 =	simm.s32 $0x100;
	[sflag:s29] =	ssyncadd.s32 $0xFFFFC000  }
0x93: {  	[tilespmem:s22], [sflag:$0x1] =	stream.indirect.gather [hbm4b:s4+s25], $0x80, s14, s25, $0xb8;
	[tilespmem:$0x1E800] =	vst v63  }
0x94: {  	s15 =	simm.s32 $0x1480  }
0x95: {  	[spmem:s1] =	stream.indirect.scatter.add.f32 [tilespmem:s28], [sflag:$0x3], $0x80, s15, s25, $0xb8;
	[tilespmem:$0x1E800] =	vst v63  }
0x96: {  	_ =	swait.ge [sflag:s23], $0x4000  }
0x97: {  	s3 =	simm.s32 $0x400;
	[sflag:s23] =	ssyncset.done $0x0  }
.LBB2_6:
0x98: {  	p0 =	sne.s32 s3, $0x4800  }
0x99: {  	[sflag:s23] =	ssyncadd.s32 $0xFFFFC000;
	s11 =	smov.u32 s3;
	s3 =	sadd.s32 $0x400, s3  }
0x9a: {  	_ = 	snop  }
0x9b: {  	_ =	swait.ge [sflag:s26], $0x4000  }
0x9c: {  	s11 =	sshra.s32 s11, $0x2;
	[sflag:s26] =	ssyncset.done $0x0  }
0x9d: {  	s12 =	sadd.s32 $0x80, s11;
	[sflag:s26] =	ssyncadd.s32 $0xFFFFC000  }
0x9e: {  	[tilespmem:s28], [sflag:$0x2] =	stream.indirect.gather [hbm4b:s4+s25], $0x80, s12, s25, $0xb8;
	[tilespmem:$0x1E800] =	vst v63  }
0x9f: {  	s12 =	sadd.s32 $0x1400, s11  }
0xa0: {  	[spmem:s1] =	stream.indirect.scatter.add.f32 [tilespmem:s22], [sflag:$0x3], $0x80, s12, s25, $0xb8;
	[tilespmem:$0x1E800] =	vst v63  }
0xa1: {  	_ =	swait.ge [sflag:s23], $0x4000  }
0xa2: {  	[sflag:s23] =	ssyncset.done $0x0  }
0xa3: {  	[sflag:s23] =	ssyncadd.s32 $0xFFFFC000  }
0xa4: {  	_ =	swait.ge [sflag:s29], $0x4000  }
0xa5: {  	[sflag:s29] =	ssyncset.done $0x0  }
0xa6: {  	s12 =	sadd.s32 $0x100, s11;
	[sflag:s29] =	ssyncadd.s32 $0xFFFFC000  }
0xa7: {  	[tilespmem:s22], [sflag:$0x1] =	stream.indirect.gather [hbm4b:s4+s25], $0x80, s12, s25, $0xb8;
	[tilespmem:$0x1E800] =	vst v63  }
.Ltmp2:
0xa8: {  	_ = 	snop;
	(pc) =	sbr.rel @p0 .LBB2_6-.Ltmp2, $4  }
0xa9: {  	s11 =	sadd.s32 $0x1480, s11  }
0xaa: {  	[spmem:s1] =	stream.indirect.scatter.add.f32 [tilespmem:s28], [sflag:$0x3], $0x80, s11, s25, $0xb8;
	[tilespmem:$0x1E800] =	vst v63  }
0xab: {  	_ =	swait.ge [sflag:s23], $0x4000  }
0xac: {  	[sflag:s23] =	ssyncset.done $0x0  }
0xad: {  	[sflag:s23] =	ssyncadd.s32 $0xFFFFC000  }
0xae: {  	_ =	swait.ge [sflag:s26], $0x4000  }
0xaf: {  	[sflag:s26] =	ssyncset.done $0x0  }
0xb0: {  	[sflag:s26] =	ssyncadd.s32 $0xFFFFC000  }
0xb1: {  	[tilespmem:s28], [sflag:$0x2] =	stream.indirect.gather [hbm4b:s4+s25], $0x80, s30, s25, $0xb8;
	[tilespmem:$0x1E800] =	vst v63  }
0xb2: {  	_ = 	snop  }
0xb3: {  	[spmem:s1] =	stream.indirect.scatter.add.f32 [tilespmem:s22], [sflag:$0x3], $0x80, s31, s25, $0xb8;
	[tilespmem:$0x1E800] =	vst v63  }
0xb4: {  	_ =	swait.ge [sflag:s23], $0x4000  }
0xb5: {  	[sflag:s23] =	ssyncset.done $0x0  }
0xb6: {  	[sflag:s23] =	ssyncadd.s32 $0xFFFFC000  }
0xb7: {  	_ =	swait.ge [sflag:s29], $0x4000  }
0xb8: {  	[sflag:s29] =	ssyncset.done $0x0  }
0xb9: {  	[sflag:s29] =	ssyncadd.s32 $0xFFFFC000  }
0xba: {  	[tilespmem:s22], [sflag:$0x1] =	stream.indirect.gather [hbm4b:s4+s25], $0x80, s30, s25, $0xb8;
	[tilespmem:$0x1E800] =	vst v63  }
0xbb: {  	_ = 	snop  }
0xbc: {  	[spmem:s1] =	stream.indirect.scatter.add.f32 [tilespmem:s28], [sflag:$0x3], $0x80, s0, s25, $0xb8;
	[tilespmem:$0x1E800] =	vst v63  }
0xbd: {  	_ =	swait.ge [sflag:s23], $0x4000  }
0xbe: {  	[sflag:s23] =	ssyncset.done $0x0  }
0xbf: {  	[sflag:s23] =	ssyncadd.s32 $0xFFFFC000  }
0xc0: {  	_ =	swait.ge [sflag:s26], $0x4000  }
0xc1: {  	[sflag:s26] =	ssyncset.done $0x0  }
0xc2: {  	s3 =	stileid.u32;
	[sflag:s26] =	ssyncadd.s32 $0xFFFFC000  }
0xc3: {  	s3 =	sshll.u32 s3, $0x6;
	[bflag:$0x0] =	sbarrier.arrive $0xFFFF  }
0xc4: {  	s11 =	sshrl.u32 s6, $0x3;
	s3 =	sor.u32 $0x1C03, s3;
	s12 =	rddreg [dreg:$0x7]  }
0xc5: {  	[hbm:s12], [sflag:s3] =	dma.local [spmem:s11], $0x2800  }
0xc6: {  	s12 =	simm.s32 $0x0;
	_ =	swait.ge [sflag:s23], $0x2800  }
0xc7: {  	s13 =	sand.u32 $0xFE00, s12;
	[sflag:s23] =	ssyncset.done $0x0  }
0xc8: {  	s14 =	sand.u32 $0x70, s12;
	s15 =	sshrl.u32 s13, $0x2;
	[sflag:s23] =	ssyncadd.s32 $0xFFFFD800  }
0xc9: {  	s13 =	simm.s32 $0x40;
	s14 =	sor.u32 s14, s15;
	[bflag:$0x0] =	sbarrier.arrive $0xFFFF  }
.LBB2_8:
0xca: {  	p0 =	sne.s32 s13, $0xFFC0  }
0xcb: {  	[tilespmem:s14+$0x2800] =	vst v0;
	s12 =	sadd.s32 $0x10, s12;
	s14 =	smov.u32 s13;
	s13 =	sadd.s32 $0x40, s13  }
.Ltmp3:
0xcc: {  	(pc) =	sbr.rel @p0 .LBB2_8-.Ltmp3, $4  }
0xcd: {  	_ = 	snop  }
0xce: {  	s14 =	sand.u32 $0xFE00, s14  }
0xcf: {  	s15 =	sand.u32 $0x70, s12;
	s14 =	sshrl.u32 s14, $0x2  }
0xd0: {  	s14 =	sor.u32 s15, s14  }
0xd1: {  	[tilespmem:s14+$0x2800] =	vst v0  }
0xd2: {  	[spmem:s6] =	stream.linear.scatter [tilespmem:s22], [sflag:$0x3], $0x4000, $0x38;
	[tilespmem:$0x1E800] =	vst v63  }
0xd3: {  	_ =	swait.ge [sflag:s23], $0x4000  }
0xd4: {  	[sflag:s23] =	ssyncset.done $0x0  }
0xd5: {  	[sflag:s23] =	ssyncadd.s32 $0xFFFFC000  }
0xd6: {  	[spmem:s7] =	stream.linear.scatter [tilespmem:s22], [sflag:$0x3], $0x4000, $0x38;
	[tilespmem:$0x1E800] =	vst v63  }
0xd7: {  	_ =	swait.ge [sflag:s23], $0x4000  }
0xd8: {  	[sflag:s23] =	ssyncset.done $0x0  }
0xd9: {  	[sflag:s23] =	ssyncadd.s32 $0xFFFFC000  }
0xda: {  	[spmem:s8] =	stream.linear.scatter [tilespmem:s22], [sflag:$0x3], $0x4000, $0x38;
	[tilespmem:$0x1E800] =	vst v63  }
0xdb: {  	_ =	swait.ge [sflag:s23], $0x4000  }
0xdc: {  	[sflag:s23] =	ssyncset.done $0x0  }
0xdd: {  	[sflag:s23] =	ssyncadd.s32 $0xFFFFC000  }
0xde: {  	[spmem:s9] =	stream.linear.scatter [tilespmem:s22], [sflag:$0x3], $0x4000, $0x38;
	[tilespmem:$0x1E800] =	vst v63  }
0xdf: {  	_ =	swait.ge [sflag:s23], $0x4000  }
0xe0: {  	[sflag:s23] =	ssyncset.done $0x0  }
0xe1: {  	[sflag:s23] =	ssyncadd.s32 $0xFFFFC000  }
0xe2: {  	[spmem:s10] =	stream.linear.scatter [tilespmem:s22], [sflag:$0x3], $0x4000, $0x38;
	[tilespmem:$0x1E800] =	vst v63  }
0xe3: {  	_ =	swait.ge [sflag:s23], $0x4000  }
0xe4: {  	[sflag:s23] =	ssyncset.done $0x0  }
0xe5: {  	[sflag:s23] =	ssyncadd.s32 $0xFFFFC000  }
0xe6: {  	s12 =	simm.s32 $0x0;
	[bflag:$0x0] =	sbarrier.arrive $0xFFFF  }
0xe7: {  	[tilespmem:s12], [sflag:$0x3] =	stream.linear.gather [hbm4b:s20+s12], $0x1400, $0x38;
	[tilespmem:$0x1E800] =	vst v63  }
0xe8: {  	_ =	swait.ge [sflag:s23], $0x1400  }
0xe9: {  	[sflag:s23] =	ssyncset.done $0x0  }
0xea: {  	s13 =	rddreg [dreg:$0x8];
	[sflag:s23] =	ssyncadd.s32 $0xFFFFEC00  }
0xeb: {  	[tilespmem:s24], [sflag:$0x3] =	stream.linear.gather [hbm4b:s13+s12], $0x1400, $0x38;
	[tilespmem:$0x1E800] =	vst v63  }
0xec: {  	_ =	swait.ge [sflag:s23], $0x1400  }
0xed: {  	[sflag:s23] =	ssyncset.done $0x0  }
0xee: {  	[sflag:s23] =	ssyncadd.s32 $0xFFFFEC00  }
0xef: {  	[tilespmem:s22], [sflag:$0x1] =	stream.indirect.gather [hbm4b:s5+s25], $0x80, s12, s25, $0xb8;
	[tilespmem:$0x1E800] =	vst v63  }
0xf0: {  	_ =	swait.ge [sflag:s26], $0x4000  }
0xf1: {  	[sflag:s26] =	ssyncset.done $0x0  }
0xf2: {  	s15 =	simm.s32 $0x80;
	[sflag:s26] =	ssyncadd.s32 $0xFFFFC000  }
0xf3: {  	[tilespmem:s28], [sflag:$0x2] =	stream.indirect.gather [hbm4b:s5+s25], $0x80, s15, s25, $0xb8;
	[tilespmem:$0x1E800] =	vst v63  }
0xf4: {  	s13 =	simm.s32 $0x1400  }
0xf5: {  	[spmem:s1] =	stream.indirect.scatter.add.f32 [tilespmem:s22], [sflag:$0x3], $0x80, s13, s25, $0xb8;
	[tilespmem:$0x1E800] =	vst v63  }
0xf6: {  	_ =	swait.ge [sflag:s23], $0x4000  }
0xf7: {  	[sflag:s23] =	ssyncset.done $0x0  }
0xf8: {  	[sflag:s23] =	ssyncadd.s32 $0xFFFFC000  }
0xf9: {  	_ =	swait.ge [sflag:s29], $0x4000  }
0xfa: {  	[sflag:s29] =	ssyncset.done $0x0  }
0xfb: {  	s14 =	simm.s32 $0x100;
	[sflag:s29] =	ssyncadd.s32 $0xFFFFC000  }
0xfc: {  	[tilespmem:s22], [sflag:$0x1] =	stream.indirect.gather [hbm4b:s5+s25], $0x80, s14, s25, $0xb8;
	[tilespmem:$0x1E800] =	vst v63  }
0xfd: {  	s15 =	simm.s32 $0x1480  }
0xfe: {  	[spmem:s1] =	stream.indirect.scatter.add.f32 [tilespmem:s28], [sflag:$0x3], $0x80, s15, s25, $0xb8;
	[tilespmem:$0x1E800] =	vst v63  }
0xff: {  	_ =	swait.ge [sflag:s23], $0x4000  }
0x100: {  	s12 =	simm.s32 $0x400;
	[sflag:s23] =	ssyncset.done $0x0  }
.LBB2_10:
0x101: {  	p0 =	sne.s32 s12, $0x4800  }
0x102: {  	[sflag:s23] =	ssyncadd.s32 $0xFFFFC000;
	s13 =	smov.u32 s12;
	s12 =	sadd.s32 $0x400, s12  }
0x103: {  	_ = 	snop  }
0x104: {  	_ =	swait.ge [sflag:s26], $0x4000  }
0x105: {  	s13 =	sshra.s32 s13, $0x2;
	[sflag:s26] =	ssyncset.done $0x0  }
0x106: {  	s14 =	sadd.s32 $0x80, s13;
	[sflag:s26] =	ssyncadd.s32 $0xFFFFC000  }
0x107: {  	[tilespmem:s28], [sflag:$0x2] =	stream.indirect.gather [hbm4b:s5+s25], $0x80, s14, s25, $0xb8;
	[tilespmem:$0x1E800] =	vst v63  }
0x108: {  	s14 =	sadd.s32 $0x1400, s13  }
0x109: {  	[spmem:s1] =	stream.indirect.scatter.add.f32 [tilespmem:s22], [sflag:$0x3], $0x80, s14, s25, $0xb8;
	[tilespmem:$0x1E800] =	vst v63  }
0x10a: {  	_ =	swait.ge [sflag:s23], $0x4000  }
0x10b: {  	[sflag:s23] =	ssyncset.done $0x0  }
0x10c: {  	[sflag:s23] =	ssyncadd.s32 $0xFFFFC000  }
0x10d: {  	_ =	swait.ge [sflag:s29], $0x4000  }
0x10e: {  	[sflag:s29] =	ssyncset.done $0x0  }
0x10f: {  	s14 =	sadd.s32 $0x100, s13;
	[sflag:s29] =	ssyncadd.s32 $0xFFFFC000  }
0x110: {  	[tilespmem:s22], [sflag:$0x1] =	stream.indirect.gather [hbm4b:s5+s25], $0x80, s14, s25, $0xb8;
	[tilespmem:$0x1E800] =	vst v63  }
.Ltmp4:
0x111: {  	_ = 	snop;
	(pc) =	sbr.rel @p0 .LBB2_10-.Ltmp4, $4  }
0x112: {  	s13 =	sadd.s32 $0x1480, s13  }
0x113: {  	[spmem:s1] =	stream.indirect.scatter.add.f32 [tilespmem:s28], [sflag:$0x3], $0x80, s13, s25, $0xb8;
	[tilespmem:$0x1E800] =	vst v63  }
0x114: {  	_ =	swait.ge [sflag:s23], $0x4000  }
0x115: {  	[sflag:s23] =	ssyncset.done $0x0  }
0x116: {  	[sflag:s23] =	ssyncadd.s32 $0xFFFFC000  }
0x117: {  	_ =	swait.ge [sflag:s26], $0x4000  }
0x118: {  	[sflag:s26] =	ssyncset.done $0x0  }
0x119: {  	[sflag:s26] =	ssyncadd.s32 $0xFFFFC000  }
0x11a: {  	[tilespmem:s28], [sflag:$0x2] =	stream.indirect.gather [hbm4b:s5+s25], $0x80, s30, s25, $0xb8;
	[tilespmem:$0x1E800] =	vst v63  }
0x11b: {  	_ = 	snop  }
0x11c: {  	[spmem:s1] =	stream.indirect.scatter.add.f32 [tilespmem:s22], [sflag:$0x3], $0x80, s31, s25, $0xb8;
	[tilespmem:$0x1E800] =	vst v63  }
0x11d: {  	_ =	swait.ge [sflag:s23], $0x4000  }
0x11e: {  	[sflag:s23] =	ssyncset.done $0x0  }
0x11f: {  	[sflag:s23] =	ssyncadd.s32 $0xFFFFC000  }
0x120: {  	_ =	swait.ge [sflag:s29], $0x4000  }
0x121: {  	[sflag:s29] =	ssyncset.done $0x0  }
0x122: {  	[sflag:s29] =	ssyncadd.s32 $0xFFFFC000  }
0x123: {  	[tilespmem:s22], [sflag:$0x1] =	stream.indirect.gather [hbm4b:s5+s25], $0x80, s30, s25, $0xb8;
	[tilespmem:$0x1E800] =	vst v63  }
0x124: {  	_ = 	snop  }
0x125: {  	[spmem:s1] =	stream.indirect.scatter.add.f32 [tilespmem:s28], [sflag:$0x3], $0x80, s0, s25, $0xb8;
	[tilespmem:$0x1E800] =	vst v63  }
0x126: {  	_ =	swait.ge [sflag:s23], $0x4000  }
0x127: {  	[sflag:s23] =	ssyncset.done $0x0  }
0x128: {  	[sflag:s23] =	ssyncadd.s32 $0xFFFFC000  }
0x129: {  	_ =	swait.ge [sflag:s26], $0x4000  }
0x12a: {  	[sflag:s26] =	ssyncset.done $0x0  }
0x12b: {  	s12 =	simm.s32 $0x0;
	[sflag:s26] =	ssyncadd.s32 $0xFFFFC000  }
0x12c: {  	[tilespmem:s12], [sflag:$0x3] =	stream.linear.gather [hbm4b:s21+s12], $0x1400, $0x38;
	[tilespmem:$0x1E800] =	vst v63  }
0x12d: {  	_ =	swait.ge [sflag:s23], $0x1400  }
0x12e: {  	[sflag:s23] =	ssyncset.done $0x0  }
0x12f: {  	s13 =	rddreg [dreg:$0x9];
	[sflag:s23] =	ssyncadd.s32 $0xFFFFEC00  }
0x130: {  	[tilespmem:s24], [sflag:$0x3] =	stream.linear.gather [hbm4b:s13+s12], $0x1400, $0x38;
	[tilespmem:$0x1E800] =	vst v63  }
0x131: {  	_ =	swait.ge [sflag:s23], $0x1400  }
0x132: {  	[sflag:s23] =	ssyncset.done $0x0  }
0x133: {  	[sflag:s23] =	ssyncadd.s32 $0xFFFFEC00  }
0x134: {  	[tilespmem:s22], [sflag:$0x1] =	stream.indirect.gather [hbm4b:s5+s25], $0x80, s12, s25, $0xb8;
	[tilespmem:$0x1E800] =	vst v63  }
0x135: {  	_ =	swait.ge [sflag:s26], $0x4000  }
0x136: {  	[sflag:s26] =	ssyncset.done $0x0  }
0x137: {  	s15 =	simm.s32 $0x80;
	[sflag:s26] =	ssyncadd.s32 $0xFFFFC000  }
0x138: {  	[tilespmem:s28], [sflag:$0x2] =	stream.indirect.gather [hbm4b:s5+s25], $0x80, s15, s25, $0xb8;
	[tilespmem:$0x1E800] =	vst v63  }
0x139: {  	s13 =	simm.s32 $0x1400  }
0x13a: {  	[spmem:s1] =	stream.indirect.scatter.add.f32 [tilespmem:s22], [sflag:$0x3], $0x80, s13, s25, $0xb8;
	[tilespmem:$0x1E800] =	vst v63  }
0x13b: {  	_ =	swait.ge [sflag:s23], $0x4000  }
0x13c: {  	[sflag:s23] =	ssyncset.done $0x0  }
0x13d: {  	[sflag:s23] =	ssyncadd.s32 $0xFFFFC000  }
0x13e: {  	_ =	swait.ge [sflag:s29], $0x4000  }
0x13f: {  	[sflag:s29] =	ssyncset.done $0x0  }
0x140: {  	s14 =	simm.s32 $0x100;
	[sflag:s29] =	ssyncadd.s32 $0xFFFFC000  }
0x141: {  	[tilespmem:s22], [sflag:$0x1] =	stream.indirect.gather [hbm4b:s5+s25], $0x80, s14, s25, $0xb8;
	[tilespmem:$0x1E800] =	vst v63  }
0x142: {  	s15 =	simm.s32 $0x1480  }
0x143: {  	[spmem:s1] =	stream.indirect.scatter.add.f32 [tilespmem:s28], [sflag:$0x3], $0x80, s15, s25, $0xb8;
	[tilespmem:$0x1E800] =	vst v63  }
0x144: {  	_ =	swait.ge [sflag:s23], $0x4000  }
0x145: {  	s12 =	simm.s32 $0x400;
	[sflag:s23] =	ssyncset.done $0x0  }
.LBB2_12:
0x146: {  	p0 =	sne.s32 s12, $0x4800  }
0x147: {  	[sflag:s23] =	ssyncadd.s32 $0xFFFFC000;
	s13 =	smov.u32 s12;
	s12 =	sadd.s32 $0x400, s12  }
0x148: {  	_ = 	snop  }
0x149: {  	_ =	swait.ge [sflag:s26], $0x4000  }
0x14a: {  	s13 =	sshra.s32 s13, $0x2;
	[sflag:s26] =	ssyncset.done $0x0  }
0x14b: {  	s14 =	sadd.s32 $0x80, s13;
	[sflag:s26] =	ssyncadd.s32 $0xFFFFC000  }
0x14c: {  	[tilespmem:s28], [sflag:$0x2] =	stream.indirect.gather [hbm4b:s5+s25], $0x80, s14, s25, $0xb8;
	[tilespmem:$0x1E800] =	vst v63  }
0x14d: {  	s14 =	sadd.s32 $0x1400, s13  }
0x14e: {  	[spmem:s1] =	stream.indirect.scatter.add.f32 [tilespmem:s22], [sflag:$0x3], $0x80, s14, s25, $0xb8;
	[tilespmem:$0x1E800] =	vst v63  }
0x14f: {  	_ =	swait.ge [sflag:s23], $0x4000  }
0x150: {  	[sflag:s23] =	ssyncset.done $0x0  }
0x151: {  	[sflag:s23] =	ssyncadd.s32 $0xFFFFC000  }
0x152: {  	_ =	swait.ge [sflag:s29], $0x4000  }
0x153: {  	[sflag:s29] =	ssyncset.done $0x0  }
0x154: {  	s14 =	sadd.s32 $0x100, s13;
	[sflag:s29] =	ssyncadd.s32 $0xFFFFC000  }
0x155: {  	[tilespmem:s22], [sflag:$0x1] =	stream.indirect.gather [hbm4b:s5+s25], $0x80, s14, s25, $0xb8;
	[tilespmem:$0x1E800] =	vst v63  }
.Ltmp5:
0x156: {  	_ = 	snop;
	(pc) =	sbr.rel @p0 .LBB2_12-.Ltmp5, $4  }
0x157: {  	s13 =	sadd.s32 $0x1480, s13  }
0x158: {  	[spmem:s1] =	stream.indirect.scatter.add.f32 [tilespmem:s28], [sflag:$0x3], $0x80, s13, s25, $0xb8;
	[tilespmem:$0x1E800] =	vst v63  }
0x159: {  	_ =	swait.ge [sflag:s23], $0x4000  }
0x15a: {  	[sflag:s23] =	ssyncset.done $0x0  }
0x15b: {  	[sflag:s23] =	ssyncadd.s32 $0xFFFFC000  }
0x15c: {  	_ =	swait.ge [sflag:s26], $0x4000  }
0x15d: {  	[sflag:s26] =	ssyncset.done $0x0  }
0x15e: {  	[sflag:s26] =	ssyncadd.s32 $0xFFFFC000  }
0x15f: {  	[tilespmem:s28], [sflag:$0x2] =	stream.indirect.gather [hbm4b:s5+s25], $0x80, s30, s25, $0xb8;
	[tilespmem:$0x1E800] =	vst v63  }
0x160: {  	_ = 	snop  }
0x161: {  	[spmem:s1] =	stream.indirect.scatter.add.f32 [tilespmem:s22], [sflag:$0x3], $0x80, s31, s25, $0xb8;
	[tilespmem:$0x1E800] =	vst v63  }
0x162: {  	_ =	swait.ge [sflag:s23], $0x4000  }
0x163: {  	[sflag:s23] =	ssyncset.done $0x0  }
0x164: {  	[sflag:s23] =	ssyncadd.s32 $0xFFFFC000  }
0x165: {  	_ =	swait.ge [sflag:s29], $0x4000  }
0x166: {  	[sflag:s29] =	ssyncset.done $0x0  }
0x167: {  	[sflag:s29] =	ssyncadd.s32 $0xFFFFC000  }
0x168: {  	[tilespmem:s22], [sflag:$0x1] =	stream.indirect.gather [hbm4b:s5+s25], $0x80, s30, s25, $0xb8;
	[tilespmem:$0x1E800] =	vst v63  }
0x169: {  	_ = 	snop  }
0x16a: {  	[spmem:s1] =	stream.indirect.scatter.add.f32 [tilespmem:s28], [sflag:$0x3], $0x80, s0, s25, $0xb8;
	[tilespmem:$0x1E800] =	vst v63  }
0x16b: {  	_ =	swait.ge [sflag:s23], $0x4000  }
0x16c: {  	[sflag:s23] =	ssyncset.done $0x0  }
0x16d: {  	[sflag:s23] =	ssyncadd.s32 $0xFFFFC000  }
0x16e: {  	_ =	swait.ge [sflag:s26], $0x4000  }
0x16f: {  	[sflag:s26] =	ssyncset.done $0x0  }
0x170: {  	s2 =	sadd.s32 $0x1, s2;
	[sflag:s26] =	ssyncadd.s32 $0xFFFFC000  }
0x171: {  	p0 =	sne.s32 s2, s17;
	[bflag:$0x0] =	sbarrier.arrive $0xFFFF  }
0x172: {  	[hbm:s16], [sflag:s3] =	dma.local [spmem:s11], $0x2800  }
.Ltmp6:
0x173: {  	_ =	swait.ge [sflag:s23], $0x2800;
	(pc) =	sbr.rel @p0 .LBB2_1-.Ltmp6, $3  }
0x174: {  	[sflag:s23] =	ssyncset.done $0x0  }
0x175: {  	[sflag:s23] =	ssyncadd.s32 $0xFFFFD800  }
0x176: {  	[bflag:$0x0] =	sbarrier.arrive $0xFFFF;
	_ =	sdelay $0x1  }
0x177: {  	_ =	sfence.sel $0x180000  }
0x178: {  	[bflag:$0x0] =	sbarrier.arrive $0xFFFF  }
0x179: {  	_ =	strace $0x9000004A  }
0x17a: {  	s0 =	stileid.u32;
	[bflag:$0x2] =	sbarrier.arrive $0xFFFF  }
0x17b: {  	p0 =	sne.s32 s0, $0x0;
	s0 =	rddreg [dreg:$0x4]  }
0x17c: {  	s0 =	sadd.s32 @!p0 $0x100000, s0  }
0x17d: {  	[sflag:s0] =	ssyncadd.tile.s32 @!p0 $0x1;
	_ =	shalt  }
.Lfunc_end2:
_tile_overlayer_lowered:
.L_overlay_start_2:
0x17e: {  	(tag) =	ssettag $0x2  }
0x17f: {  	s0 =	rddreg [dreg:$0x0];
	s2 =	stileid.u32  }
0x180: {  	s1 =	rddreg [dreg:$0x1];
	p0 =	sne.s32 s2, $0x0  }
0x181: {  	s3 =	rddreg [dreg:$0x2];
	[bflag:$0x3] =	sbarrier.arrive $0xFFFF;
	s2 =	simm.s32 @!p0 $0x1C03  }
0x182: {  	[timem:s3], [sflag:s2] =	dma.local @!p0 [hbm:s0], s1  }
0x183: {  	s0 =	simm.s32 @!p0 $0x3  }
0x184: {  	_ =	swait.ge @!p0 [sflag:s0], s1  }
0x185: {  	s1 =	ssub.s32 @!p0 $0x0, s1;
	[sflag:s0] =	ssyncset.done @!p0 $0x0  }
0x186: {  	[sflag:s0] =	ssyncadd.s32 @!p0 s1  }
0x187: {  	[bflag:$0x3] =	sbarrier.arrive $0xFFFF  }
0x188: {  	_ =	shalt  }

// kernel: kernel.14.cloned.1.call-start
scs
__scs_entry_jumppad:
0x0: {  	(pc) =	sbr.rel $0x88, $3  }
0x1: {  	(tag) =	ssettag $0x0;
	lr =	simm.s32 $0x1  }
0x2: {  	[smem:$0x3F98] =	sst lr;
	_ =	strace $0xD0000000  }
0x3: {  	_ = 	snop  }
0x4: {  	_ = 	snop  }
0x5: {  	_ = 	snop  }
0x6: {  	_ = 	snop  }
0x7: {  	_ = 	snop  }
__scs_overlays_trampoline_lowered:
0x8: {  	[smem:$0x3FA7] =	sst s0  }
0x9: {  	[smem:$0x3FA8] =	sst s1  }
0xa: {  	[smem:$0x3FA9] =	sst s2  }
0xb: {  	[smem:$0x3FAA] =	sst s3  }
0xc: {  	[smem:$0x3FAB] =	sst s4  }
0xd: {  	[smem:$0x3FAC] =	sst s5  }
0xe: {  	[smem:$0x3FAD] =	sst s6  }
0xf: {  	[smem:$0x3FAE] =	sst s7  }
0x10: {  	[smem:$0x3FAF] =	sst s8  }
0x11: {  	[smem:$0x3FB0] =	sst s9;
	s0 =	simm.s32 @!p0 $0x0  }
0x12: {  	s1 =	sld [smem:$0x3F96];
	s0 =	simm.s32 @p0 $0x1  }
0x13: {  	[smem:$0x3FB1] =	sst s0;
	s0 =	simm.s32 @!p1 $0x0  }
0x14: {  	s2 =	sld [smem:$0x3F95];
	s0 =	simm.s32 @p1 $0x1  }
0x15: {  	[smem:$0x3FB2] =	sst s0;
	s0 =	simm.s32 @!p2 $0x0  }
0x16: {  	s3 =	sld [smem:$0x3FDB];
	s0 =	simm.s32 @p2 $0x1  }
0x17: {  	s4 =	simm.s32 $0x1BF5;
	[smem:$0x3FB4] =	sst s0  }
0x18: {  	s0 =	sld [smem:$0x3F97];
	_ =	swait.ge [sflag:s4], $0x0  }
0x19: {  	s7 =	sld [smem:$0x3F98]  }
0x1a: {  	s8 =	sadd.s32 $0xFFFFE003, lr  }
0x1b: {  	s9 =	sadd.s32 $0xFFFFFEF7, lr;
	s5 =	simm.s32 $0xFFFFFFFF;
	p2 =	slt.u32 s8, $0xFFFFF086  }
0x1c: {  	p1 =	slt.u32 s9, $0xF7A;
	s5 =	simm.s32 @!p2 $0x0  }
0x1d: {  	s5 =	simm.s32 @p1 $0x1;
	p0 =	seq.s32 s7, s2  }
0x1e: {  	s7 =	smul.u32 @!p0 $0xF7A, s2;
	p2 =	seq.s32 @!p0 s5, $0x0  }
0x1f: {  	s9 =	smul.u32 $0xF7A, s1;
	s8 =	simm.s32 @!p0 $0x1BF5;
	p2 =	por !p2, p0  }
0x20: {  	[sflag:s8] =	ssyncset.s32 @!p0 $0xFFFFF086;
	s6 =	sadd.s32 @!p0 s3, s7;
	s7 =	simm.s32 @!p0 $0x108  }
0x21: {  	s3 =	sadd.s32 s3, s9;
	s6 =	sadd.s32 @!p0 $0x88, s6;
	s7 =	simm.s32 @p2 $0x1082  }
0x22: {  	[simem:s7], [sflag:s8] =	dma.local @!p0 [hbm:s6], $0xF7A  }
0x23: {  	s9 =	sor.u32 $0xD0000000, s2;
	s6 =	simm.s32 $0x108;
	_ =	swait.ge @!p0 [sflag:s8], $0x0  }
0x24: {  	s3 =	sadd.s32 $0x88, s3;
	s6 =	simm.s32 @!p1 $0x1082;
	[sflag:s4] =	ssyncset.s32 $0xFFFFF086  }
0x25: {  	[simem:s6], [sflag:s4] =	dma.local [hbm:s3], $0xF7A  }
0x26: {  	[smem:$0x3F98] =	sst s1;
	(tag) =	ssettag s2;
	_ =	strace s9  }
0x27: {  	s1 =	sld [smem:$0x3FA8]  }
0x28: {  	s2 =	sld [smem:$0x3FA9]  }
0x29: {  	s4 =	sld [smem:$0x3FAB]  }
0x2a: {  	p0 =	seq.s32 s5, $0x0;
	s5 =	sld [smem:$0x3FAC]  }
0x2b: {  	s6 =	sld [smem:$0x3FAD]  }
0x2c: {  	s7 =	sld [smem:$0x3FAE]  }
0x2d: {  	s3 =	simm.s32 $0x108;
	s8 =	sld [smem:$0x3FAF]  }
0x2e: {  	s3 =	simm.s32 @!p0 $0x1082;
	s9 =	sld [smem:$0x3FB0]  }
0x2f: {  	lr =	sadd.s32 s0, s3;
	s0 =	sld [smem:$0x3FA7]  }
0x30: {  	s3 =	sld [smem:$0x3FAA]  }
0x31: {  	[smem:$0x3FB3] =	sst s10  }
0x32: {  	s10 =	sld [smem:$0x3FB1];
	_ =	sdelay $0x3  }
0x33: {  	p0 =	seq.s32 s10, $0x1;
	s10 =	sld [smem:$0x3FB3];
	_ =	sdelay $0x3  }
0x34: {  	[smem:$0x3FB3] =	sst s10  }
0x35: {  	s10 =	sld [smem:$0x3FB2];
	_ =	sdelay $0x3  }
0x36: {  	p1 =	seq.s32 s10, $0x1;
	s10 =	sld [smem:$0x3FB3];
	_ =	sdelay $0x3  }
0x37: {  	[smem:$0x3FB3] =	sst s10  }
0x38: {  	s10 =	sld [smem:$0x3FB4]  }
0x39: {  	_ = 	snop;
	(pc) =	sbr.ind lr, $3  }
0x3a: {  	_ = 	snop  }
0x3b: {  	_ = 	snop  }
0x3c: {  	p2 =	seq.s32 s10, $0x1;
	s10 =	sld [smem:$0x3FB3]  }
0x3d: {  	_ =	shalt  }
0x3e: {  	_ =	shalt  }
0x3f: {  	_ =	shalt  }
0x40: {  	_ =	shalt  }
0x41: {  	_ =	shalt  }
0x42: {  	_ =	shalt  }
0x43: {  	_ =	shalt  }
0x44: {  	_ =	shalt  }
0x45: {  	_ =	shalt  }
0x46: {  	_ =	shalt  }
0x47: {  	_ =	shalt  }
0x48: {  	_ =	shalt  }
0x49: {  	_ =	shalt  }
0x4a: {  	_ =	shalt  }
0x4b: {  	_ =	shalt  }
0x4c: {  	_ =	shalt  }
0x4d: {  	_ =	shalt  }
0x4e: {  	_ =	shalt  }
0x4f: {  	_ =	shalt  }
0x50: {  	_ =	shalt  }
0x51: {  	_ =	shalt  }
0x52: {  	_ =	shalt  }
0x53: {  	_ =	shalt  }
0x54: {  	_ =	shalt  }
0x55: {  	_ =	shalt  }
0x56: {  	_ =	shalt  }
0x57: {  	_ =	shalt  }
0x58: {  	_ =	shalt  }
0x59: {  	_ =	shalt  }
0x5a: {  	_ =	shalt  }
0x5b: {  	_ =	shalt  }
0x5c: {  	_ =	shalt  }
0x5d: {  	_ =	shalt  }
0x5e: {  	_ =	shalt  }
0x5f: {  	_ =	shalt  }
0x60: {  	_ =	shalt  }
0x61: {  	_ =	shalt  }
0x62: {  	_ =	shalt  }
0x63: {  	_ =	shalt  }
0x64: {  	_ =	shalt  }
0x65: {  	_ =	shalt  }
0x66: {  	_ =	shalt  }
0x67: {  	_ =	shalt  }
0x68: {  	_ =	shalt  }
0x69: {  	_ =	shalt  }
0x6a: {  	_ =	shalt  }
0x6b: {  	_ =	shalt  }
0x6c: {  	_ =	shalt  }
0x6d: {  	_ =	shalt  }
0x6e: {  	_ =	shalt  }
0x6f: {  	_ =	shalt  }
0x70: {  	_ =	shalt  }
0x71: {  	_ =	shalt  }
0x72: {  	_ =	shalt  }
0x73: {  	_ =	shalt  }
0x74: {  	_ =	shalt  }
0x75: {  	_ =	shalt  }
0x76: {  	_ =	shalt  }
0x77: {  	_ =	shalt  }
0x78: {  	_ =	shalt  }
0x79: {  	_ =	shalt  }
0x7a: {  	_ =	shalt  }
0x7b: {  	_ =	shalt  }
0x7c: {  	_ =	shalt  }
0x7d: {  	_ =	shalt  }
0x7e: {  	_ =	shalt  }
0x7f: {  	_ =	shalt  }
0x80: {  	_ =	shalt  }
0x81: {  	_ =	shalt  }
0x82: {  	_ =	shalt  }
0x83: {  	_ =	shalt  }
0x84: {  	_ =	shalt  }
0x85: {  	_ =	shalt  }
0x86: {  	_ =	shalt  }
0x87: {  	_ =	shalt  }
.Lfunc_end0:
.L_simem_size_0:
called_computation.2_lowered:
.L_overlay_start_0:
0x88: {  	s2 =	sld [smem:$0x3FD9]  }
0x89: {  	s3 =	sld [smem:$0x3FFE];
	_ =	sdelay $0x1  }
0x8a: {  	s1 =	srdreg.scid  }
0x8b: {  	s0 =	sand.u32 $0x1, s1  }
0x8c: {  	s14 =	sshll.u32 s0, $0xA;
	s2 =	sadd.s32 s3, s2  }
0x8d: {  	s2 =	sadd.s32 s2, s14  }
0x8e: {  	[smem:$0x3FBF] =	sst s2  }
0x8f: {  	_ = 	snop  }
0x90: {  	s2 =	sld [smem:$0x3FD0];
	_ =	sdelay $0x2  }
0x91: {  	s15 =	simm.s32 $0xA;
	s4 =	simm.s32 $0x10  }
0x92: {  	[smem:s4], [sflag:s15] =	dma.local [hbm:s2], $0x1  }
0x93: {  	_ =	swait.eq [sflag:s15], $0x1  }
0x94: {  	[sflag:s15] =	ssyncset.done $0x0  }
0x95: {  	s16 =	sld [smem:$0x10];
	[sflag:s15] =	ssyncadd.s32 $0xFFFFFFFF  }
0x96: {  	s17 =	sld [smem:$0x11];
	(tm) =	ssettm $0x1  }
0x97: {  	s18 =	sld [smem:$0x3FFB];
	_ =	sdelay $0x3  }
0x98: {  	_ =	strace s18  }
0x99: {  	s4 =	sld [smem:$0x3FFC];
	_ =	sdelay $0x3  }
0x9a: {  	_ =	strace s4  }
0x9b: {  	s4 =	sld [smem:$0x3FFD];
	_ =	sdelay $0x3  }
0x9c: {  	_ =	strace s4  }
0x9d: {  	_ =	strace $0x8FFFFFFF  }
0x9e: {  	s19 =	sld [smem:$0x3FDB];
	_ =	sdelay $0x1  }
0x9f: {  	s5 =	simm.s32 $_scs_section_size  }
0xa0: {  	s6 =	simm.s32 $_size__tile_overlayer_lowered;
	s7 =	simm.s32 $_tile_overlayer_lowered  }
0xa1: {  	s22 =	simm.s32 $0x1BFF;
	s21 =	sshll.u32 s7, $0x1;
	s4 =	sadd.s32 s5, s19  }
0xa2: {  	s8 =	simm.s32 $0x0;
	s20 =	sshll.u32 s6, $0x1;
	s6 =	sadd.s32 s21, s4  }
0xa3: {  	[timem:s8], [sflag:s22] =	dma.local [hbm:s6], s20  }
0xa4: {  	_ =	swait.ge [sflag:s22], s20  }
0xa5: {  	s5 =	ssub.s32 $0x0, s20;
	[sflag:s22] =	ssyncset.done $0x0  }
0xa6: {  	[sflag:s22] =	ssyncadd.s32 s5;
	_ =	sdelay $0x1  }
0xa7: {  	s23 =	simm.s32 $0x1B8B  }
0xa8: {  	_ =	swait.ge [sflag:s23], $0x1  }
0xa9: {  	[sflag:s23] =	ssyncset.done $0x0  }
0xaa: {  	s25 =	simm.s32 $0x1B8E;
	s24 =	sld [smem:$0x3FFE];
	[sflag:s23] =	ssyncadd.s32 $0xFFFFFFFF  }
0xab: {  	s26 =	simm.s32 $execute0_lowered;
	[smem:$0x3FD2] =	sst s25  }
0xac: {  	s6 =	sshll.u32 s26, $0x1;
	_ =	strace $0x8000004C;
	[dreg:$0x1] =	wrdreg $0xFFFFFFFF  }
0xad: {  	s28 =	simm.s32 $_size_execute0_lowered;
	s4 =	sadd.s32 s4, s6;
	[dreg:$0x0] =	wrdreg $0x0  }
0xae: {  	s6 =	sshll.u32 s28, $0x1;
	[dreg:$0x2] =	wrdreg s4  }
0xaf: {  	[dreg:$0x3] =	wrdreg s6  }
0xb0: {  	[dreg:$0x4] =	wrdreg $0xC0  }
0xb1: {  	_ =	task [dreg:s8], $0x5FFFF  }
0xb2: {  	[dreg:$0x1] =	wrdreg $0xFFFFFFFF  }
0xb3: {  	[dreg:$0x0] =	wrdreg $0x60  }
0xb4: {  	[dreg:$0x2] =	wrdreg s17  }
0xb5: {  	[dreg:$0x3] =	wrdreg s16  }
0xb6: {  	[dreg:$0x4] =	wrdreg s24  }
0xb7: {  	[dreg:$0x5] =	wrdreg $0xA8000  }
0xb8: {  	[dreg:$0x6] =	wrdreg $0x9  }
0xb9: {  	_ =	task.clear_ibuf [dreg:s8], $0x7FFFF;
	_ =	strace $0x9000004C  }
0xba: {  	s29 =	simm.s32 $0x9;
	_ =	strace $0x8000004E  }
0xbb: {  	_ =	swait.ge [sflag:s29], $0x1  }
0xbc: {  	[sflag:s29] =	ssyncadd.s32 $0xFFFFFFFF  }
0xbd: {  	_ =	strace $0x9000004E  }
0xbe: {  	_ =	sfence  }
0xbf: {  	s30 =	sld [smem:$0x0];
	_ =	sdelay $0x2  }
0xc0: {  	s31 =	sshll.u32 s1, $0xD;
	s1 =	sshrl.u32 s1, $0x2  }
0xc1: {  	s3 =	sand.u32 $0x4000, s31;
	s1 =	sadd.s32 s1, s30  }
0xc2: {  	s0 =	sor.u32 s3, s0;
	s1 =	sshll.u32 s1, $0x11  }
0xc3: {  	s0 =	sor.u32 s1, s0  }
0xc4: {  	s0 =	sadd.s32 $0x8F2B, s0  }
0xc5: {  	[sflag:s0] =	ssyncadd.remote.s32 $0x1  }
0xc6: {  	_ =	sfence.sel $0xFFFF  }
0xc7: {  	[dreg:$0x0] =	wrdreg $0xFFFFFFFF;
	(pc) =	sbr.abs _section_cstart, $3  }
0xc8: {  	[dreg:$0x1] =	wrdreg $0xFFFFFFFF  }
0xc9: {  	_ =	task.clear_ibuf [dreg:s8], $0x2FFFF;
	_ =	strace $0x9FFFFFFF  }
0xca: {  	(tm) =	ssettm $0x7FFFFFFF  }
0xcb: {  	_ =	shalt  }
tec
execute0_lowered:
.L_overlay_start_1:
0x0: {  	(tag) =	ssettag $0x1  }
0x1: {  	s0 =	rddreg [dreg:$0x0]  }
0x2: {  	s2 =	rddreg [dreg:$0x1];
	s1 =	srdreg.scid  }
0x3: {  	s3 =	rddreg [dreg:$0x2];
	s9 =	stileid.u32  }
0x4: {  	s4 =	rddreg [dreg:$0x3];
	s7 =	simm.s32 $0x0;
	s18 =	simm.s32 $0x2800  }
0x5: {  	s19 =	simm.s32 $0x3;
	s20 =	simm.s32 $0x1400;
	s21 =	simm.s32 $0x80  }
0x6: {  	s22 =	simm.s32 $0x1;
	s23 =	simm.s32 $0x6800;
	s6 =	smul.u32 $0x28, s9  }
0x7: {  	s24 =	simm.s32 $0x2;
	s25 =	simm.s32 $0x1380;
	s8 =	smul.u32 $0x14000, s9  }
0x8: {  	s28 =	simm.s32 $0x2780;
	s1 =	sand.u32 $0x1, s1;
	s30 =	smul.u32 $0x50000, s9  }
0x9: {  	s29 =	simm.s32 $0x0;
	[smem:$0x7FF] =	sst s7;
	s5 =	smul.u32 $0x280, s1  }
0xa: {  	s26 =	smul.u32 $0x140000, s1;
	p0 =	seq.s32 s1, $0x0;
	s1 =	ssub.s32 $0x2, s1  }
0xb: {  	_ =	strace $0x8000004D;
	s31 =	sshrl.u32 s1, $0x1;
	s5 =	sadd.s32 s6, s5  }
0xc: {  	s6 =	smul.u32 $0x280, s9;
	s7 =	sadd.s32 s8, s26;
	s1 =	ssub.s32 s1, s31  }
0xd: {  	s26 =	simm.s32 $0x2700;
	s5 =	sshll.u32 s5, $0x4;
	s7 =	sshrl.u32 s7, $0x3  }
0xe: {  	s14 =	sadd.s32 s5, s3;
	s5 =	smov.u32 @p0 s6;
	s6 =	sshrl.u32 s30, $0x2  }
0xf: {  	s16 =	smax.u32 s1, $0x1;
	s5 =	sadd.s32 s5, s3;
	s6 =	sadd.s32 s6, s4  }
0x10: {  	s3 =	sadd.s32 s7, s3;
	s11 =	sadd.s32 $0x7000, s14;
	s13 =	sadd.s32 $0xCA00, s14  }
0x11: {  	s14 =	sadd.s32 $0x2000, s14;
	s7 =	sadd.s32 $0x4000, s6;
	s8 =	sadd.s32 $0x8000, s6  }
0x12: {  	s9 =	sadd.s32 $0xC000, s6;
	s10 =	sadd.s32 $0x10000, s6;
	[dreg:$0x5] =	wrdreg s11  }
0x13: {  	v0 =	vimm.f32 $0.0e+00;
	s12 =	sadd.s32 $0x16A00, s3;
	s15 =	sadd.s32 $0x66A00, s3;
	s17 =	sadd.s32 $0x11A00, s5  }
.LBB2_1:
0x14: {  	s3 =	simm.s32 $0x0  }
0x15: {  	s1 =	sand.u32 $0xFE00, s3  }
0x16: {  	s5 =	sand.u32 $0x70, s3;
	s1 =	sshrl.u32 s1, $0x2  }
0x17: {  	s3 =	simm.s32 $0x40;
	s30 =	sor.u32 s5, s1;
	s1 =	simm.s32 $0x0  }
.LBB2_2:
0x18: {  	p0 =	sne.s32 s3, $0xFFC0  }
0x19: {  	[tilespmem:s30+$0x2800] =	vst v0;
	s1 =	sadd.s32 $0x10, s1;
	s5 =	smov.u32 s3;
	s3 =	sadd.s32 $0x40, s3  }
.Ltmp0:
0x1a: {  	(pc) =	sbr.rel @p0 .LBB2_2-.Ltmp0, $4  }
0x1b: {  	_ = 	snop  }
0x1c: {  	s5 =	sand.u32 $0xFE00, s5  }
0x1d: {  	s30 =	sand.u32 $0x70, s1;
	s5 =	sshrl.u32 s5, $0x2  }
0x1e: {  	s30 =	sor.u32 s30, s5  }
0x1f: {  	[tilespmem:s30+$0x2800] =	vst v0  }
0x20: {  	[spmem:s6] =	stream.linear.scatter [tilespmem:s18], [sflag:$0x3], $0x4000, $0x38;
	[tilespmem:$0x1E800] =	vst v63  }
0x21: {  	_ =	swait.ge [sflag:s19], $0x4000  }
0x22: {  	[sflag:s19] =	ssyncset.done $0x0  }
0x23: {  	[sflag:s19] =	ssyncadd.s32 $0xFFFFC000  }
0x24: {  	[spmem:s7] =	stream.linear.scatter [tilespmem:s18], [sflag:$0x3], $0x4000, $0x38;
	[tilespmem:$0x1E800] =	vst v63  }
0x25: {  	_ =	swait.ge [sflag:s19], $0x4000  }
0x26: {  	[sflag:s19] =	ssyncset.done $0x0  }
0x27: {  	[sflag:s19] =	ssyncadd.s32 $0xFFFFC000  }
0x28: {  	[spmem:s8] =	stream.linear.scatter [tilespmem:s18], [sflag:$0x3], $0x4000, $0x38;
	[tilespmem:$0x1E800] =	vst v63  }
0x29: {  	_ =	swait.ge [sflag:s19], $0x4000  }
0x2a: {  	[sflag:s19] =	ssyncset.done $0x0  }
0x2b: {  	[sflag:s19] =	ssyncadd.s32 $0xFFFFC000  }
0x2c: {  	[spmem:s9] =	stream.linear.scatter [tilespmem:s18], [sflag:$0x3], $0x4000, $0x38;
	[tilespmem:$0x1E800] =	vst v63  }
0x2d: {  	_ =	swait.ge [sflag:s19], $0x4000  }
0x2e: {  	[sflag:s19] =	ssyncset.done $0x0  }
0x2f: {  	[sflag:s19] =	ssyncadd.s32 $0xFFFFC000  }
0x30: {  	[spmem:s10] =	stream.linear.scatter [tilespmem:s18], [sflag:$0x3], $0x4000, $0x38;
	[tilespmem:$0x1E800] =	vst v63  }
0x31: {  	_ =	swait.ge [sflag:s19], $0x4000  }
0x32: {  	[sflag:s19] =	ssyncset.done $0x0  }
0x33: {  	[sflag:s19] =	ssyncadd.s32 $0xFFFFC000  }
0x34: {  	s1 =	simm.s32 $0x0;
	[bflag:$0x0] =	sbarrier.arrive $0xFFFF  }
0x35: {  	[tilespmem:s1], [sflag:$0x3] =	stream.linear.gather [hbm4b:s17+s1], $0x1400, $0x38;
	[tilespmem:$0x1E800] =	vst v63  }
0x36: {  	_ =	swait.ge [sflag:s19], $0x1400  }
0x37: {  	[sflag:s19] =	ssyncset.done $0x0  }
0x38: {  	s3 =	rddreg [dreg:$0x5];
	[sflag:s19] =	ssyncadd.s32 $0xFFFFEC00  }
0x39: {  	[tilespmem:s20], [sflag:$0x3] =	stream.linear.gather [hbm4b:s3+s1], $0x1400, $0x38;
	[tilespmem:$0x1E800] =	vst v63  }
0x3a: {  	_ =	swait.ge [sflag:s19], $0x1400  }
0x3b: {  	[sflag:s19] =	ssyncset.done $0x0  }
0x3c: {  	[sflag:s19] =	ssyncadd.s32 $0xFFFFEC00  }
0x3d: {  	[tilespmem:s18], [sflag:$0x1] =	stream.indirect.gather [hbm4b:s0+s21], $0x80, s1, s21, $0xb8;
	[tilespmem:$0x1E800] =	vst v63  }
0x3e: {  	_ =	swait.ge [sflag:s22], $0x4000  }
0x3f: {  	[sflag:s22] =	ssyncset.done $0x0  }
0x40: {  	s3 =	simm.s32 $0x80;
	[sflag:s22] =	ssyncadd.s32 $0xFFFFC000  }
0x41: {  	[tilespmem:s23], [sflag:$0x2] =	stream.indirect.gather [hbm4b:s0+s21], $0x80, s3, s21, $0xb8;
	[tilespmem:$0x1E800] =	vst v63  }
0x42: {  	s5 =	simm.s32 $0x1400  }
0x43: {  	[spmem:s4] =	stream.indirect.scatter.add.f32 [tilespmem:s18], [sflag:$0x3], $0x80, s5, s21, $0xb8;
	[tilespmem:$0x1E800] =	vst v63  }
0x44: {  	_ =	swait.ge [sflag:s19], $0x4000  }
0x45: {  	[sflag:s19] =	ssyncset.done $0x0  }
0x46: {  	[sflag:s19] =	ssyncadd.s32 $0xFFFFC000  }
0x47: {  	_ =	swait.ge [sflag:s24], $0x4000  }
0x48: {  	[sflag:s24] =	ssyncset.done $0x0  }
0x49: {  	s11 =	simm.s32 $0x100;
	[sflag:s24] =	ssyncadd.s32 $0xFFFFC000  }
0x4a: {  	[tilespmem:s18], [sflag:$0x1] =	stream.indirect.gather [hbm4b:s0+s21], $0x80, s11, s21, $0xb8;
	[tilespmem:$0x1E800] =	vst v63  }
0x4b: {  	s31 =	simm.s32 $0x1480  }
0x4c: {  	[spmem:s4] =	stream.indirect.scatter.add.f32 [tilespmem:s23], [sflag:$0x3], $0x80, s31, s21, $0xb8;
	[tilespmem:$0x1E800] =	vst v63  }
0x4d: {  	_ =	swait.ge [sflag:s19], $0x4000  }
0x4e: {  	s30 =	simm.s32 $0x400;
	[sflag:s19] =	ssyncset.done $0x0  }
.LBB2_4:
0x4f: {  	p0 =	sne.s32 s30, $0x4800  }
0x50: {  	[sflag:s19] =	ssyncadd.s32 $0xFFFFC000;
	s1 =	smov.u32 s30;
	s30 =	sadd.s32 $0x400, s30  }
0x51: {  	_ = 	snop  }
0x52: {  	_ =	swait.ge [sflag:s22], $0x4000  }
0x53: {  	s1 =	sshra.s32 s1, $0x2;
	[sflag:s22] =	ssyncset.done $0x0  }
0x54: {  	s3 =	sadd.s32 $0x80, s1;
	[sflag:s22] =	ssyncadd.s32 $0xFFFFC000  }
0x55: {  	[tilespmem:s23], [sflag:$0x2] =	stream.indirect.gather [hbm4b:s0+s21], $0x80, s3, s21, $0xb8;
	[tilespmem:$0x1E800] =	vst v63  }
0x56: {  	s3 =	sadd.s32 $0x1400, s1  }
0x57: {  	[spmem:s4] =	stream.indirect.scatter.add.f32 [tilespmem:s18], [sflag:$0x3], $0x80, s3, s21, $0xb8;
	[tilespmem:$0x1E800] =	vst v63  }
0x58: {  	_ =	swait.ge [sflag:s19], $0x4000  }
0x59: {  	[sflag:s19] =	ssyncset.done $0x0  }
0x5a: {  	[sflag:s19] =	ssyncadd.s32 $0xFFFFC000  }
0x5b: {  	_ =	swait.ge [sflag:s24], $0x4000  }
0x5c: {  	[sflag:s24] =	ssyncset.done $0x0  }
0x5d: {  	s3 =	sadd.s32 $0x100, s1;
	[sflag:s24] =	ssyncadd.s32 $0xFFFFC000  }
0x5e: {  	[tilespmem:s18], [sflag:$0x1] =	stream.indirect.gather [hbm4b:s0+s21], $0x80, s3, s21, $0xb8;
	[tilespmem:$0x1E800] =	vst v63  }
.Ltmp1:
0x5f: {  	_ = 	snop;
	(pc) =	sbr.rel @p0 .LBB2_4-.Ltmp1, $4  }
0x60: {  	s1 =	sadd.s32 $0x1480, s1  }
0x61: {  	[spmem:s4] =	stream.indirect.scatter.add.f32 [tilespmem:s23], [sflag:$0x3], $0x80, s1, s21, $0xb8;
	[tilespmem:$0x1E800] =	vst v63  }
0x62: {  	_ =	swait.ge [sflag:s19], $0x4000  }
0x63: {  	[sflag:s19] =	ssyncset.done $0x0  }
0x64: {  	[sflag:s19] =	ssyncadd.s32 $0xFFFFC000  }
0x65: {  	_ =	swait.ge [sflag:s22], $0x4000  }
0x66: {  	[sflag:s22] =	ssyncset.done $0x0  }
0x67: {  	[sflag:s22] =	ssyncadd.s32 $0xFFFFC000  }
0x68: {  	[tilespmem:s23], [sflag:$0x2] =	stream.indirect.gather [hbm4b:s0+s21], $0x80, s25, s21, $0xb8;
	[tilespmem:$0x1E800] =	vst v63  }
0x69: {  	_ = 	snop  }
0x6a: {  	[spmem:s4] =	stream.indirect.scatter.add.f32 [tilespmem:s18], [sflag:$0x3], $0x80, s26, s21, $0xb8;
	[tilespmem:$0x1E800] =	vst v63  }
0x6b: {  	_ =	swait.ge [sflag:s19], $0x4000  }
0x6c: {  	[sflag:s19] =	ssyncset.done $0x0  }
0x6d: {  	[sflag:s19] =	ssyncadd.s32 $0xFFFFC000  }
0x6e: {  	_ =	swait.ge [sflag:s24], $0x4000  }
0x6f: {  	[sflag:s24] =	ssyncset.done $0x0  }
0x70: {  	[sflag:s24] =	ssyncadd.s32 $0xFFFFC000  }
0x71: {  	[tilespmem:s18], [sflag:$0x1] =	stream.indirect.gather [hbm4b:s0+s21], $0x80, s25, s21, $0xb8;
	[tilespmem:$0x1E800] =	vst v63  }
0x72: {  	_ = 	snop  }
0x73: {  	[spmem:s4] =	stream.indirect.scatter.add.f32 [tilespmem:s23], [sflag:$0x3], $0x80, s28, s21, $0xb8;
	[tilespmem:$0x1E800] =	vst v63  }
0x74: {  	_ =	swait.ge [sflag:s19], $0x4000  }
0x75: {  	[sflag:s19] =	ssyncset.done $0x0  }
0x76: {  	[sflag:s19] =	ssyncadd.s32 $0xFFFFC000  }
0x77: {  	_ =	swait.ge [sflag:s22], $0x4000  }
0x78: {  	s1 =	stileid.u32;
	[sflag:s22] =	ssyncset.done $0x0  }
0x79: {  	s1 =	sshll.u32 s1, $0x6;
	[sflag:s22] =	ssyncadd.s32 $0xFFFFC000  }
0x7a: {  	s31 =	sshrl.u32 s6, $0x3;
	s30 =	sor.u32 $0x1C03, s1;
	[bflag:$0x0] =	sbarrier.arrive $0xFFFF  }
0x7b: {  	[hbm:s12], [sflag:s30] =	dma.local [spmem:s31], $0x2800  }
0x7c: {  	s3 =	simm.s32 $0x0;
	_ =	swait.ge [sflag:s19], $0x2800  }
0x7d: {  	s11 =	sand.u32 $0xFE00, s3;
	[sflag:s19] =	ssyncset.done $0x0  }
0x7e: {  	s5 =	sand.u32 $0x70, s3;
	s11 =	sshrl.u32 s11, $0x2;
	[sflag:s19] =	ssyncadd.s32 $0xFFFFD800  }
0x7f: {  	s1 =	simm.s32 $0x40;
	s5 =	sor.u32 s5, s11;
	[bflag:$0x0] =	sbarrier.arrive $0xFFFF  }
.LBB2_6:
0x80: {  	p0 =	sne.s32 s1, $0xFFC0  }
0x81: {  	[tilespmem:s5+$0x2800] =	vst v0;
	s3 =	sadd.s32 $0x10, s3;
	s5 =	smov.u32 s1;
	s1 =	sadd.s32 $0x40, s1  }
.Ltmp2:
0x82: {  	(pc) =	sbr.rel @p0 .LBB2_6-.Ltmp2, $4  }
0x83: {  	_ = 	snop  }
0x84: {  	s5 =	sand.u32 $0xFE00, s5  }
0x85: {  	s11 =	sand.u32 $0x70, s3;
	s5 =	sshrl.u32 s5, $0x2  }
0x86: {  	s5 =	sor.u32 s11, s5  }
0x87: {  	[tilespmem:s5+$0x2800] =	vst v0  }
0x88: {  	[spmem:s6] =	stream.linear.scatter [tilespmem:s18], [sflag:$0x3], $0x4000, $0x38;
	[tilespmem:$0x1E800] =	vst v63  }
0x89: {  	_ =	swait.ge [sflag:s19], $0x4000  }
0x8a: {  	[sflag:s19] =	ssyncset.done $0x0  }
0x8b: {  	[sflag:s19] =	ssyncadd.s32 $0xFFFFC000  }
0x8c: {  	[spmem:s7] =	stream.linear.scatter [tilespmem:s18], [sflag:$0x3], $0x4000, $0x38;
	[tilespmem:$0x1E800] =	vst v63  }
0x8d: {  	_ =	swait.ge [sflag:s19], $0x4000  }
0x8e: {  	[sflag:s19] =	ssyncset.done $0x0  }
0x8f: {  	[sflag:s19] =	ssyncadd.s32 $0xFFFFC000  }
0x90: {  	[spmem:s8] =	stream.linear.scatter [tilespmem:s18], [sflag:$0x3], $0x4000, $0x38;
	[tilespmem:$0x1E800] =	vst v63  }
0x91: {  	_ =	swait.ge [sflag:s19], $0x4000  }
0x92: {  	[sflag:s19] =	ssyncset.done $0x0  }
0x93: {  	[sflag:s19] =	ssyncadd.s32 $0xFFFFC000  }
0x94: {  	[spmem:s9] =	stream.linear.scatter [tilespmem:s18], [sflag:$0x3], $0x4000, $0x38;
	[tilespmem:$0x1E800] =	vst v63  }
0x95: {  	_ =	swait.ge [sflag:s19], $0x4000  }
0x96: {  	[sflag:s19] =	ssyncset.done $0x0  }
0x97: {  	[sflag:s19] =	ssyncadd.s32 $0xFFFFC000  }
0x98: {  	[spmem:s10] =	stream.linear.scatter [tilespmem:s18], [sflag:$0x3], $0x4000, $0x38;
	[tilespmem:$0x1E800] =	vst v63  }
0x99: {  	_ =	swait.ge [sflag:s19], $0x4000  }
0x9a: {  	[sflag:s19] =	ssyncset.done $0x0  }
0x9b: {  	[sflag:s19] =	ssyncadd.s32 $0xFFFFC000  }
0x9c: {  	s1 =	simm.s32 $0x0;
	[bflag:$0x0] =	sbarrier.arrive $0xFFFF  }
0x9d: {  	[tilespmem:s1], [sflag:$0x3] =	stream.linear.gather [hbm4b:s13+s1], $0x1400, $0x38;
	[tilespmem:$0x1E800] =	vst v63  }
0x9e: {  	_ =	swait.ge [sflag:s19], $0x1400  }
0x9f: {  	[sflag:s19] =	ssyncset.done $0x0  }
0xa0: {  	[sflag:s19] =	ssyncadd.s32 $0xFFFFEC00  }
0xa1: {  	[tilespmem:s20], [sflag:$0x3] =	stream.linear.gather [hbm4b:s14+s1], $0x1400, $0x38;
	[tilespmem:$0x1E800] =	vst v63  }
0xa2: {  	_ =	swait.ge [sflag:s19], $0x1400  }
0xa3: {  	[sflag:s19] =	ssyncset.done $0x0  }
0xa4: {  	[sflag:s19] =	ssyncadd.s32 $0xFFFFEC00  }
0xa5: {  	[tilespmem:s18], [sflag:$0x1] =	stream.indirect.gather [hbm4b:s2+s21], $0x80, s1, s21, $0xb8;
	[tilespmem:$0x1E800] =	vst v63  }
0xa6: {  	_ =	swait.ge [sflag:s22], $0x4000  }
0xa7: {  	[sflag:s22] =	ssyncset.done $0x0  }
0xa8: {  	s11 =	simm.s32 $0x80;
	[sflag:s22] =	ssyncadd.s32 $0xFFFFC000  }
0xa9: {  	[tilespmem:s23], [sflag:$0x2] =	stream.indirect.gather [hbm4b:s2+s21], $0x80, s11, s21, $0xb8;
	[tilespmem:$0x1E800] =	vst v63  }
0xaa: {  	s3 =	simm.s32 $0x1400  }
0xab: {  	[spmem:s4] =	stream.indirect.scatter.add.f32 [tilespmem:s18], [sflag:$0x3], $0x80, s3, s21, $0xb8;
	[tilespmem:$0x1E800] =	vst v63  }
0xac: {  	_ =	swait.ge [sflag:s19], $0x4000  }
0xad: {  	[sflag:s19] =	ssyncset.done $0x0  }
0xae: {  	[sflag:s19] =	ssyncadd.s32 $0xFFFFC000  }
0xaf: {  	_ =	swait.ge [sflag:s24], $0x4000  }
0xb0: {  	[sflag:s24] =	ssyncset.done $0x0  }
0xb1: {  	s5 =	simm.s32 $0x100;
	[sflag:s24] =	ssyncadd.s32 $0xFFFFC000  }
0xb2: {  	[tilespmem:s18], [sflag:$0x1] =	stream.indirect.gather [hbm4b:s2+s21], $0x80, s5, s21, $0xb8;
	[tilespmem:$0x1E800] =	vst v63  }
0xb3: {  	s11 =	simm.s32 $0x1480  }
0xb4: {  	[spmem:s4] =	stream.indirect.scatter.add.f32 [tilespmem:s23], [sflag:$0x3], $0x80, s11, s21, $0xb8;
	[tilespmem:$0x1E800] =	vst v63  }
0xb5: {  	_ =	swait.ge [sflag:s19], $0x4000  }
0xb6: {  	s3 =	simm.s32 $0x400;
	[sflag:s19] =	ssyncset.done $0x0  }
.LBB2_8:
0xb7: {  	p0 =	sne.s32 s3, $0x4800  }
0xb8: {  	[sflag:s19] =	ssyncadd.s32 $0xFFFFC000;
	s1 =	smov.u32 s3;
	s3 =	sadd.s32 $0x400, s3  }
0xb9: {  	_ = 	snop  }
0xba: {  	_ =	swait.ge [sflag:s22], $0x4000  }
0xbb: {  	s1 =	sshra.s32 s1, $0x2;
	[sflag:s22] =	ssyncset.done $0x0  }
0xbc: {  	s5 =	sadd.s32 $0x80, s1;
	[sflag:s22] =	ssyncadd.s32 $0xFFFFC000  }
0xbd: {  	[tilespmem:s23], [sflag:$0x2] =	stream.indirect.gather [hbm4b:s2+s21], $0x80, s5, s21, $0xb8;
	[tilespmem:$0x1E800] =	vst v63  }
0xbe: {  	s5 =	sadd.s32 $0x1400, s1  }
0xbf: {  	[spmem:s4] =	stream.indirect.scatter.add.f32 [tilespmem:s18], [sflag:$0x3], $0x80, s5, s21, $0xb8;
	[tilespmem:$0x1E800] =	vst v63  }
0xc0: {  	_ =	swait.ge [sflag:s19], $0x4000  }
0xc1: {  	[sflag:s19] =	ssyncset.done $0x0  }
0xc2: {  	[sflag:s19] =	ssyncadd.s32 $0xFFFFC000  }
0xc3: {  	_ =	swait.ge [sflag:s24], $0x4000  }
0xc4: {  	[sflag:s24] =	ssyncset.done $0x0  }
0xc5: {  	s5 =	sadd.s32 $0x100, s1;
	[sflag:s24] =	ssyncadd.s32 $0xFFFFC000  }
0xc6: {  	[tilespmem:s18], [sflag:$0x1] =	stream.indirect.gather [hbm4b:s2+s21], $0x80, s5, s21, $0xb8;
	[tilespmem:$0x1E800] =	vst v63  }
.Ltmp3:
0xc7: {  	_ = 	snop;
	(pc) =	sbr.rel @p0 .LBB2_8-.Ltmp3, $4  }
0xc8: {  	s1 =	sadd.s32 $0x1480, s1  }
0xc9: {  	[spmem:s4] =	stream.indirect.scatter.add.f32 [tilespmem:s23], [sflag:$0x3], $0x80, s1, s21, $0xb8;
	[tilespmem:$0x1E800] =	vst v63  }
0xca: {  	_ =	swait.ge [sflag:s19], $0x4000  }
0xcb: {  	[sflag:s19] =	ssyncset.done $0x0  }
0xcc: {  	[sflag:s19] =	ssyncadd.s32 $0xFFFFC000  }
0xcd: {  	_ =	swait.ge [sflag:s22], $0x4000  }
0xce: {  	[sflag:s22] =	ssyncset.done $0x0  }
0xcf: {  	[sflag:s22] =	ssyncadd.s32 $0xFFFFC000  }
0xd0: {  	[tilespmem:s23], [sflag:$0x2] =	stream.indirect.gather [hbm4b:s2+s21], $0x80, s25, s21, $0xb8;
	[tilespmem:$0x1E800] =	vst v63  }
0xd1: {  	_ = 	snop  }
0xd2: {  	[spmem:s4] =	stream.indirect.scatter.add.f32 [tilespmem:s18], [sflag:$0x3], $0x80, s26, s21, $0xb8;
	[tilespmem:$0x1E800] =	vst v63  }
0xd3: {  	_ =	swait.ge [sflag:s19], $0x4000  }
0xd4: {  	[sflag:s19] =	ssyncset.done $0x0  }
0xd5: {  	[sflag:s19] =	ssyncadd.s32 $0xFFFFC000  }
0xd6: {  	_ =	swait.ge [sflag:s24], $0x4000  }
0xd7: {  	[sflag:s24] =	ssyncset.done $0x0  }
0xd8: {  	[sflag:s24] =	ssyncadd.s32 $0xFFFFC000  }
0xd9: {  	[tilespmem:s18], [sflag:$0x1] =	stream.indirect.gather [hbm4b:s2+s21], $0x80, s25, s21, $0xb8;
	[tilespmem:$0x1E800] =	vst v63  }
0xda: {  	_ = 	snop  }
0xdb: {  	[spmem:s4] =	stream.indirect.scatter.add.f32 [tilespmem:s23], [sflag:$0x3], $0x80, s28, s21, $0xb8;
	[tilespmem:$0x1E800] =	vst v63  }
0xdc: {  	_ =	swait.ge [sflag:s19], $0x4000  }
0xdd: {  	[sflag:s19] =	ssyncset.done $0x0  }
0xde: {  	[sflag:s19] =	ssyncadd.s32 $0xFFFFC000  }
0xdf: {  	_ =	swait.ge [sflag:s22], $0x4000  }
0xe0: {  	[sflag:s22] =	ssyncset.done $0x0  }
0xe1: {  	s29 =	sadd.s32 $0x1, s29;
	[sflag:s22] =	ssyncadd.s32 $0xFFFFC000  }
0xe2: {  	p0 =	sne.s32 s29, s16;
	[bflag:$0x0] =	sbarrier.arrive $0xFFFF  }
0xe3: {  	[hbm:s15], [sflag:s30] =	dma.local [spmem:s31], $0x2800  }
.Ltmp4:
0xe4: {  	_ =	swait.ge [sflag:s19], $0x2800;
	(pc) =	sbr.rel @p0 .LBB2_1-.Ltmp4, $3  }
0xe5: {  	[sflag:s19] =	ssyncset.done $0x0  }
0xe6: {  	[sflag:s19] =	ssyncadd.s32 $0xFFFFD800  }
0xe7: {  	[bflag:$0x0] =	sbarrier.arrive $0xFFFF;
	_ =	sdelay $0x1  }
0xe8: {  	_ =	sfence.sel $0x180000  }
0xe9: {  	[bflag:$0x0] =	sbarrier.arrive $0xFFFF  }
0xea: {  	_ =	strace $0x9000004D  }
0xeb: {  	s0 =	stileid.u32;
	[bflag:$0x2] =	sbarrier.arrive $0xFFFF  }
0xec: {  	p0 =	sne.s32 s0, $0x0;
	s0 =	rddreg [dreg:$0x4]  }
0xed: {  	s0 =	sadd.s32 @!p0 $0x100000, s0  }
0xee: {  	[sflag:s0] =	ssyncadd.tile.s32 @!p0 $0x1;
	_ =	shalt  }
.Lfunc_end2:
_tile_overlayer_lowered:
.L_overlay_start_2:
0xef: {  	(tag) =	ssettag $0x2  }
0xf0: {  	s0 =	rddreg [dreg:$0x0];
	s2 =	stileid.u32  }
0xf1: {  	s1 =	rddreg [dreg:$0x1];
	p0 =	sne.s32 s2, $0x0  }
0xf2: {  	s3 =	rddreg [dreg:$0x2];
	[bflag:$0x3] =	sbarrier.arrive $0xFFFF;
	s2 =	simm.s32 @!p0 $0x1C03  }
0xf3: {  	[timem:s3], [sflag:s2] =	dma.local @!p0 [hbm:s0], s1  }
0xf4: {  	s0 =	simm.s32 @!p0 $0x3  }
0xf5: {  	_ =	swait.ge @!p0 [sflag:s0], s1  }
0xf6: {  	s1 =	ssub.s32 @!p0 $0x0, s1;
	[sflag:s0] =	ssyncset.done @!p0 $0x0  }
0xf7: {  	[sflag:s0] =	ssyncadd.s32 @!p0 s1  }
0xf8: {  	[bflag:$0x3] =	sbarrier.arrive $0xFFFF  }
0xf9: {  	_ =	shalt  }

// kernel: kernel.8.cloned.1.call-start
scs
__scs_entry_jumppad:
0x0: {  	(pc) =	sbr.rel $0x88, $3  }
0x1: {  	(tag) =	ssettag $0x0;
	lr =	simm.s32 $0x1  }
0x2: {  	[smem:$0x3F98] =	sst lr;
	_ =	strace $0xD0000000  }
0x3: {  	_ = 	snop  }
0x4: {  	_ = 	snop  }
0x5: {  	_ = 	snop  }
0x6: {  	_ = 	snop  }
0x7: {  	_ = 	snop  }
__scs_overlays_trampoline_lowered:
0x8: {  	[smem:$0x3FA7] =	sst s0  }
0x9: {  	[smem:$0x3FA8] =	sst s1  }
0xa: {  	[smem:$0x3FA9] =	sst s2  }
0xb: {  	[smem:$0x3FAA] =	sst s3  }
0xc: {  	[smem:$0x3FAB] =	sst s4  }
0xd: {  	[smem:$0x3FAC] =	sst s5  }
0xe: {  	[smem:$0x3FAD] =	sst s6  }
0xf: {  	[smem:$0x3FAE] =	sst s7  }
0x10: {  	[smem:$0x3FAF] =	sst s8  }
0x11: {  	[smem:$0x3FB0] =	sst s9;
	s0 =	simm.s32 @!p0 $0x0  }
0x12: {  	s1 =	sld [smem:$0x3F96];
	s0 =	simm.s32 @p0 $0x1  }
0x13: {  	[smem:$0x3FB1] =	sst s0;
	s0 =	simm.s32 @!p1 $0x0  }
0x14: {  	s2 =	sld [smem:$0x3F95];
	s0 =	simm.s32 @p1 $0x1  }
0x15: {  	[smem:$0x3FB2] =	sst s0;
	s0 =	simm.s32 @!p2 $0x0  }
0x16: {  	s3 =	sld [smem:$0x3FDB];
	s0 =	simm.s32 @p2 $0x1  }
0x17: {  	s4 =	simm.s32 $0x1BF5;
	[smem:$0x3FB4] =	sst s0  }
0x18: {  	s0 =	sld [smem:$0x3F97];
	_ =	swait.ge [sflag:s4], $0x0  }
0x19: {  	s7 =	sld [smem:$0x3F98]  }
0x1a: {  	s8 =	sadd.s32 $0xFFFFE003, lr  }
0x1b: {  	s9 =	sadd.s32 $0xFFFFFEF7, lr;
	s5 =	simm.s32 $0xFFFFFFFF;
	p2 =	slt.u32 s8, $0xFFFFF086  }
0x1c: {  	p1 =	slt.u32 s9, $0xF7A;
	s5 =	simm.s32 @!p2 $0x0  }
0x1d: {  	s5 =	simm.s32 @p1 $0x1;
	p0 =	seq.s32 s7, s2  }
0x1e: {  	s7 =	smul.u32 @!p0 $0xF7A, s2;
	p2 =	seq.s32 @!p0 s5, $0x0  }
0x1f: {  	s9 =	smul.u32 $0xF7A, s1;
	s8 =	simm.s32 @!p0 $0x1BF5;
	p2 =	por !p2, p0  }
0x20: {  	[sflag:s8] =	ssyncset.s32 @!p0 $0xFFFFF086;
	s6 =	sadd.s32 @!p0 s3, s7;
	s7 =	simm.s32 @!p0 $0x108  }
0x21: {  	s3 =	sadd.s32 s3, s9;
	s6 =	sadd.s32 @!p0 $0x88, s6;
	s7 =	simm.s32 @p2 $0x1082  }
0x22: {  	[simem:s7], [sflag:s8] =	dma.local @!p0 [hbm:s6], $0xF7A  }
0x23: {  	s9 =	sor.u32 $0xD0000000, s2;
	s6 =	simm.s32 $0x108;
	_ =	swait.ge @!p0 [sflag:s8], $0x0  }
0x24: {  	s3 =	sadd.s32 $0x88, s3;
	s6 =	simm.s32 @!p1 $0x1082;
	[sflag:s4] =	ssyncset.s32 $0xFFFFF086  }
0x25: {  	[simem:s6], [sflag:s4] =	dma.local [hbm:s3], $0xF7A  }
0x26: {  	[smem:$0x3F98] =	sst s1;
	(tag) =	ssettag s2;
	_ =	strace s9  }
0x27: {  	s1 =	sld [smem:$0x3FA8]  }
0x28: {  	s2 =	sld [smem:$0x3FA9]  }
0x29: {  	s4 =	sld [smem:$0x3FAB]  }
0x2a: {  	p0 =	seq.s32 s5, $0x0;
	s5 =	sld [smem:$0x3FAC]  }
0x2b: {  	s6 =	sld [smem:$0x3FAD]  }
0x2c: {  	s7 =	sld [smem:$0x3FAE]  }
0x2d: {  	s3 =	simm.s32 $0x108;
	s8 =	sld [smem:$0x3FAF]  }
0x2e: {  	s3 =	simm.s32 @!p0 $0x1082;
	s9 =	sld [smem:$0x3FB0]  }
0x2f: {  	lr =	sadd.s32 s0, s3;
	s0 =	sld [smem:$0x3FA7]  }
0x30: {  	s3 =	sld [smem:$0x3FAA]  }
0x31: {  	[smem:$0x3FB3] =	sst s10  }
0x32: {  	s10 =	sld [smem:$0x3FB1];
	_ =	sdelay $0x3  }
0x33: {  	p0 =	seq.s32 s10, $0x1;
	s10 =	sld [smem:$0x3FB3];
	_ =	sdelay $0x3  }
0x34: {  	[smem:$0x3FB3] =	sst s10  }
0x35: {  	s10 =	sld [smem:$0x3FB2];
	_ =	sdelay $0x3  }
0x36: {  	p1 =	seq.s32 s10, $0x1;
	s10 =	sld [smem:$0x3FB3];
	_ =	sdelay $0x3  }
0x37: {  	[smem:$0x3FB3] =	sst s10  }
0x38: {  	s10 =	sld [smem:$0x3FB4]  }
0x39: {  	_ = 	snop;
	(pc) =	sbr.ind lr, $3  }
0x3a: {  	_ = 	snop  }
0x3b: {  	_ = 	snop  }
0x3c: {  	p2 =	seq.s32 s10, $0x1;
	s10 =	sld [smem:$0x3FB3]  }
0x3d: {  	_ =	shalt  }
0x3e: {  	_ =	shalt  }
0x3f: {  	_ =	shalt  }
0x40: {  	_ =	shalt  }
0x41: {  	_ =	shalt  }
0x42: {  	_ =	shalt  }
0x43: {  	_ =	shalt  }
0x44: {  	_ =	shalt  }
0x45: {  	_ =	shalt  }
0x46: {  	_ =	shalt  }
0x47: {  	_ =	shalt  }
0x48: {  	_ =	shalt  }
0x49: {  	_ =	shalt  }
0x4a: {  	_ =	shalt  }
0x4b: {  	_ =	shalt  }
0x4c: {  	_ =	shalt  }
0x4d: {  	_ =	shalt  }
0x4e: {  	_ =	shalt  }
0x4f: {  	_ =	shalt  }
0x50: {  	_ =	shalt  }
0x51: {  	_ =	shalt  }
0x52: {  	_ =	shalt  }
0x53: {  	_ =	shalt  }
0x54: {  	_ =	shalt  }
0x55: {  	_ =	shalt  }
0x56: {  	_ =	shalt  }
0x57: {  	_ =	shalt  }
0x58: {  	_ =	shalt  }
0x59: {  	_ =	shalt  }
0x5a: {  	_ =	shalt  }
0x5b: {  	_ =	shalt  }
0x5c: {  	_ =	shalt  }
0x5d: {  	_ =	shalt  }
0x5e: {  	_ =	shalt  }
0x5f: {  	_ =	shalt  }
0x60: {  	_ =	shalt  }
0x61: {  	_ =	shalt  }
0x62: {  	_ =	shalt  }
0x63: {  	_ =	shalt  }
0x64: {  	_ =	shalt  }
0x65: {  	_ =	shalt  }
0x66: {  	_ =	shalt  }
0x67: {  	_ =	shalt  }
0x68: {  	_ =	shalt  }
0x69: {  	_ =	shalt  }
0x6a: {  	_ =	shalt  }
0x6b: {  	_ =	shalt  }
0x6c: {  	_ =	shalt  }
0x6d: {  	_ =	shalt  }
0x6e: {  	_ =	shalt  }
0x6f: {  	_ =	shalt  }
0x70: {  	_ =	shalt  }
0x71: {  	_ =	shalt  }
0x72: {  	_ =	shalt  }
0x73: {  	_ =	shalt  }
0x74: {  	_ =	shalt  }
0x75: {  	_ =	shalt  }
0x76: {  	_ =	shalt  }
0x77: {  	_ =	shalt  }
0x78: {  	_ =	shalt  }
0x79: {  	_ =	shalt  }
0x7a: {  	_ =	shalt  }
0x7b: {  	_ =	shalt  }
0x7c: {  	_ =	shalt  }
0x7d: {  	_ =	shalt  }
0x7e: {  	_ =	shalt  }
0x7f: {  	_ =	shalt  }
0x80: {  	_ =	shalt  }
0x81: {  	_ =	shalt  }
0x82: {  	_ =	shalt  }
0x83: {  	_ =	shalt  }
0x84: {  	_ =	shalt  }
0x85: {  	_ =	shalt  }
0x86: {  	_ =	shalt  }
0x87: {  	_ =	shalt  }
.Lfunc_end0:
.L_simem_size_0:
called_computation_lowered:
.L_overlay_start_0:
0x88: {  	s2 =	sld [smem:$0x3FD9]  }
0x89: {  	s3 =	sld [smem:$0x3FFE];
	_ =	sdelay $0x1  }
0x8a: {  	s1 =	srdreg.scid  }
0x8b: {  	s0 =	sand.u32 $0x1, s1  }
0x8c: {  	s16 =	sshll.u32 s0, $0xA;
	s2 =	sadd.s32 s3, s2  }
0x8d: {  	s2 =	sadd.s32 s2, s16  }
0x8e: {  	[smem:$0x3FBF] =	sst s2  }
0x8f: {  	_ = 	snop  }
0x90: {  	(tm) =	ssettm $0x1  }
0x91: {  	s17 =	sld [smem:$0x3FFB];
	_ =	sdelay $0x3  }
0x92: {  	_ =	strace s17  }
0x93: {  	s2 =	sld [smem:$0x3FFC];
	_ =	sdelay $0x3  }
0x94: {  	_ =	strace s2  }
0x95: {  	s2 =	sld [smem:$0x3FFD];
	_ =	sdelay $0x3  }
0x96: {  	_ =	strace s2  }
0x97: {  	_ =	strace $0x8FFFFFFF  }
0x98: {  	s18 =	sld [smem:$0x3FDB];
	_ =	sdelay $0x1  }
0x99: {  	s19 =	simm.s32 $_scs_section_size  }
0x9a: {  	s4 =	simm.s32 $_size__tile_overlayer_lowered;
	s5 =	simm.s32 $_tile_overlayer_lowered  }
0x9b: {  	s22 =	simm.s32 $0x1BFF;
	s21 =	sshll.u32 s5, $0x1;
	s2 =	sadd.s32 s19, s18  }
0x9c: {  	s6 =	simm.s32 $0x0;
	s20 =	sshll.u32 s4, $0x1;
	s4 =	sadd.s32 s21, s2  }
0x9d: {  	[timem:s6], [sflag:s22] =	dma.local [hbm:s4], s20  }
0x9e: {  	_ =	swait.ge [sflag:s22], s20  }
0x9f: {  	s3 =	ssub.s32 $0x0, s20;
	[sflag:s22] =	ssyncset.done $0x0  }
0xa0: {  	[sflag:s22] =	ssyncadd.s32 s3;
	_ =	sdelay $0x1  }
0xa1: {  	s23 =	simm.s32 $0x1B8B  }
0xa2: {  	_ =	swait.ge [sflag:s23], $0x1  }
0xa3: {  	[sflag:s23] =	ssyncset.done $0x0  }
0xa4: {  	s25 =	simm.s32 $0x1B8E;
	s24 =	sld [smem:$0x3FFE];
	[sflag:s23] =	ssyncadd.s32 $0xFFFFFFFF  }
0xa5: {  	s26 =	simm.s32 $execute0_lowered;
	[smem:$0x3FD2] =	sst s25  }
0xa6: {  	s4 =	sshll.u32 s26, $0x1;
	_ =	strace $0x80000046;
	[dreg:$0x1] =	wrdreg $0xFFFFFFFF  }
0xa7: {  	s28 =	simm.s32 $_size_execute0_lowered;
	s2 =	sadd.s32 s2, s4;
	[dreg:$0x0] =	wrdreg $0x0  }
0xa8: {  	s4 =	sshll.u32 s28, $0x1;
	[dreg:$0x2] =	wrdreg s2  }
0xa9: {  	[dreg:$0x3] =	wrdreg s4  }
0xaa: {  	[dreg:$0x4] =	wrdreg $0xC0  }
0xab: {  	_ =	task [dreg:s6], $0x5FFFF  }
0xac: {  	[dreg:$0x1] =	wrdreg $0xFFFFFFFF  }
0xad: {  	[dreg:$0x0] =	wrdreg $0x60  }
0xae: {  	[dreg:$0x2] =	wrdreg s24  }
0xaf: {  	[dreg:$0x3] =	wrdreg $0x2B000  }
0xb0: {  	[dreg:$0x4] =	wrdreg $0x9  }
0xb1: {  	_ =	task.clear_ibuf [dreg:s6], $0x5FFFF;
	_ =	strace $0x90000046  }
0xb2: {  	s29 =	simm.s32 $0x9;
	_ =	strace $0x80000048  }
0xb3: {  	_ =	swait.ge [sflag:s29], $0x1  }
0xb4: {  	[sflag:s29] =	ssyncadd.s32 $0xFFFFFFFF  }
0xb5: {  	_ =	strace $0x90000048  }
0xb6: {  	_ =	sfence  }
0xb7: {  	s30 =	sld [smem:$0x0];
	_ =	sdelay $0x2  }
0xb8: {  	s31 =	sshll.u32 s1, $0xD;
	s1 =	sshrl.u32 s1, $0x2  }
0xb9: {  	s3 =	sand.u32 $0x4000, s31;
	s1 =	sadd.s32 s1, s30  }
0xba: {  	s0 =	sor.u32 s3, s0;
	s1 =	sshll.u32 s1, $0x11  }
0xbb: {  	s0 =	sor.u32 s1, s0  }
0xbc: {  	s0 =	sadd.s32 $0x8F2B, s0  }
0xbd: {  	[sflag:s0] =	ssyncadd.remote.s32 $0x1  }
0xbe: {  	_ =	sfence.sel $0xFFFF  }
0xbf: {  	[dreg:$0x0] =	wrdreg $0xFFFFFFFF;
	(pc) =	sbr.abs _section_cstart, $3  }
0xc0: {  	[dreg:$0x1] =	wrdreg $0xFFFFFFFF  }
0xc1: {  	_ =	task.clear_ibuf [dreg:s6], $0x2FFFF;
	_ =	strace $0x9FFFFFFF  }
0xc2: {  	(tm) =	ssettm $0x7FFFFFFF  }
0xc3: {  	_ =	shalt  }
tec
execute0_lowered:
.L_overlay_start_1:
0x0: {  	(tag) =	ssettag $0x1  }
0x1: {  	s6 =	rddreg [dreg:$0x0];
	s1 =	srdreg.scid  }
0x2: {  	s0 =	stileid.u32;
	s2 =	rddreg [dreg:$0x1]  }
0x3: {  	s3 =	simm.s32 $0x0;
	s11 =	simm.s32 $0x2000;
	s14 =	simm.s32 $0x20  }
0x4: {  	s15 =	simm.s32 $0x10;
	s4 =	sand.u32 $0x1, s1;
	s1 =	rddreg [dreg:$0x2]  }
0x5: {  	s16 =	simm.s32 $0x0;
	s7 =	smul.u32 $0x500, s0;
	[smem:$0x7FF] =	sst s3  }
0x6: {  	s9 =	smul.u32 $0xA00, s0;
	s12 =	sshll.u32 s0, $0x6;
	s5 =	sshll.u32 s4, $0x7  }
0x7: {  	_ =	strace $0x80000047;
	s8 =	ssub.s32 $0x2, s4;
	p0 =	seq.s32 s4, $0x1  }
0x8: {  	s12 =	sor.u32 $0x1C01, s12;
	s5 =	sor.u32 s5, s7;
	s10 =	sshrl.u32 s8, $0x1  }
0x9: {  	s30 =	sshrl.u32 s9, $0x2;
	s11 =	simm.s32 @!p0 $0x7000;
	s9 =	simm.s32 $0x1  }
0xa: {  	s5 =	sshrl.u32 s5, $0x3;
	s8 =	ssub.s32 s8, s10;
	s4 =	sadd.s32 s30, s2  }
0xb: {  	s31 =	sadd.s32 s11, s6;
	s10 =	simm.s32 $0x80;
	s11 =	simm.s32 $0x2800  }
0xc: {  	s5 =	sadd.s32 s5, s6;
	s6 =	smax.u32 s8, $0x1;
	s7 =	sadd.s32 s31, s7  }
0xd: {  	v0 =	vimm.f32 $1.000000000e+00;
	v1 =	vimm.f32 $0.0e+00;
	s8 =	simm.s32 $0x2880;
	s13 =	sshrl.u32 s4, $0x3;
	s5 =	sadd.s32 $0xC000, s5  }
.LBB2_1:
0xe: {  	[tilespmem:$0x2800] =	vst v0  }
0xf: {  	[tilespmem:$0x2810] =	vst v0  }
0x10: {  	[tilespmem:$0x2820] =	vst v0  }
0x11: {  	[tilespmem:$0x2830] =	vst v0  }
0x12: {  	[tilespmem:$0x2840] =	vst v0  }
0x13: {  	[tilespmem:$0x2850] =	vst v0  }
0x14: {  	[tilespmem:$0x2860] =	vst v0  }
0x15: {  	[tilespmem:$0x2870] =	vst v0  }
0x16: {  	[tilespmem:$0x2880] =	vst v1  }
0x17: {  	[tilespmem:$0x2890] =	vst v1  }
0x18: {  	[tilespmem:$0x28A0] =	vst v1  }
0x19: {  	[tilespmem:$0x28B0] =	vst v1  }
0x1a: {  	[tilespmem:$0x28C0] =	vst v1  }
0x1b: {  	[tilespmem:$0x28D0] =	vst v1  }
0x1c: {  	[tilespmem:$0x28E0] =	vst v1  }
0x1d: {  	[tilespmem:$0x28F0] =	vst v1  }
0x1e: {  	[tilespmem:$0x2900] =	vst v1  }
0x1f: {  	[tilespmem:$0x2910] =	vst v1  }
0x20: {  	[tilespmem:$0x2920] =	vst v1  }
0x21: {  	[tilespmem:$0x2930] =	vst v1  }
0x22: {  	[tilespmem:$0x2940] =	vst v1  }
0x23: {  	[tilespmem:$0x2950] =	vst v1  }
0x24: {  	[tilespmem:$0x2960] =	vst v1  }
0x25: {  	[tilespmem:$0x2970] =	vst v1  }
0x26: {  	[tilespmem:$0x2980] =	vst v1  }
0x27: {  	[tilespmem:$0x2990] =	vst v1  }
0x28: {  	[tilespmem:$0x29A0] =	vst v1  }
0x29: {  	[tilespmem:$0x29B0] =	vst v1  }
0x2a: {  	[tilespmem:$0x29C0] =	vst v1  }
0x2b: {  	[tilespmem:$0x29D0] =	vst v1  }
0x2c: {  	[tilespmem:$0x29E0] =	vst v1  }
0x2d: {  	[tilespmem:$0x29F0] =	vst v1  }
0x2e: {  	[tilespmem:$0x2A00] =	vst v1  }
0x2f: {  	[tilespmem:$0x2A10] =	vst v1  }
0x30: {  	[tilespmem:$0x2A20] =	vst v1  }
0x31: {  	[tilespmem:$0x2A30] =	vst v1  }
0x32: {  	[tilespmem:$0x2A40] =	vst v1  }
0x33: {  	[tilespmem:$0x2A50] =	vst v1  }
0x34: {  	[tilespmem:$0x2A60] =	vst v1  }
0x35: {  	[tilespmem:$0x2A70] =	vst v1  }
0x36: {  	[tilespmem:$0x2A80] =	vst v1  }
0x37: {  	[tilespmem:$0x2A90] =	vst v1  }
0x38: {  	[tilespmem:$0x2AA0] =	vst v1  }
0x39: {  	[tilespmem:$0x2AB0] =	vst v1  }
0x3a: {  	[tilespmem:$0x2AC0] =	vst v1  }
0x3b: {  	[tilespmem:$0x2AD0] =	vst v1  }
0x3c: {  	[tilespmem:$0x2AE0] =	vst v1  }
0x3d: {  	[tilespmem:$0x2AF0] =	vst v1  }
0x3e: {  	[spmem:s4] =	stream.linear.scatter [tilespmem:s8], [sflag:$0x1], $0x280, $0x38;
	[tilespmem:$0x2D80] =	vst v63  }
0x3f: {  	_ =	swait.ge [sflag:s9], $0x280  }
0x40: {  	[sflag:s9] =	ssyncset.done $0x0  }
0x41: {  	[sflag:s9] =	ssyncadd.s32 $0xFFFFFD80  }
0x42: {  	[tilespmem:s3], [sflag:$0x1] =	stream.linear.gather [hbm4b:s7+s3], $0x2800, $0x38;
	[tilespmem:$0x2D80] =	vst v63  }
0x43: {  	_ =	swait.ge [sflag:s9], $0x2800  }
0x44: {  	[sflag:s9] =	ssyncset.done $0x0  }
0x45: {  	[sflag:s9] =	ssyncadd.s32 $0xFFFFD800  }
0x46: {  	s17 =	simm.s32 $0x0;
	[bflag:$0x0] =	sbarrier.arrive $0xFFFF  }
0x47: {  	[spmem:s2] =	stream.indirect.scatter.add.f32 [tilespmem:s11], [sflag:$0x1], $0x1, s17, s10, $0xb8;
	[tilespmem:$0x2D80] =	vst v63  }
0x48: {  	_ =	swait.ge [sflag:s9], $0x80  }
0x49: {  	s17 =	simm.s32 $0x200;
	[sflag:s9] =	ssyncset.done $0x0  }
.LBB2_2:
0x4a: {  	s18 =	sshra.s32 s17, $0x2;
	[sflag:s9] =	ssyncadd.s32 $0xFFFFFF80;
	p0 =	sne.s32 s17, $0x9E00  }
0x4b: {  	[spmem:s2] =	stream.indirect.scatter.add.f32 [tilespmem:s11], [sflag:$0x1], $0x1, s18, s10, $0xb8;
	[tilespmem:$0x2D80] =	vst v63  }
.Ltmp0:
0x4c: {  	_ = 	snop;
	(pc) =	sbr.rel @p0 .LBB2_2-.Ltmp0, $4  }
0x4d: {  	_ = 	snop  }
0x4e: {  	s17 =	sadd.s32 $0x200, s17  }
0x4f: {  	_ =	swait.ge [sflag:s9], $0x80  }
0x50: {  	[sflag:s9] =	ssyncset.done $0x0  }
0x51: {  	s16 =	sadd.s32 $0x1, s16  }
0x52: {  	[sflag:s9] =	ssyncadd.s32 $0xFFFFFF80;
	p0 =	sne.s32 s16, s6  }
.Ltmp1:
0x53: {  	[bflag:$0x0] =	sbarrier.arrive $0xFFFF;
	(pc) =	sbr.rel @p0 .LBB2_1-.Ltmp1, $4  }
0x54: {  	[hbm:s5@s14], [sflag:s12] =	dma.strided [spmem:s13@s15], $0x50, s9, $0x10   }
0x55: {  	_ =	swait.ge [sflag:s9], $0x50  }
0x56: {  	[sflag:s9] =	ssyncset.done $0x0  }
0x57: {  	[sflag:s9] =	ssyncadd.s32 $0xFFFFFFB0  }
0x58: {  	_ =	sfence.sel $0x180000  }
0x59: {  	[bflag:$0x0] =	sbarrier.arrive $0xFFFF  }
0x5a: {  	p0 =	sne.s32 s0, $0x0;
	_ =	strace $0x90000047  }
0x5b: {  	s0 =	sadd.s32 @!p0 $0x100000, s1;
	[bflag:$0x2] =	sbarrier.arrive $0xFFFF  }
0x5c: {  	[sflag:s0] =	ssyncadd.tile.s32 @!p0 $0x1;
	_ =	shalt  }
.Lfunc_end2:
_tile_overlayer_lowered:
.L_overlay_start_2:
0x5d: {  	(tag) =	ssettag $0x2  }
0x5e: {  	s0 =	rddreg [dreg:$0x0];
	s2 =	stileid.u32  }
0x5f: {  	s1 =	rddreg [dreg:$0x1];
	p0 =	sne.s32 s2, $0x0  }
0x60: {  	s3 =	rddreg [dreg:$0x2];
	[bflag:$0x3] =	sbarrier.arrive $0xFFFF;
	s2 =	simm.s32 @!p0 $0x1C01  }
0x61: {  	[timem:s3], [sflag:s2] =	dma.local @!p0 [hbm:s0], s1  }
0x62: {  	s0 =	simm.s32 @!p0 $0x1  }
0x63: {  	_ =	swait.ge @!p0 [sflag:s0], s1  }
0x64: {  	s1 =	ssub.s32 @!p0 $0x0, s1;
	[sflag:s0] =	ssyncset.done @!p0 $0x0  }
0x65: {  	[sflag:s0] =	ssyncadd.s32 @!p0 s1  }
0x66: {  	[bflag:$0x3] =	sbarrier.arrive $0xFFFF  }
0x67: {  	_ =	shalt  }

</sc_bundles>
